<compile_context>
chip_gen: v7x
topology: tpu7x:2x2x1
jax: 0.10.2.dev20260603
libtpu: 0.0.44.dev20260713+nightly
codegen_flags: <defaults>
</compile_context>

<pallas_src>
import functools

import jax
import jax.numpy as jnp
from jax import lax
from jax.experimental import pallas as pl
from jax.experimental.pallas import tpu as pltpu
from jax.experimental.pallas import tpu_sc as plsc

NP = 10240
NW = 32
CHUNK = 80
EPW = 125 * CHUNK
EPAD = NW * EPW
ROWBLK = 512


def _make_agg(with_cnt=False):
    iters = EPW // CHUNK
    rpt = NP // 16

    mesh = plsc.VectorSubcoreMesh(core_axis_name="c", subcore_axis_name="s")
    out_type = [jax.ShapeDtypeStruct((2, NP, 128), jnp.float32)]
    scratch = [
        pltpu.VMEM((CHUNK,), jnp.int32),
        pltpu.VMEM((CHUNK,), jnp.int32),
        pltpu.VMEM((CHUNK, 128), jnp.float32),
        pltpu.VMEM_SHARED((NP, 128), jnp.float32),
        pltpu.SemaphoreType.DMA,
    ]
    if with_cnt:
        out_type.append(jax.ShapeDtypeStruct((2, NP, 128), jnp.float32))
        scratch.append(pltpu.VMEM((CHUNK, 128), jnp.float32))

    def body(*refs):
        if with_cnt:
            (y_hbm, src_hbm, dst_hbm, zf_hbm, ones_hbm,
             out_s, out_c, scur, dcur, rows, acc, sem, ones_v) = refs
        else:
            (y_hbm, src_hbm, dst_hbm, zf_hbm,
             out_s, scur, dcur, rows, acc, sem) = refs
        cid = lax.axis_index("c")
        sid = lax.axis_index("s")
        wid = sid * 2 + cid
        r0 = sid * rpt
        base0 = wid * EPW

        def zero_acc():
            pltpu.sync_copy(zf_hbm.at[pl.ds(r0, rpt)], acc.at[pl.ds(r0, rpt)])

        if with_cnt:
            zero_acc()
            pltpu.sync_copy(ones_hbm, ones_v)
            plsc.subcore_barrier()

            def cstep(k, carry):
                pltpu.sync_copy(dst_hbm.at[pl.ds(base0 + k * CHUNK, CHUNK)], dcur)
                pltpu.sync_copy(ones_v, acc.at[dcur], add=True)
                return carry

            lax.fori_loop(0, iters, cstep, 0)
            plsc.subcore_barrier()
            pltpu.sync_copy(acc.at[pl.ds(r0, rpt)],
                            out_c.at[cid, pl.ds(r0, rpt)])

        zero_acc()
        plsc.subcore_barrier()

        def step(k, carry):
            pltpu.sync_copy(src_hbm.at[pl.ds(base0 + k * CHUNK, CHUNK)], scur)
            pltpu.sync_copy(dst_hbm.at[pl.ds(base0 + k * CHUNK, CHUNK)], dcur)
            pltpu.async_copy(y_hbm.at[scur], rows, sem).wait()
            pltpu.sync_copy(rows, acc.at[dcur], add=True)
            return carry

        lax.fori_loop(0, iters, step, 0)
        plsc.subcore_barrier()
        pltpu.sync_copy(acc.at[pl.ds(r0, rpt)], out_s.at[cid, pl.ds(r0, rpt)])

    return pl.kernel(body, out_type=out_type, mesh=mesh, scratch_types=scratch)


def _lrelu(v):
    return jnp.where(v >= 0.0, v, 0.01 * v)


def _mm(a, b):
    return jnp.dot(a.astype(jnp.bfloat16), b.astype(jnp.bfloat16),
                   preferred_element_type=jnp.float32)


def _bs(shape, imap):
    return pl.BlockSpec(shape, imap)


_ROWMAP = lambda i: (i, 0)
_PARTMAP = lambda i: (0, i, 0)
_FIXMAP = lambda i: (0, 0)

_SP128 = _bs((2, ROWBLK, 128), _PARTMAP)
_SP16 = _bs((2, ROWBLK, 16), _PARTMAP)
_SPC = _bs((2, ROWBLK, 128), _PARTMAP)
_H = _bs((ROWBLK, 128), _ROWMAP)
_H16 = _bs((ROWBLK, 16), _ROWMAP)
_H64 = _bs((ROWBLK, 64), _ROWMAP)
_W128 = _bs((128, 128), _FIXMAP)
_W64 = _bs((128, 64), _FIXMAP)
_W64_128 = _bs((64, 128), _FIXMAP)
_W16 = _bs((128, 16), _FIXMAP)
_B128 = _bs((1, 128), _FIXMAP)
_B64 = _bs((1, 64), _FIXMAP)
_B16 = _bs((1, 16), _FIXMAP)

_GRID = (NP // ROWBLK,)


def _call(body, in_specs, out_specs, out_shapes):
    return pl.pallas_call(
        body,
        grid=_GRID,
        in_specs=in_specs,
        out_specs=out_specs,
        out_shape=out_shapes,
    )


def _l1_body(sp, cp, h, wl, bl, wr, o, dv):
    cnt = cp[0, :, 0:16] + cp[1, :, 0:16]
    dinv = 1.0 / jnp.maximum(cnt, 1.0)
    agg = (sp[0] + sp[1]) * dinv[:, 0:1]
    o[...] = jnp.tanh(_mm(agg, wl[...]) + bl[...] + _mm(h[...], wr[...]))
    dv[...] = dinv


def _mid_body(act, sp, dv, h, wl, bl, wr, o):
    agg = (sp[0] + sp[1]) * dv[:, 0:1]
    o[...] = act(_mm(agg, wl[...]) + bl[...] + _mm(h[...], wr[...]))


def _l3_body(sp, dv, h, wl, bl, wr, wt, bt, wd1, bd1, mu_o, o0_o):
    agg = (sp[0] + sp[1]) * dv[:, 0:1]
    h3 = jnp.tanh(_mm(agg, wl[...]) + bl[...] + _mm(h[...], wr[...]))
    mu = _mm(h3, wt[...]) + bt[...]
    mu_o[...] = mu
    o0_o[...] = _lrelu(_mm(mu, wd1[...]) + bd1[...])


def _l6_body(sp, dv, h, wl6, bl6, wr6, z_o):
    agg = (sp[0] + sp[1]) * dv[:, 0:1]
    z_o[...] = _mm(agg, wl6[...]) + bl6[...] + _mm(h[...], wr6[...])


def kernel(x, edge_index, Wl1, bl1, Wr1, Wl2, bl2, Wr2, Wl3, bl3, Wr3,
           Wt, bt, Wd1, bd1, Wl4, bl4, Wr4, Wl5, bl5, Wr5, Wl6, bl6, Wr6):
    n, d = x.shape
    n_edges = edge_index.shape[1]
    f32 = jnp.float32

    xp = jnp.zeros((NP, d), f32).at[:n].set(x)
    src2d = edge_index[0].astype(jnp.int32)
    dst2d = edge_index[1].astype(jnp.int32)
    z128 = jnp.zeros((NP, 128), f32)
    onesc = jnp.ones((CHUNK, 128), f32)
    bl1r, bl2r, bl3r = bl1.reshape(1, 128), bl2.reshape(1, 128), bl3.reshape(1, 128)
    bl4r, bl5r = bl4.reshape(1, 128), bl5.reshape(1, 128)
    btr, bd1r = bt.reshape(1, 64), bd1.reshape(1, 128)
    wl6p = jnp.zeros((128, 16), f32).at[:, :3].set(Wl6)
    wr6p = jnp.zeros((128, 16), f32).at[:, :3].set(Wr6)
    bl6p = jnp.zeros((1, 16), f32).at[0, :3].set(bl6)

    agg = _make_agg()

    s1p, c1p = _make_agg(with_cnt=True)(xp, src2d, dst2d, z128, onesc)
    h1, dv = _call(
        _l1_body,
        [_SP128, _SPC, _H, _W128, _B128, _W128],
        [_H, _H16],
        [jax.ShapeDtypeStruct((NP, 128), f32), jax.ShapeDtypeStruct((NP, 16), f32)],
    )(s1p, c1p, xp, Wl1, bl1r, Wr1)

    (s2p,) = agg(h1, src2d, dst2d, z128)
    h2 = _call(
        functools.partial(_mid_body, jnp.tanh),
        [_SP128, _H16, _H, _W128, _B128, _W128],
        _H,
        jax.ShapeDtypeStruct((NP, 128), f32),
    )(s2p, dv, h1, Wl2, bl2r, Wr2)

    (s3p,) = agg(h2, src2d, dst2d, z128)
    mu, o0 = _call(
        _l3_body,
        [_SP128, _H16, _H, _W128, _B128, _W128, _W64, _B64, _W64_128, _B128],
        [_H64, _H],
        [jax.ShapeDtypeStruct((NP, 64), f32), jax.ShapeDtypeStruct((NP, 128), f32)],
    )(s3p, dv, h2, Wl3, bl3r, Wr3, Wt, btr, Wd1, bd1r)

    (s4p,) = agg(o0, src2d, dst2d, z128)
    o1 = _call(
        functools.partial(_mid_body, _lrelu),
        [_SP128, _H16, _H, _W128, _B128, _W128],
        _H,
        jax.ShapeDtypeStruct((NP, 128), f32),
    )(s4p, dv, o0, Wl4, bl4r, Wr4)

    (s5p,) = agg(o1, src2d, dst2d, z128)
    o2 = _call(
        functools.partial(_mid_body, jnp.tanh),
        [_SP128, _H16, _H, _W128, _B128, _W128],
        _H,
        jax.ShapeDtypeStruct((NP, 128), f32),
    )(s5p, dv, o1, Wl5, bl5r, Wr5)

    (s6p,) = agg(o2, src2d, dst2d, z128)
    z2 = _call(
        _l6_body,
        [_SP128, _H16, _H, _W16, _B16, _W16],
        _H16,
        jax.ShapeDtypeStruct((NP, 16), f32),
    )(s6p, dv, o2, wl6p, bl6p, wr6p)

    mu_n = mu[:n]
    return (z2[:n, :2], z2[:n, 2], mu_n, mu_n)

# --- scband reference (transcript-rebuilt; emitter-appended) ---
"""Pipeline reference for scband-gcn-message-14611478741197 (READ-ONLY COPY).

The authoritative reference and input builder live on the scoring server;
editing this copy changes nothing except your own understanding.
"""

import jax, jax.numpy as jnp
import numpy as np

N = 10000
E = 320000
D = 128


def _lin(key, fan_in, fan_out, bias=True):
    k1, k2 = jax.random.split(key)
    bound = 1.0 / np.sqrt(fan_in)
    W = jax.random.uniform(k1, (fan_in, fan_out), minval=-bound, maxval=bound, dtype=jnp.float32)
    if bias:
        b = jax.random.uniform(k2, (fan_out,), minval=-bound, maxval=bound, dtype=jnp.float32)
        return W, b
    return W


def setup_inputs(seed: int = 0) -> dict:
    key = jax.random.key(seed)
    ks = jax.random.split(key, 20)
    x = jax.random.normal(ks[0], (N, D), dtype=jnp.float32)
    edge_index = jax.random.randint(ks[1], (2, E), 0, N)
    Wl1, bl1 = _lin(ks[2], 128, 128); Wr1 = _lin(ks[3], 128, 128, bias=False)
    Wl2, bl2 = _lin(ks[4], 128, 128); Wr2 = _lin(ks[5], 128, 128, bias=False)
    Wl3, bl3 = _lin(ks[6], 128, 128); Wr3 = _lin(ks[7], 128, 128, bias=False)
    Wt, bt = _lin(ks[8], 128, 64)
    Wd1, bd1 = _lin(ks[9], 64, 128)
    Wl4, bl4 = _lin(ks[10], 128, 128); Wr4 = _lin(ks[11], 128, 128, bias=False)
    Wl5, bl5 = _lin(ks[12], 128, 128); Wr5 = _lin(ks[13], 128, 128, bias=False)
    Wl6, bl6 = _lin(ks[14], 128, 3); Wr6 = _lin(ks[15], 128, 3, bias=False)
    return {"x": x, "edge_index": edge_index,
            "Wl1": Wl1, "bl1": bl1, "Wr1": Wr1,
            "Wl2": Wl2, "bl2": bl2, "Wr2": Wr2,
            "Wl3": Wl3, "bl3": bl3, "Wr3": Wr3,
            "Wt": Wt, "bt": bt, "Wd1": Wd1, "bd1": bd1,
            "Wl4": Wl4, "bl4": bl4, "Wr4": Wr4,
            "Wl5": Wl5, "bl5": bl5, "Wr5": Wr5,
            "Wl6": Wl6, "bl6": bl6, "Wr6": Wr6}


def _sage(x, src, dst, Wl, bl, Wr):
    # PyG SAGEConv (mean aggr): lin_l(mean_{j in N(i)} x_j) + lin_r(x_i)
    msgs = jnp.take(x, src, axis=0)
    s = jax.ops.segment_sum(msgs, dst, num_segments=N)
    cnt = jax.ops.segment_sum(jnp.ones((src.shape[0], 1), dtype=x.dtype), dst, num_segments=N)
    agg = s / jnp.clip(cnt, 1.0)
    return agg @ Wl + bl + x @ Wr


def reference(x, edge_index, Wl1, bl1, Wr1, Wl2, bl2, Wr2, Wl3, bl3, Wr3, Wt, bt, Wd1, bd1, Wl4, bl4, Wr4, Wl5, bl5, Wr5, Wl6, bl6, Wr6):
    src = edge_index[0]
    dst = edge_index[1]
    # encode (dropout = identity, eval semantics)
    h = jnp.tanh(_sage(x, src, dst, Wl1, bl1, Wr1))
    h = jnp.tanh(_sage(h, src, dst, Wl2, bl2, Wr2))
    h = jnp.tanh(_sage(h, src, dst, Wl3, bl3, Wr3))
    mu = h @ Wt + bt
    logvar = mu
    # reparametrize in eval mode -> z = mu
    z = mu
    # decode
    o = jax.nn.leaky_relu(z @ Wd1 + bd1)
    o = jax.nn.leaky_relu(_sage(o, src, dst, Wl4, bl4, Wr4))
    o = jnp.tanh(_sage(o, src, dst, Wl5, bl5, Wr5))
    z2 = _sage(o, src, dst, Wl6, bl6, Wr6)
    return (z2[:, :2], z2[:, 2], mu, logvar)

if __name__ == "__main__":
    import jax
    _d = setup_inputs()
    print(jax.jit(kernel)(*tuple(_d.values())))

</pallas_src>

<mosaic_0001>
#map = affine_map<(d0, d1) -> (0, 0)>
#map1 = affine_map<(d0, d1) -> (0)>
#map2 = affine_map<(d0, d1) -> (0, 0, 0)>
module attributes {stable_mosaic.version = 14 : i64} {
  func.func @body(%arg0: i32, %arg1: i32, %arg2: memref<10240x128xf32, #tpu.memory_space<hbm>>, %arg3: memref<320000xi32, #tpu.memory_space<hbm>>, %arg4: memref<320000xi32, #tpu.memory_space<hbm>>, %arg5: memref<10240x128xf32, #tpu.memory_space<hbm>>, %arg6: memref<80x128xf32, #tpu.memory_space<hbm>>, %arg7: memref<2x10240x128xf32, #tpu.memory_space<hbm>>, %arg8: memref<2x10240x128xf32, #tpu.memory_space<hbm>>, %arg9: memref<80xi32, #tpu.memory_space<vmem>>, %arg10: memref<80xi32, #tpu.memory_space<vmem>>, %arg11: memref<80x128xf32, #tpu.memory_space<vmem>>, %arg12: memref<10240x128xf32, #tpu.memory_space<vmem_shared>>, %arg13: memref<!tpu.dma_semaphore, #tpu.memory_space<semaphore_mem>>, %arg14: memref<80x128xf32, #tpu.memory_space<vmem>>) attributes {dimension_semantics = [#tpu.dimension_semantics<core_parallel>, #tpu.dimension_semantics<subcore_parallel>], iteration_bounds = array<i64: 2, 16>, scalar_prefetch = 0 : i64, scratch_operands = 6 : i64, tpu.core_type = #tpu.core_type<sc_vector_subcore>, window_params = [{transform_indices = #map}, {transform_indices = #map1}, {transform_indices = #map1}, {transform_indices = #map}, {transform_indices = #map}, {transform_indices = #map2}, {transform_indices = #map2}]} {
    %mul3A = arith.constant 2 : i32
    %mul3A_0 = arith.muli %arg1, %mul3A : i32
    %add3A = arith.addi %mul3A_0, %arg0 : i32
    %mul3A_1 = arith.constant 640 : i32
    %mul3A_2 = arith.muli %arg1, %mul3A_1 : i32
    %mul3A_3 = arith.constant 10000 : i32
    %mul3A_4 = arith.muli %add3A, %mul3A_3 : i32
    "tpu.region"() ({
      %run_scoped3A = tpu.sem_alloc : memref<!tpu.dma_semaphore, #tpu.memory_space<semaphore_mem>>
      %dma_start3A = arith.constant 0 : i32
      %dma_start3A_19 = tpu.memref_slice %arg12[%mul3A_2, %dma_start3A] : memref<10240x128xf32, #tpu.memory_space<vmem_shared>> -> memref<640x128xf32, #tpu.memory_space<vmem_shared>>
      %dma_start3A_20 = arith.constant 0 : i32
      %dma_start3A_21 = tpu.memref_slice %arg5[%mul3A_2, %dma_start3A_20] : memref<10240x128xf32, #tpu.memory_space<hbm>> -> memref<640x128xf32, #tpu.memory_space<hbm>>
      tpu.enqueue_dma source(%dma_start3A_21 : memref<640x128xf32, #tpu.memory_space<hbm>>) target(%dma_start3A_19 : memref<640x128xf32, #tpu.memory_space<vmem_shared>>) target_semaphore(%run_scoped3A : memref<!tpu.dma_semaphore, #tpu.memory_space<semaphore_mem>>)
      %dma_wait3A = arith.constant 0 : i32
      %dma_wait3A_22 = tpu.memref_slice %arg12[%mul3A_2, %dma_wait3A] : memref<10240x128xf32, #tpu.memory_space<vmem_shared>> -> memref<640x128xf32, #tpu.memory_space<vmem_shared>>
      %dma_wait3A_23 = arith.constant 0 : i32
      %dma_wait3A_24 = tpu.memref_slice %arg5[%mul3A_2, %dma_wait3A_23] : memref<10240x128xf32, #tpu.memory_space<hbm>> -> memref<640x128xf32, #tpu.memory_space<hbm>>
      tpu.wait_dma2 semaphore(%run_scoped3A : memref<!tpu.dma_semaphore, #tpu.memory_space<semaphore_mem>>) src(%dma_wait3A_24 : memref<640x128xf32, #tpu.memory_space<hbm>>) dst(%dma_wait3A_22 : memref<640x128xf32, #tpu.memory_space<vmem_shared>>)
      tpu.yield
    }) : () -> ()
    "tpu.region"() ({
      %run_scoped3A = tpu.sem_alloc : memref<!tpu.dma_semaphore, #tpu.memory_space<semaphore_mem>>
      tpu.enqueue_dma source(%arg6 : memref<80x128xf32, #tpu.memory_space<hbm>>) target(%arg14 : memref<80x128xf32, #tpu.memory_space<vmem>>) target_semaphore(%run_scoped3A : memref<!tpu.dma_semaphore, #tpu.memory_space<semaphore_mem>>)
      tpu.wait_dma2 semaphore(%run_scoped3A : memref<!tpu.dma_semaphore, #tpu.memory_space<semaphore_mem>>) src(%arg6 : memref<80x128xf32, #tpu.memory_space<hbm>>) dst(%arg14 : memref<80x128xf32, #tpu.memory_space<vmem>>)
      tpu.yield
    }) : () -> ()
    %barrier3A = arith.constant 0 : index
    tpu.barrier barrier_id(%barrier3A)
    %scan3A = arith.constant 0 : i32
    %scan3A_5 = arith.constant 0 : i32
    %scan3A_6 = arith.constant 125 : i32
    %scan3A_7 = arith.addi %scan3A_5, %scan3A_6 : i32
    %scan3A_8 = arith.constant 1 : i32
    scf.for %scan3A_19 = %scan3A_5 to %scan3A_7 step %scan3A_8  : i32 {
      %mul3A_20 = arith.constant 80 : i32
      %mul3A_21 = arith.muli %scan3A_19, %mul3A_20 : i32
      %add3A_22 = arith.addi %mul3A_4, %mul3A_21 : i32
      "tpu.region"() ({
        %run_scoped3A = tpu.sem_alloc : memref<!tpu.dma_semaphore, #tpu.memory_space<semaphore_mem>>
        %dma_start3A = tpu.memref_slice %arg4[%add3A_22] : memref<320000xi32, #tpu.memory_space<hbm>> -> memref<80xi32, #tpu.memory_space<hbm>>
        %dma_start3A_23 = tpu.memref_slice %arg4[%add3A_22] : memref<320000xi32, #tpu.memory_space<hbm>> -> memref<80xi32, #tpu.memory_space<hbm>>
        tpu.enqueue_dma source(%dma_start3A_23 : memref<80xi32, #tpu.memory_space<hbm>>) target(%arg10 : memref<80xi32, #tpu.memory_space<vmem>>) target_semaphore(%run_scoped3A : memref<!tpu.dma_semaphore, #tpu.memory_space<semaphore_mem>>)
        %dma_wait3A = tpu.memref_slice %arg4[%add3A_22] : memref<320000xi32, #tpu.memory_space<hbm>> -> memref<80xi32, #tpu.memory_space<hbm>>
        %dma_wait3A_24 = tpu.memref_slice %arg4[%add3A_22] : memref<320000xi32, #tpu.memory_space<hbm>> -> memref<80xi32, #tpu.memory_space<hbm>>
        tpu.wait_dma2 semaphore(%run_scoped3A : memref<!tpu.dma_semaphore, #tpu.memory_space<semaphore_mem>>) src(%dma_wait3A_24 : memref<80xi32, #tpu.memory_space<hbm>>) dst(%arg10 : memref<80xi32, #tpu.memory_space<vmem>>)
        tpu.yield
      }) : () -> ()
      "tpu.region"() ({
        %run_scoped3A = tpu.sem_alloc : memref<!tpu.dma_semaphore, #tpu.memory_space<semaphore_mem>>
        %dma_start3A = arith.constant 0 : i32
        %dma_start3A_23 = arith.constant 0 : i32
        %dma_start3A_24 = tpu.memref_slice %arg12[%dma_start3A, %dma_start3A_23] : memref<10240x128xf32, #tpu.memory_space<vmem_shared>> -> memref<10240x128xf32, #tpu.memory_space<vmem_shared>>
        tpu.enqueue_indirect_dma source(%arg14 : memref<80x128xf32, #tpu.memory_space<vmem>>) target(%dma_start3A_24 : memref<10240x128xf32, #tpu.memory_space<vmem_shared>>) offsets(%arg10 : memref<80xi32, #tpu.memory_space<vmem>>) semaphore(%run_scoped3A : memref<!tpu.dma_semaphore, #tpu.memory_space<semaphore_mem>>) {add = true}
        %dma_wait3A = arith.constant 0 : i32
        %dma_wait3A_25 = arith.constant 0 : i32
        %dma_wait3A_26 = tpu.memref_slice %arg12[%dma_wait3A, %dma_wait3A_25] : memref<10240x128xf32, #tpu.memory_space<vmem_shared>> -> memref<10240x128xf32, #tpu.memory_space<vmem_shared>>
        tpu.wait_indirect_dma semaphore(%run_scoped3A : memref<!tpu.dma_semaphore, #tpu.memory_space<semaphore_mem>>) src(%arg14 : memref<80x128xf32, #tpu.memory_space<vmem>>) dst(%dma_wait3A_26 : memref<10240x128xf32, #tpu.memory_space<vmem_shared>>)
        tpu.yield
      }) : () -> ()
    }
    %scan3A_9 = arith.constant 125 : i32
    %barrier3A_10 = arith.constant 0 : index
    tpu.barrier barrier_id(%barrier3A_10)
    "tpu.region"() ({
      %run_scoped3A = tpu.sem_alloc : memref<!tpu.dma_semaphore, #tpu.memory_space<semaphore_mem>>
      %dma_start3A = arith.constant 0 : i32
      %dma_start3A_19 = tpu.memref_slice %arg8[%arg0, %mul3A_2, %dma_start3A] : memref<2x10240x128xf32, #tpu.memory_space<hbm>> -> memref<1x640x128xf32, #tpu.memory_space<hbm>>
      %dma_start3A_20 = tpu.memref_squeeze %dma_start3A_19 : memref<1x640x128xf32, #tpu.memory_space<hbm>> -> memref<640x128xf32, #tpu.memory_space<hbm>>
      %dma_start3A_21 = arith.constant 0 : i32
      %dma_start3A_22 = tpu.memref_slice %arg12[%mul3A_2, %dma_start3A_21] : memref<10240x128xf32, #tpu.memory_space<vmem_shared>> -> memref<640x128xf32, #tpu.memory_space<vmem_shared>>
      tpu.enqueue_dma source(%dma_start3A_22 : memref<640x128xf32, #tpu.memory_space<vmem_shared>>) target(%dma_start3A_20 : memref<640x128xf32, #tpu.memory_space<hbm>>) target_semaphore(%run_scoped3A : memref<!tpu.dma_semaphore, #tpu.memory_space<semaphore_mem>>)
      %dma_wait3A = arith.constant 0 : i32
      %dma_wait3A_23 = tpu.memref_slice %arg8[%arg0, %mul3A_2, %dma_wait3A] : memref<2x10240x128xf32, #tpu.memory_space<hbm>> -> memref<1x640x128xf32, #tpu.memory_space<hbm>>
      %dma_wait3A_24 = tpu.memref_squeeze %dma_wait3A_23 : memref<1x640x128xf32, #tpu.memory_space<hbm>> -> memref<640x128xf32, #tpu.memory_space<hbm>>
      %dma_wait3A_25 = arith.constant 0 : i32
      %dma_wait3A_26 = tpu.memref_slice %arg12[%mul3A_2, %dma_wait3A_25] : memref<10240x128xf32, #tpu.memory_space<vmem_shared>> -> memref<640x128xf32, #tpu.memory_space<vmem_shared>>
      tpu.wait_dma2 semaphore(%run_scoped3A : memref<!tpu.dma_semaphore, #tpu.memory_space<semaphore_mem>>) src(%dma_wait3A_26 : memref<640x128xf32, #tpu.memory_space<vmem_shared>>) dst(%dma_wait3A_24 : memref<640x128xf32, #tpu.memory_space<hbm>>)
      tpu.yield
    }) : () -> ()
    "tpu.region"() ({
      %run_scoped3A = tpu.sem_alloc : memref<!tpu.dma_semaphore, #tpu.memory_space<semaphore_mem>>
      %dma_start3A = arith.constant 0 : i32
      %dma_start3A_19 = tpu.memref_slice %arg12[%mul3A_2, %dma_start3A] : memref<10240x128xf32, #tpu.memory_space<vmem_shared>> -> memref<640x128xf32, #tpu.memory_space<vmem_shared>>
      %dma_start3A_20 = arith.constant 0 : i32
      %dma_start3A_21 = tpu.memref_slice %arg5[%mul3A_2, %dma_start3A_20] : memref<10240x128xf32, #tpu.memory_space<hbm>> -> memref<640x128xf32, #tpu.memory_space<hbm>>
      tpu.enqueue_dma source(%dma_start3A_21 : memref<640x128xf32, #tpu.memory_space<hbm>>) target(%dma_start3A_19 : memref<640x128xf32, #tpu.memory_space<vmem_shared>>) target_semaphore(%run_scoped3A : memref<!tpu.dma_semaphore, #tpu.memory_space<semaphore_mem>>)
      %dma_wait3A = arith.constant 0 : i32
      %dma_wait3A_22 = tpu.memref_slice %arg12[%mul3A_2, %dma_wait3A] : memref<10240x128xf32, #tpu.memory_space<vmem_shared>> -> memref<640x128xf32, #tpu.memory_space<vmem_shared>>
      %dma_wait3A_23 = arith.constant 0 : i32
      %dma_wait3A_24 = tpu.memref_slice %arg5[%mul3A_2, %dma_wait3A_23] : memref<10240x128xf32, #tpu.memory_space<hbm>> -> memref<640x128xf32, #tpu.memory_space<hbm>>
      tpu.wait_dma2 semaphore(%run_scoped3A : memref<!tpu.dma_semaphore, #tpu.memory_space<semaphore_mem>>) src(%dma_wait3A_24 : memref<640x128xf32, #tpu.memory_space<hbm>>) dst(%dma_wait3A_22 : memref<640x128xf32, #tpu.memory_space<vmem_shared>>)
      tpu.yield
    }) : () -> ()
    %barrier3A_11 = arith.constant 0 : index
    tpu.barrier barrier_id(%barrier3A_11)
    %scan3A_12 = arith.constant 0 : i32
    %scan3A_13 = arith.constant 0 : i32
    %scan3A_14 = arith.constant 125 : i32
    %scan3A_15 = arith.addi %scan3A_13, %scan3A_14 : i32
    %scan3A_16 = arith.constant 1 : i32
    scf.for %scan3A_19 = %scan3A_13 to %scan3A_15 step %scan3A_16  : i32 {
      %mul3A_20 = arith.constant 80 : i32
      %mul3A_21 = arith.muli %scan3A_19, %mul3A_20 : i32
      %add3A_22 = arith.addi %mul3A_4, %mul3A_21 : i32
      "tpu.region"() ({
        %run_scoped3A = tpu.sem_alloc : memref<!tpu.dma_semaphore, #tpu.memory_space<semaphore_mem>>
        %dma_start3A_30 = tpu.memref_slice %arg3[%add3A_22] : memref<320000xi32, #tpu.memory_space<hbm>> -> memref<80xi32, #tpu.memory_space<hbm>>
        %dma_start3A_31 = tpu.memref_slice %arg3[%add3A_22] : memref<320000xi32, #tpu.memory_space<hbm>> -> memref<80xi32, #tpu.memory_space<hbm>>
        tpu.enqueue_dma source(%dma_start3A_31 : memref<80xi32, #tpu.memory_space<hbm>>) target(%arg9 : memref<80xi32, #tpu.memory_space<vmem>>) target_semaphore(%run_scoped3A : memref<!tpu.dma_semaphore, #tpu.memory_space<semaphore_mem>>)
        %dma_wait3A_32 = tpu.memref_slice %arg3[%add3A_22] : memref<320000xi32, #tpu.memory_space<hbm>> -> memref<80xi32, #tpu.memory_space<hbm>>
        %dma_wait3A_33 = tpu.memref_slice %arg3[%add3A_22] : memref<320000xi32, #tpu.memory_space<hbm>> -> memref<80xi32, #tpu.memory_space<hbm>>
        tpu.wait_dma2 semaphore(%run_scoped3A : memref<!tpu.dma_semaphore, #tpu.memory_space<semaphore_mem>>) src(%dma_wait3A_33 : memref<80xi32, #tpu.memory_space<hbm>>) dst(%arg9 : memref<80xi32, #tpu.memory_space<vmem>>)
        tpu.yield
      }) : () -> ()
      %mul3A_23 = arith.constant 80 : i32
      %mul3A_24 = arith.muli %scan3A_19, %mul3A_23 : i32
      %add3A_25 = arith.addi %mul3A_4, %mul3A_24 : i32
      "tpu.region"() ({
        %run_scoped3A = tpu.sem_alloc : memref<!tpu.dma_semaphore, #tpu.memory_space<semaphore_mem>>
        %dma_start3A_30 = tpu.memref_slice %arg4[%add3A_25] : memref<320000xi32, #tpu.memory_space<hbm>> -> memref<80xi32, #tpu.memory_space<hbm>>
        %dma_start3A_31 = tpu.memref_slice %arg4[%add3A_25] : memref<320000xi32, #tpu.memory_space<hbm>> -> memref<80xi32, #tpu.memory_space<hbm>>
        tpu.enqueue_dma source(%dma_start3A_31 : memref<80xi32, #tpu.memory_space<hbm>>) target(%arg10 : memref<80xi32, #tpu.memory_space<vmem>>) target_semaphore(%run_scoped3A : memref<!tpu.dma_semaphore, #tpu.memory_space<semaphore_mem>>)
        %dma_wait3A_32 = tpu.memref_slice %arg4[%add3A_25] : memref<320000xi32, #tpu.memory_space<hbm>> -> memref<80xi32, #tpu.memory_space<hbm>>
        %dma_wait3A_33 = tpu.memref_slice %arg4[%add3A_25] : memref<320000xi32, #tpu.memory_space<hbm>> -> memref<80xi32, #tpu.memory_space<hbm>>
        tpu.wait_dma2 semaphore(%run_scoped3A : memref<!tpu.dma_semaphore, #tpu.memory_space<semaphore_mem>>) src(%dma_wait3A_33 : memref<80xi32, #tpu.memory_space<hbm>>) dst(%arg10 : memref<80xi32, #tpu.memory_space<vmem>>)
        tpu.yield
      }) : () -> ()
      %dma_start3A = arith.constant 0 : i32
      %dma_start3A_26 = arith.constant 0 : i32
      %dma_start3A_27 = tpu.memref_slice %arg2[%dma_start3A, %dma_start3A_26] : memref<10240x128xf32, #tpu.memory_space<hbm>> -> memref<10240x128xf32, #tpu.memory_space<hbm>>
      tpu.enqueue_indirect_dma source(%dma_start3A_27 : memref<10240x128xf32, #tpu.memory_space<hbm>>) target(%arg11 : memref<80x128xf32, #tpu.memory_space<vmem>>) offsets(%arg9 : memref<80xi32, #tpu.memory_space<vmem>>) semaphore(%arg13 : memref<!tpu.dma_semaphore, #tpu.memory_space<semaphore_mem>>)
      %dma_wait3A = arith.constant 0 : i32
      %dma_wait3A_28 = arith.constant 0 : i32
      %dma_wait3A_29 = tpu.memref_slice %arg2[%dma_wait3A, %dma_wait3A_28] : memref<10240x128xf32, #tpu.memory_space<hbm>> -> memref<10240x128xf32, #tpu.memory_space<hbm>>
      tpu.wait_indirect_dma semaphore(%arg13 : memref<!tpu.dma_semaphore, #tpu.memory_space<semaphore_mem>>) src(%dma_wait3A_29 : memref<10240x128xf32, #tpu.memory_space<hbm>>) dst(%arg11 : memref<80x128xf32, #tpu.memory_space<vmem>>)
      "tpu.region"() ({
        %run_scoped3A = tpu.sem_alloc : memref<!tpu.dma_semaphore, #tpu.memory_space<semaphore_mem>>
        %dma_start3A_30 = arith.constant 0 : i32
        %dma_start3A_31 = arith.constant 0 : i32
        %dma_start3A_32 = tpu.memref_slice %arg12[%dma_start3A_30, %dma_start3A_31] : memref<10240x128xf32, #tpu.memory_space<vmem_shared>> -> memref<10240x128xf32, #tpu.memory_space<vmem_shared>>
        tpu.enqueue_indirect_dma source(%arg11 : memref<80x128xf32, #tpu.memory_space<vmem>>) target(%dma_start3A_32 : memref<10240x128xf32, #tpu.memory_space<vmem_shared>>) offsets(%arg10 : memref<80xi32, #tpu.memory_space<vmem>>) semaphore(%run_scoped3A : memref<!tpu.dma_semaphore, #tpu.memory_space<semaphore_mem>>) {add = true}
        %dma_wait3A_33 = arith.constant 0 : i32
        %dma_wait3A_34 = arith.constant 0 : i32
        %dma_wait3A_35 = tpu.memref_slice %arg12[%dma_wait3A_33, %dma_wait3A_34] : memref<10240x128xf32, #tpu.memory_space<vmem_shared>> -> memref<10240x128xf32, #tpu.memory_space<vmem_shared>>
        tpu.wait_indirect_dma semaphore(%run_scoped3A : memref<!tpu.dma_semaphore, #tpu.memory_space<semaphore_mem>>) src(%arg11 : memref<80x128xf32, #tpu.memory_space<vmem>>) dst(%dma_wait3A_35 : memref<10240x128xf32, #tpu.memory_space<vmem_shared>>)
        tpu.yield
      }) : () -> ()
    }
    %scan3A_17 = arith.constant 125 : i32
    %barrier3A_18 = arith.constant 0 : index
    tpu.barrier barrier_id(%barrier3A_18)
    "tpu.region"() ({
      %run_scoped3A = tpu.sem_alloc : memref<!tpu.dma_semaphore, #tpu.memory_space<semaphore_mem>>
      %dma_start3A = arith.constant 0 : i32
      %dma_start3A_19 = tpu.memref_slice %arg7[%arg0, %mul3A_2, %dma_start3A] : memref<2x10240x128xf32, #tpu.memory_space<hbm>> -> memref<1x640x128xf32, #tpu.memory_space<hbm>>
      %dma_start3A_20 = tpu.memref_squeeze %dma_start3A_19 : memref<1x640x128xf32, #tpu.memory_space<hbm>> -> memref<640x128xf32, #tpu.memory_space<hbm>>
      %dma_start3A_21 = arith.constant 0 : i32
      %dma_start3A_22 = tpu.memref_slice %arg12[%mul3A_2, %dma_start3A_21] : memref<10240x128xf32, #tpu.memory_space<vmem_shared>> -> memref<640x128xf32, #tpu.memory_space<vmem_shared>>
      tpu.enqueue_dma source(%dma_start3A_22 : memref<640x128xf32, #tpu.memory_space<vmem_shared>>) target(%dma_start3A_20 : memref<640x128xf32, #tpu.memory_space<hbm>>) target_semaphore(%run_scoped3A : memref<!tpu.dma_semaphore, #tpu.memory_space<semaphore_mem>>)
      %dma_wait3A = arith.constant 0 : i32
      %dma_wait3A_23 = tpu.memref_slice %arg7[%arg0, %mul3A_2, %dma_wait3A] : memref<2x10240x128xf32, #tpu.memory_space<hbm>> -> memref<1x640x128xf32, #tpu.memory_space<hbm>>
      %dma_wait3A_24 = tpu.memref_squeeze %dma_wait3A_23 : memref<1x640x128xf32, #tpu.memory_space<hbm>> -> memref<640x128xf32, #tpu.memory_space<hbm>>
      %dma_wait3A_25 = arith.constant 0 : i32
      %dma_wait3A_26 = tpu.memref_slice %arg12[%mul3A_2, %dma_wait3A_25] : memref<10240x128xf32, #tpu.memory_space<vmem_shared>> -> memref<640x128xf32, #tpu.memory_space<vmem_shared>>
      tpu.wait_dma2 semaphore(%run_scoped3A : memref<!tpu.dma_semaphore, #tpu.memory_space<semaphore_mem>>) src(%dma_wait3A_26 : memref<640x128xf32, #tpu.memory_space<vmem_shared>>) dst(%dma_wait3A_24 : memref<640x128xf32, #tpu.memory_space<hbm>>)
      tpu.yield
    }) : () -> ()
    return
  }
}

#map = affine_map<(d0, d1) -> (0, 0)>
#map1 = affine_map<(d0, d1) -> (0)>
#map2 = affine_map<(d0, d1) -> (0, 0, 0)>
module attributes {stable_mosaic.version = 14 : i64} {
  func.func @body(%arg0: i32, %arg1: i32, %arg2: memref<10240x128xf32, #tpu.memory_space<hbm>>, %arg3: memref<320000xi32, #tpu.memory_space<hbm>>, %arg4: memref<320000xi32, #tpu.memory_space<hbm>>, %arg5: memref<10240x128xf32, #tpu.memory_space<hbm>>, %arg6: memref<2x10240x128xf32, #tpu.memory_space<hbm>>, %arg7: memref<80xi32, #tpu.memory_space<vmem>>, %arg8: memref<80xi32, #tpu.memory_space<vmem>>, %arg9: memref<80x128xf32, #tpu.memory_space<vmem>>, %arg10: memref<10240x128xf32, #tpu.memory_space<vmem_shared>>, %arg11: memref<!tpu.dma_semaphore, #tpu.memory_space<semaphore_mem>>) attributes {dimension_semantics = [#tpu.dimension_semantics<core_parallel>, #tpu.dimension_semantics<subcore_parallel>], iteration_bounds = array<i64: 2, 16>, scalar_prefetch = 0 : i64, scratch_operands = 5 : i64, tpu.core_type = #tpu.core_type<sc_vector_subcore>, window_params = [{transform_indices = #map}, {transform_indices = #map1}, {transform_indices = #map1}, {transform_indices = #map}, {transform_indices = #map2}]} {
    %mul3A = arith.constant 2 : i32
    %mul3A_0 = arith.muli %arg1, %mul3A : i32
    %add3A = arith.addi %mul3A_0, %arg0 : i32
    %mul3A_1 = arith.constant 640 : i32
    %mul3A_2 = arith.muli %arg1, %mul3A_1 : i32
    %mul3A_3 = arith.constant 10000 : i32
    %mul3A_4 = arith.muli %add3A, %mul3A_3 : i32
    "tpu.region"() ({
      %run_scoped3A = tpu.sem_alloc : memref<!tpu.dma_semaphore, #tpu.memory_space<semaphore_mem>>
      %dma_start3A = arith.constant 0 : i32
      %dma_start3A_11 = tpu.memref_slice %arg10[%mul3A_2, %dma_start3A] : memref<10240x128xf32, #tpu.memory_space<vmem_shared>> -> memref<640x128xf32, #tpu.memory_space<vmem_shared>>
      %dma_start3A_12 = arith.constant 0 : i32
      %dma_start3A_13 = tpu.memref_slice %arg5[%mul3A_2, %dma_start3A_12] : memref<10240x128xf32, #tpu.memory_space<hbm>> -> memref<640x128xf32, #tpu.memory_space<hbm>>
      tpu.enqueue_dma source(%dma_start3A_13 : memref<640x128xf32, #tpu.memory_space<hbm>>) target(%dma_start3A_11 : memref<640x128xf32, #tpu.memory_space<vmem_shared>>) target_semaphore(%run_scoped3A : memref<!tpu.dma_semaphore, #tpu.memory_space<semaphore_mem>>)
      %dma_wait3A = arith.constant 0 : i32
      %dma_wait3A_14 = tpu.memref_slice %arg10[%mul3A_2, %dma_wait3A] : memref<10240x128xf32, #tpu.memory_space<vmem_shared>> -> memref<640x128xf32, #tpu.memory_space<vmem_shared>>
      %dma_wait3A_15 = arith.constant 0 : i32
      %dma_wait3A_16 = tpu.memref_slice %arg5[%mul3A_2, %dma_wait3A_15] : memref<10240x128xf32, #tpu.memory_space<hbm>> -> memref<640x128xf32, #tpu.memory_space<hbm>>
      tpu.wait_dma2 semaphore(%run_scoped3A : memref<!tpu.dma_semaphore, #tpu.memory_space<semaphore_mem>>) src(%dma_wait3A_16 : memref<640x128xf32, #tpu.memory_space<hbm>>) dst(%dma_wait3A_14 : memref<640x128xf32, #tpu.memory_space<vmem_shared>>)
      tpu.yield
    }) : () -> ()
    %barrier3A = arith.constant 0 : index
    tpu.barrier barrier_id(%barrier3A)
    %scan3A = arith.constant 0 : i32
    %scan3A_5 = arith.constant 0 : i32
    %scan3A_6 = arith.constant 125 : i32
    %scan3A_7 = arith.addi %scan3A_5, %scan3A_6 : i32
    %scan3A_8 = arith.constant 1 : i32
    scf.for %scan3A_11 = %scan3A_5 to %scan3A_7 step %scan3A_8  : i32 {
      %mul3A_12 = arith.constant 80 : i32
      %mul3A_13 = arith.muli %scan3A_11, %mul3A_12 : i32
      %add3A_14 = arith.addi %mul3A_4, %mul3A_13 : i32
      "tpu.region"() ({
        %run_scoped3A = tpu.sem_alloc : memref<!tpu.dma_semaphore, #tpu.memory_space<semaphore_mem>>
        %dma_start3A_22 = tpu.memref_slice %arg3[%add3A_14] : memref<320000xi32, #tpu.memory_space<hbm>> -> memref<80xi32, #tpu.memory_space<hbm>>
        %dma_start3A_23 = tpu.memref_slice %arg3[%add3A_14] : memref<320000xi32, #tpu.memory_space<hbm>> -> memref<80xi32, #tpu.memory_space<hbm>>
        tpu.enqueue_dma source(%dma_start3A_23 : memref<80xi32, #tpu.memory_space<hbm>>) target(%arg7 : memref<80xi32, #tpu.memory_space<vmem>>) target_semaphore(%run_scoped3A : memref<!tpu.dma_semaphore, #tpu.memory_space<semaphore_mem>>)
        %dma_wait3A_24 = tpu.memref_slice %arg3[%add3A_14] : memref<320000xi32, #tpu.memory_space<hbm>> -> memref<80xi32, #tpu.memory_space<hbm>>
        %dma_wait3A_25 = tpu.memref_slice %arg3[%add3A_14] : memref<320000xi32, #tpu.memory_space<hbm>> -> memref<80xi32, #tpu.memory_space<hbm>>
        tpu.wait_dma2 semaphore(%run_scoped3A : memref<!tpu.dma_semaphore, #tpu.memory_space<semaphore_mem>>) src(%dma_wait3A_25 : memref<80xi32, #tpu.memory_space<hbm>>) dst(%arg7 : memref<80xi32, #tpu.memory_space<vmem>>)
        tpu.yield
      }) : () -> ()
      %mul3A_15 = arith.constant 80 : i32
      %mul3A_16 = arith.muli %scan3A_11, %mul3A_15 : i32
      %add3A_17 = arith.addi %mul3A_4, %mul3A_16 : i32
      "tpu.region"() ({
        %run_scoped3A = tpu.sem_alloc : memref<!tpu.dma_semaphore, #tpu.memory_space<semaphore_mem>>
        %dma_start3A_22 = tpu.memref_slice %arg4[%add3A_17] : memref<320000xi32, #tpu.memory_space<hbm>> -> memref<80xi32, #tpu.memory_space<hbm>>
        %dma_start3A_23 = tpu.memref_slice %arg4[%add3A_17] : memref<320000xi32, #tpu.memory_space<hbm>> -> memref<80xi32, #tpu.memory_space<hbm>>
        tpu.enqueue_dma source(%dma_start3A_23 : memref<80xi32, #tpu.memory_space<hbm>>) target(%arg8 : memref<80xi32, #tpu.memory_space<vmem>>) target_semaphore(%run_scoped3A : memref<!tpu.dma_semaphore, #tpu.memory_space<semaphore_mem>>)
        %dma_wait3A_24 = tpu.memref_slice %arg4[%add3A_17] : memref<320000xi32, #tpu.memory_space<hbm>> -> memref<80xi32, #tpu.memory_space<hbm>>
        %dma_wait3A_25 = tpu.memref_slice %arg4[%add3A_17] : memref<320000xi32, #tpu.memory_space<hbm>> -> memref<80xi32, #tpu.memory_space<hbm>>
        tpu.wait_dma2 semaphore(%run_scoped3A : memref<!tpu.dma_semaphore, #tpu.memory_space<semaphore_mem>>) src(%dma_wait3A_25 : memref<80xi32, #tpu.memory_space<hbm>>) dst(%arg8 : memref<80xi32, #tpu.memory_space<vmem>>)
        tpu.yield
      }) : () -> ()
      %dma_start3A = arith.constant 0 : i32
      %dma_start3A_18 = arith.constant 0 : i32
      %dma_start3A_19 = tpu.memref_slice %arg2[%dma_start3A, %dma_start3A_18] : memref<10240x128xf32, #tpu.memory_space<hbm>> -> memref<10240x128xf32, #tpu.memory_space<hbm>>
      tpu.enqueue_indirect_dma source(%dma_start3A_19 : memref<10240x128xf32, #tpu.memory_space<hbm>>) target(%arg9 : memref<80x128xf32, #tpu.memory_space<vmem>>) offsets(%arg7 : memref<80xi32, #tpu.memory_space<vmem>>) semaphore(%arg11 : memref<!tpu.dma_semaphore, #tpu.memory_space<semaphore_mem>>)
      %dma_wait3A = arith.constant 0 : i32
      %dma_wait3A_20 = arith.constant 0 : i32
      %dma_wait3A_21 = tpu.memref_slice %arg2[%dma_wait3A, %dma_wait3A_20] : memref<10240x128xf32, #tpu.memory_space<hbm>> -> memref<10240x128xf32, #tpu.memory_space<hbm>>
      tpu.wait_indirect_dma semaphore(%arg11 : memref<!tpu.dma_semaphore, #tpu.memory_space<semaphore_mem>>) src(%dma_wait3A_21 : memref<10240x128xf32, #tpu.memory_space<hbm>>) dst(%arg9 : memref<80x128xf32, #tpu.memory_space<vmem>>)
      "tpu.region"() ({
        %run_scoped3A = tpu.sem_alloc : memref<!tpu.dma_semaphore, #tpu.memory_space<semaphore_mem>>
        %dma_start3A_22 = arith.constant 0 : i32
        %dma_start3A_23 = arith.constant 0 : i32
        %dma_start3A_24 = tpu.memref_slice %arg10[%dma_start3A_22, %dma_start3A_23] : memref<10240x128xf32, #tpu.memory_space<vmem_shared>> -> memref<10240x128xf32, #tpu.memory_space<vmem_shared>>
        tpu.enqueue_indirect_dma source(%arg9 : memref<80x128xf32, #tpu.memory_space<vmem>>) target(%dma_start3A_24 : memref<10240x128xf32, #tpu.memory_space<vmem_shared>>) offsets(%arg8 : memref<80xi32, #tpu.memory_space<vmem>>) semaphore(%run_scoped3A : memref<!tpu.dma_semaphore, #tpu.memory_space<semaphore_mem>>) {add = true}
        %dma_wait3A_25 = arith.constant 0 : i32
        %dma_wait3A_26 = arith.constant 0 : i32
        %dma_wait3A_27 = tpu.memref_slice %arg10[%dma_wait3A_25, %dma_wait3A_26] : memref<10240x128xf32, #tpu.memory_space<vmem_shared>> -> memref<10240x128xf32, #tpu.memory_space<vmem_shared>>
        tpu.wait_indirect_dma semaphore(%run_scoped3A : memref<!tpu.dma_semaphore, #tpu.memory_space<semaphore_mem>>) src(%arg9 : memref<80x128xf32, #tpu.memory_space<vmem>>) dst(%dma_wait3A_27 : memref<10240x128xf32, #tpu.memory_space<vmem_shared>>)
        tpu.yield
      }) : () -> ()
    }
    %scan3A_9 = arith.constant 125 : i32
    %barrier3A_10 = arith.constant 0 : index
    tpu.barrier barrier_id(%barrier3A_10)
    "tpu.region"() ({
      %run_scoped3A = tpu.sem_alloc : memref<!tpu.dma_semaphore, #tpu.memory_space<semaphore_mem>>
      %dma_start3A = arith.constant 0 : i32
      %dma_start3A_11 = tpu.memref_slice %arg6[%arg0, %mul3A_2, %dma_start3A] : memref<2x10240x128xf32, #tpu.memory_space<hbm>> -> memref<1x640x128xf32, #tpu.memory_space<hbm>>
      %dma_start3A_12 = tpu.memref_squeeze %dma_start3A_11 : memref<1x640x128xf32, #tpu.memory_space<hbm>> -> memref<640x128xf32, #tpu.memory_space<hbm>>
      %dma_start3A_13 = arith.constant 0 : i32
      %dma_start3A_14 = tpu.memref_slice %arg10[%mul3A_2, %dma_start3A_13] : memref<10240x128xf32, #tpu.memory_space<vmem_shared>> -> memref<640x128xf32, #tpu.memory_space<vmem_shared>>
      tpu.enqueue_dma source(%dma_start3A_14 : memref<640x128xf32, #tpu.memory_space<vmem_shared>>) target(%dma_start3A_12 : memref<640x128xf32, #tpu.memory_space<hbm>>) target_semaphore(%run_scoped3A : memref<!tpu.dma_semaphore, #tpu.memory_space<semaphore_mem>>)
      %dma_wait3A = arith.constant 0 : i32
      %dma_wait3A_15 = tpu.memref_slice %arg6[%arg0, %mul3A_2, %dma_wait3A] : memref<2x10240x128xf32, #tpu.memory_space<hbm>> -> memref<1x640x128xf32, #tpu.memory_space<hbm>>
      %dma_wait3A_16 = tpu.memref_squeeze %dma_wait3A_15 : memref<1x640x128xf32, #tpu.memory_space<hbm>> -> memref<640x128xf32, #tpu.memory_space<hbm>>
      %dma_wait3A_17 = arith.constant 0 : i32
      %dma_wait3A_18 = tpu.memref_slice %arg10[%mul3A_2, %dma_wait3A_17] : memref<10240x128xf32, #tpu.memory_space<vmem_shared>> -> memref<640x128xf32, #tpu.memory_space<vmem_shared>>
      tpu.wait_dma2 semaphore(%run_scoped3A : memref<!tpu.dma_semaphore, #tpu.memory_space<semaphore_mem>>) src(%dma_wait3A_18 : memref<640x128xf32, #tpu.memory_space<vmem_shared>>) dst(%dma_wait3A_16 : memref<640x128xf32, #tpu.memory_space<hbm>>)
      tpu.yield
    }) : () -> ()
    return
  }
}

#map = affine_map<(d0, d1) -> (0, 0)>
#map1 = affine_map<(d0, d1) -> (0)>
#map2 = affine_map<(d0, d1) -> (0, 0, 0)>
module attributes {stable_mosaic.version = 14 : i64} {
  func.func @body(%arg0: i32, %arg1: i32, %arg2: memref<10240x128xf32, #tpu.memory_space<hbm>>, %arg3: memref<320000xi32, #tpu.memory_space<hbm>>, %arg4: memref<320000xi32, #tpu.memory_space<hbm>>, %arg5: memref<10240x128xf32, #tpu.memory_space<hbm>>, %arg6: memref<2x10240x128xf32, #tpu.memory_space<hbm>>, %arg7: memref<80xi32, #tpu.memory_space<vmem>>, %arg8: memref<80xi32, #tpu.memory_space<vmem>>, %arg9: memref<80x128xf32, #tpu.memory_space<vmem>>, %arg10: memref<10240x128xf32, #tpu.memory_space<vmem_shared>>, %arg11: memref<!tpu.dma_semaphore, #tpu.memory_space<semaphore_mem>>) attributes {dimension_semantics = [#tpu.dimension_semantics<core_parallel>, #tpu.dimension_semantics<subcore_parallel>], iteration_bounds = array<i64: 2, 16>, scalar_prefetch = 0 : i64, scratch_operands = 5 : i64, tpu.core_type = #tpu.core_type<sc_vector_subcore>, window_params = [{transform_indices = #map}, {transform_indices = #map1}, {transform_indices = #map1}, {transform_indices = #map}, {transform_indices = #map2}]} {
    %mul3A = arith.constant 2 : i32
    %mul3A_0 = arith.muli %arg1, %mul3A : i32
    %add3A = arith.addi %mul3A_0, %arg0 : i32
    %mul3A_1 = arith.constant 640 : i32
    %mul3A_2 = arith.muli %arg1, %mul3A_1 : i32
    %mul3A_3 = arith.constant 10000 : i32
    %mul3A_4 = arith.muli %add3A, %mul3A_3 : i32
    "tpu.region"() ({
      %run_scoped3A = tpu.sem_alloc : memref<!tpu.dma_semaphore, #tpu.memory_space<semaphore_mem>>
      %dma_start3A = arith.constant 0 : i32
      %dma_start3A_11 = tpu.memref_slice %arg10[%mul3A_2, %dma_start3A] : memref<10240x128xf32, #tpu.memory_space<vmem_shared>> -> memref<640x128xf32, #tpu.memory_space<vmem_shared>>
      %dma_start3A_12 = arith.constant 0 : i32
      %dma_start3A_13 = tpu.memref_slice %arg5[%mul3A_2, %dma_start3A_12] : memref<10240x128xf32, #tpu.memory_space<hbm>> -> memref<640x128xf32, #tpu.memory_space<hbm>>
      tpu.enqueue_dma source(%dma_start3A_13 : memref<640x128xf32, #tpu.memory_space<hbm>>) target(%dma_start3A_11 : memref<640x128xf32, #tpu.memory_space<vmem_shared>>) target_semaphore(%run_scoped3A : memref<!tpu.dma_semaphore, #tpu.memory_space<semaphore_mem>>)
      %dma_wait3A = arith.constant 0 : i32
      %dma_wait3A_14 = tpu.memref_slice %arg10[%mul3A_2, %dma_wait3A] : memref<10240x128xf32, #tpu.memory_space<vmem_shared>> -> memref<640x128xf32, #tpu.memory_space<vmem_shared>>
      %dma_wait3A_15 = arith.constant 0 : i32
      %dma_wait3A_16 = tpu.memref_slice %arg5[%mul3A_2, %dma_wait3A_15] : memref<10240x128xf32, #tpu.memory_space<hbm>> -> memref<640x128xf32, #tpu.memory_space<hbm>>
      tpu.wait_dma2 semaphore(%run_scoped3A : memref<!tpu.dma_semaphore, #tpu.memory_space<semaphore_mem>>) src(%dma_wait3A_16 : memref<640x128xf32, #tpu.memory_space<hbm>>) dst(%dma_wait3A_14 : memref<640x128xf32, #tpu.memory_space<vmem_shared>>)
      tpu.yield
    }) : () -> ()
    %barrier3A = arith.constant 0 : index
    tpu.barrier barrier_id(%barrier3A)
    %scan3A = arith.constant 0 : i32
    %scan3A_5 = arith.constant 0 : i32
    %scan3A_6 = arith.constant 125 : i32
    %scan3A_7 = arith.addi %scan3A_5, %scan3A_6 : i32
    %scan3A_8 = arith.constant 1 : i32
    scf.for %scan3A_11 = %scan3A_5 to %scan3A_7 step %scan3A_8  : i32 {
      %mul3A_12 = arith.constant 80 : i32
      %mul3A_13 = arith.muli %scan3A_11, %mul3A_12 : i32
      %add3A_14 = arith.addi %mul3A_4, %mul3A_13 : i32
      "tpu.region"() ({
        %run_scoped3A = tpu.sem_alloc : memref<!tpu.dma_semaphore, #tpu.memory_space<semaphore_mem>>
        %dma_start3A_22 = tpu.memref_slice %arg3[%add3A_14] : memref<320000xi32, #tpu.memory_space<hbm>> -> memref<80xi32, #tpu.memory_space<hbm>>
        %dma_start3A_23 = tpu.memref_slice %arg3[%add3A_14] : memref<320000xi32, #tpu.memory_space<hbm>> -> memref<80xi32, #tpu.memory_space<hbm>>
        tpu.enqueue_dma source(%dma_start3A_23 : memref<80xi32, #tpu.memory_space<hbm>>) target(%arg7 : memref<80xi32, #tpu.memory_space<vmem>>) target_semaphore(%run_scoped3A : memref<!tpu.dma_semaphore, #tpu.memory_space<semaphore_mem>>)
        %dma_wait3A_24 = tpu.memref_slice %arg3[%add3A_14] : memref<320000xi32, #tpu.memory_space<hbm>> -> memref<80xi32, #tpu.memory_space<hbm>>
        %dma_wait3A_25 = tpu.memref_slice %arg3[%add3A_14] : memref<320000xi32, #tpu.memory_space<hbm>> -> memref<80xi32, #tpu.memory_space<hbm>>
        tpu.wait_dma2 semaphore(%run_scoped3A : memref<!tpu.dma_semaphore, #tpu.memory_space<semaphore_mem>>) src(%dma_wait3A_25 : memref<80xi32, #tpu.memory_space<hbm>>) dst(%arg7 : memref<80xi32, #tpu.memory_space<vmem>>)
        tpu.yield
      }) : () -> ()
      %mul3A_15 = arith.constant 80 : i32
      %mul3A_16 = arith.muli %scan3A_11, %mul3A_15 : i32
      %add3A_17 = arith.addi %mul3A_4, %mul3A_16 : i32
      "tpu.region"() ({
        %run_scoped3A = tpu.sem_alloc : memref<!tpu.dma_semaphore, #tpu.memory_space<semaphore_mem>>
        %dma_start3A_22 = tpu.memref_slice %arg4[%add3A_17] : memref<320000xi32, #tpu.memory_space<hbm>> -> memref<80xi32, #tpu.memory_space<hbm>>
        %dma_start3A_23 = tpu.memref_slice %arg4[%add3A_17] : memref<320000xi32, #tpu.memory_space<hbm>> -> memref<80xi32, #tpu.memory_space<hbm>>
        tpu.enqueue_dma source(%dma_start3A_23 : memref<80xi32, #tpu.memory_space<hbm>>) target(%arg8 : memref<80xi32, #tpu.memory_space<vmem>>) target_semaphore(%run_scoped3A : memref<!tpu.dma_semaphore, #tpu.memory_space<semaphore_mem>>)
        %dma_wait3A_24 = tpu.memref_slice %arg4[%add3A_17] : memref<320000xi32, #tpu.memory_space<hbm>> -> memref<80xi32, #tpu.memory_space<hbm>>
        %dma_wait3A_25 = tpu.memref_slice %arg4[%add3A_17] : memref<320000xi32, #tpu.memory_space<hbm>> -> memref<80xi32, #tpu.memory_space<hbm>>
        tpu.wait_dma2 semaphore(%run_scoped3A : memref<!tpu.dma_semaphore, #tpu.memory_space<semaphore_mem>>) src(%dma_wait3A_25 : memref<80xi32, #tpu.memory_space<hbm>>) dst(%arg8 : memref<80xi32, #tpu.memory_space<vmem>>)
        tpu.yield
      }) : () -> ()
      %dma_start3A = arith.constant 0 : i32
      %dma_start3A_18 = arith.constant 0 : i32
      %dma_start3A_19 = tpu.memref_slice %arg2[%dma_start3A, %dma_start3A_18] : memref<10240x128xf32, #tpu.memory_space<hbm>> -> memref<10240x128xf32, #tpu.memory_space<hbm>>
      tpu.enqueue_indirect_dma source(%dma_start3A_19 : memref<10240x128xf32, #tpu.memory_space<hbm>>) target(%arg9 : memref<80x128xf32, #tpu.memory_space<vmem>>) offsets(%arg7 : memref<80xi32, #tpu.memory_space<vmem>>) semaphore(%arg11 : memref<!tpu.dma_semaphore, #tpu.memory_space<semaphore_mem>>)
      %dma_wait3A = arith.constant 0 : i32
      %dma_wait3A_20 = arith.constant 0 : i32
      %dma_wait3A_21 = tpu.memref_slice %arg2[%dma_wait3A, %dma_wait3A_20] : memref<10240x128xf32, #tpu.memory_space<hbm>> -> memref<10240x128xf32, #tpu.memory_space<hbm>>
      tpu.wait_indirect_dma semaphore(%arg11 : memref<!tpu.dma_semaphore, #tpu.memory_space<semaphore_mem>>) src(%dma_wait3A_21 : memref<10240x128xf32, #tpu.memory_space<hbm>>) dst(%arg9 : memref<80x128xf32, #tpu.memory_space<vmem>>)
      "tpu.region"() ({
        %run_scoped3A = tpu.sem_alloc : memref<!tpu.dma_semaphore, #tpu.memory_space<semaphore_mem>>
        %dma_start3A_22 = arith.constant 0 : i32
        %dma_start3A_23 = arith.constant 0 : i32
        %dma_start3A_24 = tpu.memref_slice %arg10[%dma_start3A_22, %dma_start3A_23] : memref<10240x128xf32, #tpu.memory_space<vmem_shared>> -> memref<10240x128xf32, #tpu.memory_space<vmem_shared>>
        tpu.enqueue_indirect_dma source(%arg9 : memref<80x128xf32, #tpu.memory_space<vmem>>) target(%dma_start3A_24 : memref<10240x128xf32, #tpu.memory_space<vmem_shared>>) offsets(%arg8 : memref<80xi32, #tpu.memory_space<vmem>>) semaphore(%run_scoped3A : memref<!tpu.dma_semaphore, #tpu.memory_space<semaphore_mem>>) {add = true}
        %dma_wait3A_25 = arith.constant 0 : i32
        %dma_wait3A_26 = arith.constant 0 : i32
        %dma_wait3A_27 = tpu.memref_slice %arg10[%dma_wait3A_25, %dma_wait3A_26] : memref<10240x128xf32, #tpu.memory_space<vmem_shared>> -> memref<10240x128xf32, #tpu.memory_space<vmem_shared>>
        tpu.wait_indirect_dma semaphore(%run_scoped3A : memref<!tpu.dma_semaphore, #tpu.memory_space<semaphore_mem>>) src(%arg9 : memref<80x128xf32, #tpu.memory_space<vmem>>) dst(%dma_wait3A_27 : memref<10240x128xf32, #tpu.memory_space<vmem_shared>>)
        tpu.yield
      }) : () -> ()
    }
    %scan3A_9 = arith.constant 125 : i32
    %barrier3A_10 = arith.constant 0 : index
    tpu.barrier barrier_id(%barrier3A_10)
    "tpu.region"() ({
      %run_scoped3A = tpu.sem_alloc : memref<!tpu.dma_semaphore, #tpu.memory_space<semaphore_mem>>
      %dma_start3A = arith.constant 0 : i32
      %dma_start3A_11 = tpu.memref_slice %arg6[%arg0, %mul3A_2, %dma_start3A] : memref<2x10240x128xf32, #tpu.memory_space<hbm>> -> memref<1x640x128xf32, #tpu.memory_space<hbm>>
      %dma_start3A_12 = tpu.memref_squeeze %dma_start3A_11 : memref<1x640x128xf32, #tpu.memory_space<hbm>> -> memref<640x128xf32, #tpu.memory_space<hbm>>
      %dma_start3A_13 = arith.constant 0 : i32
      %dma_start3A_14 = tpu.memref_slice %arg10[%mul3A_2, %dma_start3A_13] : memref<10240x128xf32, #tpu.memory_space<vmem_shared>> -> memref<640x128xf32, #tpu.memory_space<vmem_shared>>
      tpu.enqueue_dma source(%dma_start3A_14 : memref<640x128xf32, #tpu.memory_space<vmem_shared>>) target(%dma_start3A_12 : memref<640x128xf32, #tpu.memory_space<hbm>>) target_semaphore(%run_scoped3A : memref<!tpu.dma_semaphore, #tpu.memory_space<semaphore_mem>>)
      %dma_wait3A = arith.constant 0 : i32
      %dma_wait3A_15 = tpu.memref_slice %arg6[%arg0, %mul3A_2, %dma_wait3A] : memref<2x10240x128xf32, #tpu.memory_space<hbm>> -> memref<1x640x128xf32, #tpu.memory_space<hbm>>
      %dma_wait3A_16 = tpu.memref_squeeze %dma_wait3A_15 : memref<1x640x128xf32, #tpu.memory_space<hbm>> -> memref<640x128xf32, #tpu.memory_space<hbm>>
      %dma_wait3A_17 = arith.constant 0 : i32
      %dma_wait3A_18 = tpu.memref_slice %arg10[%mul3A_2, %dma_wait3A_17] : memref<10240x128xf32, #tpu.memory_space<vmem_shared>> -> memref<640x128xf32, #tpu.memory_space<vmem_shared>>
      tpu.wait_dma2 semaphore(%run_scoped3A : memref<!tpu.dma_semaphore, #tpu.memory_space<semaphore_mem>>) src(%dma_wait3A_18 : memref<640x128xf32, #tpu.memory_space<vmem_shared>>) dst(%dma_wait3A_16 : memref<640x128xf32, #tpu.memory_space<hbm>>)
      tpu.yield
    }) : () -> ()
    return
  }
}

#map = affine_map<(d0, d1) -> (0, 0)>
#map1 = affine_map<(d0, d1) -> (0)>
#map2 = affine_map<(d0, d1) -> (0, 0, 0)>
module attributes {stable_mosaic.version = 14 : i64} {
  func.func @body(%arg0: i32, %arg1: i32, %arg2: memref<10240x128xf32, #tpu.memory_space<hbm>>, %arg3: memref<320000xi32, #tpu.memory_space<hbm>>, %arg4: memref<320000xi32, #tpu.memory_space<hbm>>, %arg5: memref<10240x128xf32, #tpu.memory_space<hbm>>, %arg6: memref<2x10240x128xf32, #tpu.memory_space<hbm>>, %arg7: memref<80xi32, #tpu.memory_space<vmem>>, %arg8: memref<80xi32, #tpu.memory_space<vmem>>, %arg9: memref<80x128xf32, #tpu.memory_space<vmem>>, %arg10: memref<10240x128xf32, #tpu.memory_space<vmem_shared>>, %arg11: memref<!tpu.dma_semaphore, #tpu.memory_space<semaphore_mem>>) attributes {dimension_semantics = [#tpu.dimension_semantics<core_parallel>, #tpu.dimension_semantics<subcore_parallel>], iteration_bounds = array<i64: 2, 16>, scalar_prefetch = 0 : i64, scratch_operands = 5 : i64, tpu.core_type = #tpu.core_type<sc_vector_subcore>, window_params = [{transform_indices = #map}, {transform_indices = #map1}, {transform_indices = #map1}, {transform_indices = #map}, {transform_indices = #map2}]} {
    %mul3A = arith.constant 2 : i32
    %mul3A_0 = arith.muli %arg1, %mul3A : i32
    %add3A = arith.addi %mul3A_0, %arg0 : i32
    %mul3A_1 = arith.constant 640 : i32
    %mul3A_2 = arith.muli %arg1, %mul3A_1 : i32
    %mul3A_3 = arith.constant 10000 : i32
    %mul3A_4 = arith.muli %add3A, %mul3A_3 : i32
    "tpu.region"() ({
      %run_scoped3A = tpu.sem_alloc : memref<!tpu.dma_semaphore, #tpu.memory_space<semaphore_mem>>
      %dma_start3A = arith.constant 0 : i32
      %dma_start3A_11 = tpu.memref_slice %arg10[%mul3A_2, %dma_start3A] : memref<10240x128xf32, #tpu.memory_space<vmem_shared>> -> memref<640x128xf32, #tpu.memory_space<vmem_shared>>
      %dma_start3A_12 = arith.constant 0 : i32
      %dma_start3A_13 = tpu.memref_slice %arg5[%mul3A_2, %dma_start3A_12] : memref<10240x128xf32, #tpu.memory_space<hbm>> -> memref<640x128xf32, #tpu.memory_space<hbm>>
      tpu.enqueue_dma source(%dma_start3A_13 : memref<640x128xf32, #tpu.memory_space<hbm>>) target(%dma_start3A_11 : memref<640x128xf32, #tpu.memory_space<vmem_shared>>) target_semaphore(%run_scoped3A : memref<!tpu.dma_semaphore, #tpu.memory_space<semaphore_mem>>)
      %dma_wait3A = arith.constant 0 : i32
      %dma_wait3A_14 = tpu.memref_slice %arg10[%mul3A_2, %dma_wait3A] : memref<10240x128xf32, #tpu.memory_space<vmem_shared>> -> memref<640x128xf32, #tpu.memory_space<vmem_shared>>
      %dma_wait3A_15 = arith.constant 0 : i32
      %dma_wait3A_16 = tpu.memref_slice %arg5[%mul3A_2, %dma_wait3A_15] : memref<10240x128xf32, #tpu.memory_space<hbm>> -> memref<640x128xf32, #tpu.memory_space<hbm>>
      tpu.wait_dma2 semaphore(%run_scoped3A : memref<!tpu.dma_semaphore, #tpu.memory_space<semaphore_mem>>) src(%dma_wait3A_16 : memref<640x128xf32, #tpu.memory_space<hbm>>) dst(%dma_wait3A_14 : memref<640x128xf32, #tpu.memory_space<vmem_shared>>)
      tpu.yield
    }) : () -> ()
    %barrier3A = arith.constant 0 : index
    tpu.barrier barrier_id(%barrier3A)
    %scan3A = arith.constant 0 : i32
    %scan3A_5 = arith.constant 0 : i32
    %scan3A_6 = arith.constant 125 : i32
    %scan3A_7 = arith.addi %scan3A_5, %scan3A_6 : i32
    %scan3A_8 = arith.constant 1 : i32
    scf.for %scan3A_11 = %scan3A_5 to %scan3A_7 step %scan3A_8  : i32 {
      %mul3A_12 = arith.constant 80 : i32
      %mul3A_13 = arith.muli %scan3A_11, %mul3A_12 : i32
      %add3A_14 = arith.addi %mul3A_4, %mul3A_13 : i32
      "tpu.region"() ({
        %run_scoped3A = tpu.sem_alloc : memref<!tpu.dma_semaphore, #tpu.memory_space<semaphore_mem>>
        %dma_start3A_22 = tpu.memref_slice %arg3[%add3A_14] : memref<320000xi32, #tpu.memory_space<hbm>> -> memref<80xi32, #tpu.memory_space<hbm>>
        %dma_start3A_23 = tpu.memref_slice %arg3[%add3A_14] : memref<320000xi32, #tpu.memory_space<hbm>> -> memref<80xi32, #tpu.memory_space<hbm>>
        tpu.enqueue_dma source(%dma_start3A_23 : memref<80xi32, #tpu.memory_space<hbm>>) target(%arg7 : memref<80xi32, #tpu.memory_space<vmem>>) target_semaphore(%run_scoped3A : memref<!tpu.dma_semaphore, #tpu.memory_space<semaphore_mem>>)
        %dma_wait3A_24 = tpu.memref_slice %arg3[%add3A_14] : memref<320000xi32, #tpu.memory_space<hbm>> -> memref<80xi32, #tpu.memory_space<hbm>>
        %dma_wait3A_25 = tpu.memref_slice %arg3[%add3A_14] : memref<320000xi32, #tpu.memory_space<hbm>> -> memref<80xi32, #tpu.memory_space<hbm>>
        tpu.wait_dma2 semaphore(%run_scoped3A : memref<!tpu.dma_semaphore, #tpu.memory_space<semaphore_mem>>) src(%dma_wait3A_25 : memref<80xi32, #tpu.memory_space<hbm>>) dst(%arg7 : memref<80xi32, #tpu.memory_space<vmem>>)
        tpu.yield
      }) : () -> ()
      %mul3A_15 = arith.constant 80 : i32
      %mul3A_16 = arith.muli %scan3A_11, %mul3A_15 : i32
      %add3A_17 = arith.addi %mul3A_4, %mul3A_16 : i32
      "tpu.region"() ({
        %run_scoped3A = tpu.sem_alloc : memref<!tpu.dma_semaphore, #tpu.memory_space<semaphore_mem>>
        %dma_start3A_22 = tpu.memref_slice %arg4[%add3A_17] : memref<320000xi32, #tpu.memory_space<hbm>> -> memref<80xi32, #tpu.memory_space<hbm>>
        %dma_start3A_23 = tpu.memref_slice %arg4[%add3A_17] : memref<320000xi32, #tpu.memory_space<hbm>> -> memref<80xi32, #tpu.memory_space<hbm>>
        tpu.enqueue_dma source(%dma_start3A_23 : memref<80xi32, #tpu.memory_space<hbm>>) target(%arg8 : memref<80xi32, #tpu.memory_space<vmem>>) target_semaphore(%run_scoped3A : memref<!tpu.dma_semaphore, #tpu.memory_space<semaphore_mem>>)
        %dma_wait3A_24 = tpu.memref_slice %arg4[%add3A_17] : memref<320000xi32, #tpu.memory_space<hbm>> -> memref<80xi32, #tpu.memory_space<hbm>>
        %dma_wait3A_25 = tpu.memref_slice %arg4[%add3A_17] : memref<320000xi32, #tpu.memory_space<hbm>> -> memref<80xi32, #tpu.memory_space<hbm>>
        tpu.wait_dma2 semaphore(%run_scoped3A : memref<!tpu.dma_semaphore, #tpu.memory_space<semaphore_mem>>) src(%dma_wait3A_25 : memref<80xi32, #tpu.memory_space<hbm>>) dst(%arg8 : memref<80xi32, #tpu.memory_space<vmem>>)
        tpu.yield
      }) : () -> ()
      %dma_start3A = arith.constant 0 : i32
      %dma_start3A_18 = arith.constant 0 : i32
      %dma_start3A_19 = tpu.memref_slice %arg2[%dma_start3A, %dma_start3A_18] : memref<10240x128xf32, #tpu.memory_space<hbm>> -> memref<10240x128xf32, #tpu.memory_space<hbm>>
      tpu.enqueue_indirect_dma source(%dma_start3A_19 : memref<10240x128xf32, #tpu.memory_space<hbm>>) target(%arg9 : memref<80x128xf32, #tpu.memory_space<vmem>>) offsets(%arg7 : memref<80xi32, #tpu.memory_space<vmem>>) semaphore(%arg11 : memref<!tpu.dma_semaphore, #tpu.memory_space<semaphore_mem>>)
      %dma_wait3A = arith.constant 0 : i32
      %dma_wait3A_20 = arith.constant 0 : i32
      %dma_wait3A_21 = tpu.memref_slice %arg2[%dma_wait3A, %dma_wait3A_20] : memref<10240x128xf32, #tpu.memory_space<hbm>> -> memref<10240x128xf32, #tpu.memory_space<hbm>>
      tpu.wait_indirect_dma semaphore(%arg11 : memref<!tpu.dma_semaphore, #tpu.memory_space<semaphore_mem>>) src(%dma_wait3A_21 : memref<10240x128xf32, #tpu.memory_space<hbm>>) dst(%arg9 : memref<80x128xf32, #tpu.memory_space<vmem>>)
      "tpu.region"() ({
        %run_scoped3A = tpu.sem_alloc : memref<!tpu.dma_semaphore, #tpu.memory_space<semaphore_mem>>
        %dma_start3A_22 = arith.constant 0 : i32
        %dma_start3A_23 = arith.constant 0 : i32
        %dma_start3A_24 = tpu.memref_slice %arg10[%dma_start3A_22, %dma_start3A_23] : memref<10240x128xf32, #tpu.memory_space<vmem_shared>> -> memref<10240x128xf32, #tpu.memory_space<vmem_shared>>
        tpu.enqueue_indirect_dma source(%arg9 : memref<80x128xf32, #tpu.memory_space<vmem>>) target(%dma_start3A_24 : memref<10240x128xf32, #tpu.memory_space<vmem_shared>>) offsets(%arg8 : memref<80xi32, #tpu.memory_space<vmem>>) semaphore(%run_scoped3A : memref<!tpu.dma_semaphore, #tpu.memory_space<semaphore_mem>>) {add = true}
        %dma_wait3A_25 = arith.constant 0 : i32
        %dma_wait3A_26 = arith.constant 0 : i32
        %dma_wait3A_27 = tpu.memref_slice %arg10[%dma_wait3A_25, %dma_wait3A_26] : memref<10240x128xf32, #tpu.memory_space<vmem_shared>> -> memref<10240x128xf32, #tpu.memory_space<vmem_shared>>
        tpu.wait_indirect_dma semaphore(%run_scoped3A : memref<!tpu.dma_semaphore, #tpu.memory_space<semaphore_mem>>) src(%arg9 : memref<80x128xf32, #tpu.memory_space<vmem>>) dst(%dma_wait3A_27 : memref<10240x128xf32, #tpu.memory_space<vmem_shared>>)
        tpu.yield
      }) : () -> ()
    }
    %scan3A_9 = arith.constant 125 : i32
    %barrier3A_10 = arith.constant 0 : index
    tpu.barrier barrier_id(%barrier3A_10)
    "tpu.region"() ({
      %run_scoped3A = tpu.sem_alloc : memref<!tpu.dma_semaphore, #tpu.memory_space<semaphore_mem>>
      %dma_start3A = arith.constant 0 : i32
      %dma_start3A_11 = tpu.memref_slice %arg6[%arg0, %mul3A_2, %dma_start3A] : memref<2x10240x128xf32, #tpu.memory_space<hbm>> -> memref<1x640x128xf32, #tpu.memory_space<hbm>>
      %dma_start3A_12 = tpu.memref_squeeze %dma_start3A_11 : memref<1x640x128xf32, #tpu.memory_space<hbm>> -> memref<640x128xf32, #tpu.memory_space<hbm>>
      %dma_start3A_13 = arith.constant 0 : i32
      %dma_start3A_14 = tpu.memref_slice %arg10[%mul3A_2, %dma_start3A_13] : memref<10240x128xf32, #tpu.memory_space<vmem_shared>> -> memref<640x128xf32, #tpu.memory_space<vmem_shared>>
      tpu.enqueue_dma source(%dma_start3A_14 : memref<640x128xf32, #tpu.memory_space<vmem_shared>>) target(%dma_start3A_12 : memref<640x128xf32, #tpu.memory_space<hbm>>) target_semaphore(%run_scoped3A : memref<!tpu.dma_semaphore, #tpu.memory_space<semaphore_mem>>)
      %dma_wait3A = arith.constant 0 : i32
      %dma_wait3A_15 = tpu.memref_slice %arg6[%arg0, %mul3A_2, %dma_wait3A] : memref<2x10240x128xf32, #tpu.memory_space<hbm>> -> memref<1x640x128xf32, #tpu.memory_space<hbm>>
      %dma_wait3A_16 = tpu.memref_squeeze %dma_wait3A_15 : memref<1x640x128xf32, #tpu.memory_space<hbm>> -> memref<640x128xf32, #tpu.memory_space<hbm>>
      %dma_wait3A_17 = arith.constant 0 : i32
      %dma_wait3A_18 = tpu.memref_slice %arg10[%mul3A_2, %dma_wait3A_17] : memref<10240x128xf32, #tpu.memory_space<vmem_shared>> -> memref<640x128xf32, #tpu.memory_space<vmem_shared>>
      tpu.wait_dma2 semaphore(%run_scoped3A : memref<!tpu.dma_semaphore, #tpu.memory_space<semaphore_mem>>) src(%dma_wait3A_18 : memref<640x128xf32, #tpu.memory_space<vmem_shared>>) dst(%dma_wait3A_16 : memref<640x128xf32, #tpu.memory_space<hbm>>)
      tpu.yield
    }) : () -> ()
    return
  }
}

#map = affine_map<(d0, d1) -> (0, 0)>
#map1 = affine_map<(d0, d1) -> (0)>
#map2 = affine_map<(d0, d1) -> (0, 0, 0)>
module attributes {stable_mosaic.version = 14 : i64} {
  func.func @body(%arg0: i32, %arg1: i32, %arg2: memref<10240x128xf32, #tpu.memory_space<hbm>>, %arg3: memref<320000xi32, #tpu.memory_space<hbm>>, %arg4: memref<320000xi32, #tpu.memory_space<hbm>>, %arg5: memref<10240x128xf32, #tpu.memory_space<hbm>>, %arg6: memref<2x10240x128xf32, #tpu.memory_space<hbm>>, %arg7: memref<80xi32, #tpu.memory_space<vmem>>, %arg8: memref<80xi32, #tpu.memory_space<vmem>>, %arg9: memref<80x128xf32, #tpu.memory_space<vmem>>, %arg10: memref<10240x128xf32, #tpu.memory_space<vmem_shared>>, %arg11: memref<!tpu.dma_semaphore, #tpu.memory_space<semaphore_mem>>) attributes {dimension_semantics = [#tpu.dimension_semantics<core_parallel>, #tpu.dimension_semantics<subcore_parallel>], iteration_bounds = array<i64: 2, 16>, scalar_prefetch = 0 : i64, scratch_operands = 5 : i64, tpu.core_type = #tpu.core_type<sc_vector_subcore>, window_params = [{transform_indices = #map}, {transform_indices = #map1}, {transform_indices = #map1}, {transform_indices = #map}, {transform_indices = #map2}]} {
    %mul3A = arith.constant 2 : i32
    %mul3A_0 = arith.muli %arg1, %mul3A : i32
    %add3A = arith.addi %mul3A_0, %arg0 : i32
    %mul3A_1 = arith.constant 640 : i32
    %mul3A_2 = arith.muli %arg1, %mul3A_1 : i32
    %mul3A_3 = arith.constant 10000 : i32
    %mul3A_4 = arith.muli %add3A, %mul3A_3 : i32
    "tpu.region"() ({
      %run_scoped3A = tpu.sem_alloc : memref<!tpu.dma_semaphore, #tpu.memory_space<semaphore_mem>>
      %dma_start3A = arith.constant 0 : i32
      %dma_start3A_11 = tpu.memref_slice %arg10[%mul3A_2, %dma_start3A] : memref<10240x128xf32, #tpu.memory_space<vmem_shared>> -> memref<640x128xf32, #tpu.memory_space<vmem_shared>>
      %dma_start3A_12 = arith.constant 0 : i32
      %dma_start3A_13 = tpu.memref_slice %arg5[%mul3A_2, %dma_start3A_12] : memref<10240x128xf32, #tpu.memory_space<hbm>> -> memref<640x128xf32, #tpu.memory_space<hbm>>
      tpu.enqueue_dma source(%dma_start3A_13 : memref<640x128xf32, #tpu.memory_space<hbm>>) target(%dma_start3A_11 : memref<640x128xf32, #tpu.memory_space<vmem_shared>>) target_semaphore(%run_scoped3A : memref<!tpu.dma_semaphore, #tpu.memory_space<semaphore_mem>>)
      %dma_wait3A = arith.constant 0 : i32
      %dma_wait3A_14 = tpu.memref_slice %arg10[%mul3A_2, %dma_wait3A] : memref<10240x128xf32, #tpu.memory_space<vmem_shared>> -> memref<640x128xf32, #tpu.memory_space<vmem_shared>>
      %dma_wait3A_15 = arith.constant 0 : i32
      %dma_wait3A_16 = tpu.memref_slice %arg5[%mul3A_2, %dma_wait3A_15] : memref<10240x128xf32, #tpu.memory_space<hbm>> -> memref<640x128xf32, #tpu.memory_space<hbm>>
      tpu.wait_dma2 semaphore(%run_scoped3A : memref<!tpu.dma_semaphore, #tpu.memory_space<semaphore_mem>>) src(%dma_wait3A_16 : memref<640x128xf32, #tpu.memory_space<hbm>>) dst(%dma_wait3A_14 : memref<640x128xf32, #tpu.memory_space<vmem_shared>>)
      tpu.yield
    }) : () -> ()
    %barrier3A = arith.constant 0 : index
    tpu.barrier barrier_id(%barrier3A)
    %scan3A = arith.constant 0 : i32
    %scan3A_5 = arith.constant 0 : i32
    %scan3A_6 = arith.constant 125 : i32
    %scan3A_7 = arith.addi %scan3A_5, %scan3A_6 : i32
    %scan3A_8 = arith.constant 1 : i32
    scf.for %scan3A_11 = %scan3A_5 to %scan3A_7 step %scan3A_8  : i32 {
      %mul3A_12 = arith.constant 80 : i32
      %mul3A_13 = arith.muli %scan3A_11, %mul3A_12 : i32
      %add3A_14 = arith.addi %mul3A_4, %mul3A_13 : i32
      "tpu.region"() ({
        %run_scoped3A = tpu.sem_alloc : memref<!tpu.dma_semaphore, #tpu.memory_space<semaphore_mem>>
        %dma_start3A_22 = tpu.memref_slice %arg3[%add3A_14] : memref<320000xi32, #tpu.memory_space<hbm>> -> memref<80xi32, #tpu.memory_space<hbm>>
        %dma_start3A_23 = tpu.memref_slice %arg3[%add3A_14] : memref<320000xi32, #tpu.memory_space<hbm>> -> memref<80xi32, #tpu.memory_space<hbm>>
        tpu.enqueue_dma source(%dma_start3A_23 : memref<80xi32, #tpu.memory_space<hbm>>) target(%arg7 : memref<80xi32, #tpu.memory_space<vmem>>) target_semaphore(%run_scoped3A : memref<!tpu.dma_semaphore, #tpu.memory_space<semaphore_mem>>)
        %dma_wait3A_24 = tpu.memref_slice %arg3[%add3A_14] : memref<320000xi32, #tpu.memory_space<hbm>> -> memref<80xi32, #tpu.memory_space<hbm>>
        %dma_wait3A_25 = tpu.memref_slice %arg3[%add3A_14] : memref<320000xi32, #tpu.memory_space<hbm>> -> memref<80xi32, #tpu.memory_space<hbm>>
        tpu.wait_dma2 semaphore(%run_scoped3A : memref<!tpu.dma_semaphore, #tpu.memory_space<semaphore_mem>>) src(%dma_wait3A_25 : memref<80xi32, #tpu.memory_space<hbm>>) dst(%arg7 : memref<80xi32, #tpu.memory_space<vmem>>)
        tpu.yield
      }) : () -> ()
      %mul3A_15 = arith.constant 80 : i32
      %mul3A_16 = arith.muli %scan3A_11, %mul3A_15 : i32
      %add3A_17 = arith.addi %mul3A_4, %mul3A_16 : i32
      "tpu.region"() ({
        %run_scoped3A = tpu.sem_alloc : memref<!tpu.dma_semaphore, #tpu.memory_space<semaphore_mem>>
        %dma_start3A_22 = tpu.memref_slice %arg4[%add3A_17] : memref<320000xi32, #tpu.memory_space<hbm>> -> memref<80xi32, #tpu.memory_space<hbm>>
        %dma_start3A_23 = tpu.memref_slice %arg4[%add3A_17] : memref<320000xi32, #tpu.memory_space<hbm>> -> memref<80xi32, #tpu.memory_space<hbm>>
        tpu.enqueue_dma source(%dma_start3A_23 : memref<80xi32, #tpu.memory_space<hbm>>) target(%arg8 : memref<80xi32, #tpu.memory_space<vmem>>) target_semaphore(%run_scoped3A : memref<!tpu.dma_semaphore, #tpu.memory_space<semaphore_mem>>)
        %dma_wait3A_24 = tpu.memref_slice %arg4[%add3A_17] : memref<320000xi32, #tpu.memory_space<hbm>> -> memref<80xi32, #tpu.memory_space<hbm>>
        %dma_wait3A_25 = tpu.memref_slice %arg4[%add3A_17] : memref<320000xi32, #tpu.memory_space<hbm>> -> memref<80xi32, #tpu.memory_space<hbm>>
        tpu.wait_dma2 semaphore(%run_scoped3A : memref<!tpu.dma_semaphore, #tpu.memory_space<semaphore_mem>>) src(%dma_wait3A_25 : memref<80xi32, #tpu.memory_space<hbm>>) dst(%arg8 : memref<80xi32, #tpu.memory_space<vmem>>)
        tpu.yield
      }) : () -> ()
      %dma_start3A = arith.constant 0 : i32
      %dma_start3A_18 = arith.constant 0 : i32
      %dma_start3A_19 = tpu.memref_slice %arg2[%dma_start3A, %dma_start3A_18] : memref<10240x128xf32, #tpu.memory_space<hbm>> -> memref<10240x128xf32, #tpu.memory_space<hbm>>
      tpu.enqueue_indirect_dma source(%dma_start3A_19 : memref<10240x128xf32, #tpu.memory_space<hbm>>) target(%arg9 : memref<80x128xf32, #tpu.memory_space<vmem>>) offsets(%arg7 : memref<80xi32, #tpu.memory_space<vmem>>) semaphore(%arg11 : memref<!tpu.dma_semaphore, #tpu.memory_space<semaphore_mem>>)
      %dma_wait3A = arith.constant 0 : i32
      %dma_wait3A_20 = arith.constant 0 : i32
      %dma_wait3A_21 = tpu.memref_slice %arg2[%dma_wait3A, %dma_wait3A_20] : memref<10240x128xf32, #tpu.memory_space<hbm>> -> memref<10240x128xf32, #tpu.memory_space<hbm>>
      tpu.wait_indirect_dma semaphore(%arg11 : memref<!tpu.dma_semaphore, #tpu.memory_space<semaphore_mem>>) src(%dma_wait3A_21 : memref<10240x128xf32, #tpu.memory_space<hbm>>) dst(%arg9 : memref<80x128xf32, #tpu.memory_space<vmem>>)
      "tpu.region"() ({
        %run_scoped3A = tpu.sem_alloc : memref<!tpu.dma_semaphore, #tpu.memory_space<semaphore_mem>>
        %dma_start3A_22 = arith.constant 0 : i32
        %dma_start3A_23 = arith.constant 0 : i32
        %dma_start3A_24 = tpu.memref_slice %arg10[%dma_start3A_22, %dma_start3A_23] : memref<10240x128xf32, #tpu.memory_space<vmem_shared>> -> memref<10240x128xf32, #tpu.memory_space<vmem_shared>>
        tpu.enqueue_indirect_dma source(%arg9 : memref<80x128xf32, #tpu.memory_space<vmem>>) target(%dma_start3A_24 : memref<10240x128xf32, #tpu.memory_space<vmem_shared>>) offsets(%arg8 : memref<80xi32, #tpu.memory_space<vmem>>) semaphore(%run_scoped3A : memref<!tpu.dma_semaphore, #tpu.memory_space<semaphore_mem>>) {add = true}
        %dma_wait3A_25 = arith.constant 0 : i32
        %dma_wait3A_26 = arith.constant 0 : i32
        %dma_wait3A_27 = tpu.memref_slice %arg10[%dma_wait3A_25, %dma_wait3A_26] : memref<10240x128xf32, #tpu.memory_space<vmem_shared>> -> memref<10240x128xf32, #tpu.memory_space<vmem_shared>>
        tpu.wait_indirect_dma semaphore(%run_scoped3A : memref<!tpu.dma_semaphore, #tpu.memory_space<semaphore_mem>>) src(%arg9 : memref<80x128xf32, #tpu.memory_space<vmem>>) dst(%dma_wait3A_27 : memref<10240x128xf32, #tpu.memory_space<vmem_shared>>)
        tpu.yield
      }) : () -> ()
    }
    %scan3A_9 = arith.constant 125 : i32
    %barrier3A_10 = arith.constant 0 : index
    tpu.barrier barrier_id(%barrier3A_10)
    "tpu.region"() ({
      %run_scoped3A = tpu.sem_alloc : memref<!tpu.dma_semaphore, #tpu.memory_space<semaphore_mem>>
      %dma_start3A = arith.constant 0 : i32
      %dma_start3A_11 = tpu.memref_slice %arg6[%arg0, %mul3A_2, %dma_start3A] : memref<2x10240x128xf32, #tpu.memory_space<hbm>> -> memref<1x640x128xf32, #tpu.memory_space<hbm>>
      %dma_start3A_12 = tpu.memref_squeeze %dma_start3A_11 : memref<1x640x128xf32, #tpu.memory_space<hbm>> -> memref<640x128xf32, #tpu.memory_space<hbm>>
      %dma_start3A_13 = arith.constant 0 : i32
      %dma_start3A_14 = tpu.memref_slice %arg10[%mul3A_2, %dma_start3A_13] : memref<10240x128xf32, #tpu.memory_space<vmem_shared>> -> memref<640x128xf32, #tpu.memory_space<vmem_shared>>
      tpu.enqueue_dma source(%dma_start3A_14 : memref<640x128xf32, #tpu.memory_space<vmem_shared>>) target(%dma_start3A_12 : memref<640x128xf32, #tpu.memory_space<hbm>>) target_semaphore(%run_scoped3A : memref<!tpu.dma_semaphore, #tpu.memory_space<semaphore_mem>>)
      %dma_wait3A = arith.constant 0 : i32
      %dma_wait3A_15 = tpu.memref_slice %arg6[%arg0, %mul3A_2, %dma_wait3A] : memref<2x10240x128xf32, #tpu.memory_space<hbm>> -> memref<1x640x128xf32, #tpu.memory_space<hbm>>
      %dma_wait3A_16 = tpu.memref_squeeze %dma_wait3A_15 : memref<1x640x128xf32, #tpu.memory_space<hbm>> -> memref<640x128xf32, #tpu.memory_space<hbm>>
      %dma_wait3A_17 = arith.constant 0 : i32
      %dma_wait3A_18 = tpu.memref_slice %arg10[%mul3A_2, %dma_wait3A_17] : memref<10240x128xf32, #tpu.memory_space<vmem_shared>> -> memref<640x128xf32, #tpu.memory_space<vmem_shared>>
      tpu.wait_dma2 semaphore(%run_scoped3A : memref<!tpu.dma_semaphore, #tpu.memory_space<semaphore_mem>>) src(%dma_wait3A_18 : memref<640x128xf32, #tpu.memory_space<vmem_shared>>) dst(%dma_wait3A_16 : memref<640x128xf32, #tpu.memory_space<hbm>>)
      tpu.yield
    }) : () -> ()
    return
  }
}

#map = affine_map<(d0, d1) -> (0, 0)>
#map1 = affine_map<(d0, d1) -> (0)>
#map2 = affine_map<(d0, d1) -> (0, 0, 0)>
module attributes {stable_mosaic.version = 14 : i64} {
  func.func @body(%arg0: i32, %arg1: i32, %arg2: memref<10240x128xf32, #tpu.memory_space<hbm>>, %arg3: memref<320000xi32, #tpu.memory_space<hbm>>, %arg4: memref<320000xi32, #tpu.memory_space<hbm>>, %arg5: memref<10240x128xf32, #tpu.memory_space<hbm>>, %arg6: memref<2x10240x128xf32, #tpu.memory_space<hbm>>, %arg7: memref<80xi32, #tpu.memory_space<vmem>>, %arg8: memref<80xi32, #tpu.memory_space<vmem>>, %arg9: memref<80x128xf32, #tpu.memory_space<vmem>>, %arg10: memref<10240x128xf32, #tpu.memory_space<vmem_shared>>, %arg11: memref<!tpu.dma_semaphore, #tpu.memory_space<semaphore_mem>>) attributes {dimension_semantics = [#tpu.dimension_semantics<core_parallel>, #tpu.dimension_semantics<subcore_parallel>], iteration_bounds = array<i64: 2, 16>, scalar_prefetch = 0 : i64, scratch_operands = 5 : i64, tpu.core_type = #tpu.core_type<sc_vector_subcore>, window_params = [{transform_indices = #map}, {transform_indices = #map1}, {transform_indices = #map1}, {transform_indices = #map}, {transform_indices = #map2}]} {
    %mul3A = arith.constant 2 : i32
    %mul3A_0 = arith.muli %arg1, %mul3A : i32
    %add3A = arith.addi %mul3A_0, %arg0 : i32
    %mul3A_1 = arith.constant 640 : i32
    %mul3A_2 = arith.muli %arg1, %mul3A_1 : i32
    %mul3A_3 = arith.constant 10000 : i32
    %mul3A_4 = arith.muli %add3A, %mul3A_3 : i32
    "tpu.region"() ({
      %run_scoped3A = tpu.sem_alloc : memref<!tpu.dma_semaphore, #tpu.memory_space<semaphore_mem>>
      %dma_start3A = arith.constant 0 : i32
      %dma_start3A_11 = tpu.memref_slice %arg10[%mul3A_2, %dma_start3A] : memref<10240x128xf32, #tpu.memory_space<vmem_shared>> -> memref<640x128xf32, #tpu.memory_space<vmem_shared>>
      %dma_start3A_12 = arith.constant 0 : i32
      %dma_start3A_13 = tpu.memref_slice %arg5[%mul3A_2, %dma_start3A_12] : memref<10240x128xf32, #tpu.memory_space<hbm>> -> memref<640x128xf32, #tpu.memory_space<hbm>>
      tpu.enqueue_dma source(%dma_start3A_13 : memref<640x128xf32, #tpu.memory_space<hbm>>) target(%dma_start3A_11 : memref<640x128xf32, #tpu.memory_space<vmem_shared>>) target_semaphore(%run_scoped3A : memref<!tpu.dma_semaphore, #tpu.memory_space<semaphore_mem>>)
      %dma_wait3A = arith.constant 0 : i32
      %dma_wait3A_14 = tpu.memref_slice %arg10[%mul3A_2, %dma_wait3A] : memref<10240x128xf32, #tpu.memory_space<vmem_shared>> -> memref<640x128xf32, #tpu.memory_space<vmem_shared>>
      %dma_wait3A_15 = arith.constant 0 : i32
      %dma_wait3A_16 = tpu.memref_slice %arg5[%mul3A_2, %dma_wait3A_15] : memref<10240x128xf32, #tpu.memory_space<hbm>> -> memref<640x128xf32, #tpu.memory_space<hbm>>
      tpu.wait_dma2 semaphore(%run_scoped3A : memref<!tpu.dma_semaphore, #tpu.memory_space<semaphore_mem>>) src(%dma_wait3A_16 : memref<640x128xf32, #tpu.memory_space<hbm>>) dst(%dma_wait3A_14 : memref<640x128xf32, #tpu.memory_space<vmem_shared>>)
      tpu.yield
    }) : () -> ()
    %barrier3A = arith.constant 0 : index
    tpu.barrier barrier_id(%barrier3A)
    %scan3A = arith.constant 0 : i32
    %scan3A_5 = arith.constant 0 : i32
    %scan3A_6 = arith.constant 125 : i32
    %scan3A_7 = arith.addi %scan3A_5, %scan3A_6 : i32
    %scan3A_8 = arith.constant 1 : i32
    scf.for %scan3A_11 = %scan3A_5 to %scan3A_7 step %scan3A_8  : i32 {
      %mul3A_12 = arith.constant 80 : i32
      %mul3A_13 = arith.muli %scan3A_11, %mul3A_12 : i32
      %add3A_14 = arith.addi %mul3A_4, %mul3A_13 : i32
      "tpu.region"() ({
        %run_scoped3A = tpu.sem_alloc : memref<!tpu.dma_semaphore, #tpu.memory_space<semaphore_mem>>
        %dma_start3A_22 = tpu.memref_slice %arg3[%add3A_14] : memref<320000xi32, #tpu.memory_space<hbm>> -> memref<80xi32, #tpu.memory_space<hbm>>
        %dma_start3A_23 = tpu.memref_slice %arg3[%add3A_14] : memref<320000xi32, #tpu.memory_space<hbm>> -> memref<80xi32, #tpu.memory_space<hbm>>
        tpu.enqueue_dma source(%dma_start3A_23 : memref<80xi32, #tpu.memory_space<hbm>>) target(%arg7 : memref<80xi32, #tpu.memory_space<vmem>>) target_semaphore(%run_scoped3A : memref<!tpu.dma_semaphore, #tpu.memory_space<semaphore_mem>>)
        %dma_wait3A_24 = tpu.memref_slice %arg3[%add3A_14] : memref<320000xi32, #tpu.memory_space<hbm>> -> memref<80xi32, #tpu.memory_space<hbm>>
        %dma_wait3A_25 = tpu.memref_slice %arg3[%add3A_14] : memref<320000xi32, #tpu.memory_space<hbm>> -> memref<80xi32, #tpu.memory_space<hbm>>
        tpu.wait_dma2 semaphore(%run_scoped3A : memref<!tpu.dma_semaphore, #tpu.memory_space<semaphore_mem>>) src(%dma_wait3A_25 : memref<80xi32, #tpu.memory_space<hbm>>) dst(%arg7 : memref<80xi32, #tpu.memory_space<vmem>>)
        tpu.yield
      }) : () -> ()
      %mul3A_15 = arith.constant 80 : i32
      %mul3A_16 = arith.muli %scan3A_11, %mul3A_15 : i32
      %add3A_17 = arith.addi %mul3A_4, %mul3A_16 : i32
      "tpu.region"() ({
        %run_scoped3A = tpu.sem_alloc : memref<!tpu.dma_semaphore, #tpu.memory_space<semaphore_mem>>
        %dma_start3A_22 = tpu.memref_slice %arg4[%add3A_17] : memref<320000xi32, #tpu.memory_space<hbm>> -> memref<80xi32, #tpu.memory_space<hbm>>
        %dma_start3A_23 = tpu.memref_slice %arg4[%add3A_17] : memref<320000xi32, #tpu.memory_space<hbm>> -> memref<80xi32, #tpu.memory_space<hbm>>
        tpu.enqueue_dma source(%dma_start3A_23 : memref<80xi32, #tpu.memory_space<hbm>>) target(%arg8 : memref<80xi32, #tpu.memory_space<vmem>>) target_semaphore(%run_scoped3A : memref<!tpu.dma_semaphore, #tpu.memory_space<semaphore_mem>>)
        %dma_wait3A_24 = tpu.memref_slice %arg4[%add3A_17] : memref<320000xi32, #tpu.memory_space<hbm>> -> memref<80xi32, #tpu.memory_space<hbm>>
        %dma_wait3A_25 = tpu.memref_slice %arg4[%add3A_17] : memref<320000xi32, #tpu.memory_space<hbm>> -> memref<80xi32, #tpu.memory_space<hbm>>
        tpu.wait_dma2 semaphore(%run_scoped3A : memref<!tpu.dma_semaphore, #tpu.memory_space<semaphore_mem>>) src(%dma_wait3A_25 : memref<80xi32, #tpu.memory_space<hbm>>) dst(%arg8 : memref<80xi32, #tpu.memory_space<vmem>>)
        tpu.yield
      }) : () -> ()
      %dma_start3A = arith.constant 0 : i32
      %dma_start3A_18 = arith.constant 0 : i32
      %dma_start3A_19 = tpu.memref_slice %arg2[%dma_start3A, %dma_start3A_18] : memref<10240x128xf32, #tpu.memory_space<hbm>> -> memref<10240x128xf32, #tpu.memory_space<hbm>>
      tpu.enqueue_indirect_dma source(%dma_start3A_19 : memref<10240x128xf32, #tpu.memory_space<hbm>>) target(%arg9 : memref<80x128xf32, #tpu.memory_space<vmem>>) offsets(%arg7 : memref<80xi32, #tpu.memory_space<vmem>>) semaphore(%arg11 : memref<!tpu.dma_semaphore, #tpu.memory_space<semaphore_mem>>)
      %dma_wait3A = arith.constant 0 : i32
      %dma_wait3A_20 = arith.constant 0 : i32
      %dma_wait3A_21 = tpu.memref_slice %arg2[%dma_wait3A, %dma_wait3A_20] : memref<10240x128xf32, #tpu.memory_space<hbm>> -> memref<10240x128xf32, #tpu.memory_space<hbm>>
      tpu.wait_indirect_dma semaphore(%arg11 : memref<!tpu.dma_semaphore, #tpu.memory_space<semaphore_mem>>) src(%dma_wait3A_21 : memref<10240x128xf32, #tpu.memory_space<hbm>>) dst(%arg9 : memref<80x128xf32, #tpu.memory_space<vmem>>)
      "tpu.region"() ({
        %run_scoped3A = tpu.sem_alloc : memref<!tpu.dma_semaphore, #tpu.memory_space<semaphore_mem>>
        %dma_start3A_22 = arith.constant 0 : i32
        %dma_start3A_23 = arith.constant 0 : i32
        %dma_start3A_24 = tpu.memref_slice %arg10[%dma_start3A_22, %dma_start3A_23] : memref<10240x128xf32, #tpu.memory_space<vmem_shared>> -> memref<10240x128xf32, #tpu.memory_space<vmem_shared>>
        tpu.enqueue_indirect_dma source(%arg9 : memref<80x128xf32, #tpu.memory_space<vmem>>) target(%dma_start3A_24 : memref<10240x128xf32, #tpu.memory_space<vmem_shared>>) offsets(%arg8 : memref<80xi32, #tpu.memory_space<vmem>>) semaphore(%run_scoped3A : memref<!tpu.dma_semaphore, #tpu.memory_space<semaphore_mem>>) {add = true}
        %dma_wait3A_25 = arith.constant 0 : i32
        %dma_wait3A_26 = arith.constant 0 : i32
        %dma_wait3A_27 = tpu.memref_slice %arg10[%dma_wait3A_25, %dma_wait3A_26] : memref<10240x128xf32, #tpu.memory_space<vmem_shared>> -> memref<10240x128xf32, #tpu.memory_space<vmem_shared>>
        tpu.wait_indirect_dma semaphore(%run_scoped3A : memref<!tpu.dma_semaphore, #tpu.memory_space<semaphore_mem>>) src(%arg9 : memref<80x128xf32, #tpu.memory_space<vmem>>) dst(%dma_wait3A_27 : memref<10240x128xf32, #tpu.memory_space<vmem_shared>>)
        tpu.yield
      }) : () -> ()
    }
    %scan3A_9 = arith.constant 125 : i32
    %barrier3A_10 = arith.constant 0 : index
    tpu.barrier barrier_id(%barrier3A_10)
    "tpu.region"() ({
      %run_scoped3A = tpu.sem_alloc : memref<!tpu.dma_semaphore, #tpu.memory_space<semaphore_mem>>
      %dma_start3A = arith.constant 0 : i32
      %dma_start3A_11 = tpu.memref_slice %arg6[%arg0, %mul3A_2, %dma_start3A] : memref<2x10240x128xf32, #tpu.memory_space<hbm>> -> memref<1x640x128xf32, #tpu.memory_space<hbm>>
      %dma_start3A_12 = tpu.memref_squeeze %dma_start3A_11 : memref<1x640x128xf32, #tpu.memory_space<hbm>> -> memref<640x128xf32, #tpu.memory_space<hbm>>
      %dma_start3A_13 = arith.constant 0 : i32
      %dma_start3A_14 = tpu.memref_slice %arg10[%mul3A_2, %dma_start3A_13] : memref<10240x128xf32, #tpu.memory_space<vmem_shared>> -> memref<640x128xf32, #tpu.memory_space<vmem_shared>>
      tpu.enqueue_dma source(%dma_start3A_14 : memref<640x128xf32, #tpu.memory_space<vmem_shared>>) target(%dma_start3A_12 : memref<640x128xf32, #tpu.memory_space<hbm>>) target_semaphore(%run_scoped3A : memref<!tpu.dma_semaphore, #tpu.memory_space<semaphore_mem>>)
      %dma_wait3A = arith.constant 0 : i32
      %dma_wait3A_15 = tpu.memref_slice %arg6[%arg0, %mul3A_2, %dma_wait3A] : memref<2x10240x128xf32, #tpu.memory_space<hbm>> -> memref<1x640x128xf32, #tpu.memory_space<hbm>>
      %dma_wait3A_16 = tpu.memref_squeeze %dma_wait3A_15 : memref<1x640x128xf32, #tpu.memory_space<hbm>> -> memref<640x128xf32, #tpu.memory_space<hbm>>
      %dma_wait3A_17 = arith.constant 0 : i32
      %dma_wait3A_18 = tpu.memref_slice %arg10[%mul3A_2, %dma_wait3A_17] : memref<10240x128xf32, #tpu.memory_space<vmem_shared>> -> memref<640x128xf32, #tpu.memory_space<vmem_shared>>
      tpu.wait_dma2 semaphore(%run_scoped3A : memref<!tpu.dma_semaphore, #tpu.memory_space<semaphore_mem>>) src(%dma_wait3A_18 : memref<640x128xf32, #tpu.memory_space<vmem_shared>>) dst(%dma_wait3A_16 : memref<640x128xf32, #tpu.memory_space<hbm>>)
      tpu.yield
    }) : () -> ()
    return
  }
}

module attributes {stable_mosaic.version = 14 : i64} {
  func.func @_l1_body(%arg0: i32, %arg1: memref<2x512x128xf32, #tpu.memory_space<vmem>>, %arg2: memref<2x512x128xf32, #tpu.memory_space<vmem>>, %arg3: memref<512x128xf32, #tpu.memory_space<vmem>>, %arg4: memref<128x128xf32, #tpu.memory_space<vmem>>, %arg5: memref<1x128xf32, #tpu.memory_space<vmem>>, %arg6: memref<128x128xf32, #tpu.memory_space<vmem>>, %arg7: memref<512x128xf32, #tpu.memory_space<vmem>>, %arg8: memref<512x16xf32, #tpu.memory_space<vmem>>) attributes {dimension_semantics = [#tpu.dimension_semantics<arbitrary>], iteration_bounds = array<i64: 20>, scalar_prefetch = 0 : i64, scratch_operands = 0 : i64, tpu.core_type = #tpu.core_type<tc>, window_params = [{transform_indices = @transform_0, window_bounds = array<i64: 2, 512, 128>}, {transform_indices = @transform_1, window_bounds = array<i64: 2, 512, 128>}, {transform_indices = @transform_2, window_bounds = array<i64: 512, 128>}, {pipeline_mode = #tpu.pipeline_mode<synchronous>, transform_indices = @transform_3, window_bounds = array<i64: 128, 128>}, {pipeline_mode = #tpu.pipeline_mode<synchronous>, transform_indices = @transform_4, window_bounds = array<i64: 1, 128>}, {pipeline_mode = #tpu.pipeline_mode<synchronous>, transform_indices = @transform_5, window_bounds = array<i64: 128, 128>}, {transform_indices = @transform_6, window_bounds = array<i64: 512, 128>}, {transform_indices = @transform_7, window_bounds = array<i64: 512, 16>}]} {
    %get3A = arith.constant 0 : index
    %get3A_0 = arith.constant 0 : index
    %get3A_1 = arith.constant 0 : index
    %get3A_2 = vector.load %arg2[%get3A, %get3A_0, %get3A_1] : memref<2x512x128xf32, #tpu.memory_space<vmem>>, vector<1x512x16xf32>
    %get3A_3 = vector.shape_cast %get3A_2 : vector<1x512x16xf32> to vector<512x16xf32>
    %get3A_4 = arith.constant 1 : index
    %get3A_5 = arith.constant 0 : index
    %get3A_6 = arith.constant 0 : index
    %get3A_7 = vector.load %arg2[%get3A_4, %get3A_5, %get3A_6] : memref<2x512x128xf32, #tpu.memory_space<vmem>>, vector<1x512x16xf32>
    %get3A_8 = vector.shape_cast %get3A_7 : vector<1x512x16xf32> to vector<512x16xf32>
    %add3A = arith.addf %get3A_3, %get3A_8 : vector<512x16xf32>
    %max3A = arith.constant 1.000000e+00 : f32
    %max3A_9 = vector.broadcast %max3A : f32 to vector<512x16xf32>
    %max3A_10 = arith.maximumf %add3A, %max3A_9 : vector<512x16xf32>
    %div3A = arith.constant 1.000000e+00 : f32
    %div3A_11 = vector.broadcast %div3A : f32 to vector<512x16xf32>
    %div3A_12 = arith.divf %div3A_11, %max3A_10 : vector<512x16xf32>
    %get3A_13 = arith.constant 0 : index
    %get3A_14 = arith.constant 0 : index
    %get3A_15 = arith.constant 0 : index
    %get3A_16 = vector.load %arg1[%get3A_13, %get3A_14, %get3A_15] : memref<2x512x128xf32, #tpu.memory_space<vmem>>, vector<1x512x128xf32>
    %get3A_17 = vector.shape_cast %get3A_16 : vector<1x512x128xf32> to vector<512x128xf32>
    %get3A_18 = arith.constant 1 : index
    %get3A_19 = arith.constant 0 : index
    %get3A_20 = arith.constant 0 : index
    %get3A_21 = vector.load %arg1[%get3A_18, %get3A_19, %get3A_20] : memref<2x512x128xf32, #tpu.memory_space<vmem>>, vector<1x512x128xf32>
    %get3A_22 = vector.shape_cast %get3A_21 : vector<1x512x128xf32> to vector<512x128xf32>
    %add3A_23 = arith.addf %get3A_17, %get3A_22 : vector<512x128xf32>
    %slice3A = vector.extract_strided_slice %div3A_12 {offsets = [0, 0], sizes = [512, 1], strides = [1, 1]} : vector<512x16xf32> to vector<512x1xf32>
    %mul3A = vector.broadcast %slice3A : vector<512x1xf32> to vector<512x128xf32>
    %mul3A_24 = arith.mulf %add3A_23, %mul3A : vector<512x128xf32>
    %get3A_25 = arith.constant 0 : index
    %get3A_26 = arith.constant 0 : index
    %get3A_27 = vector.load %arg4[%get3A_25, %get3A_26] : memref<128x128xf32, #tpu.memory_space<vmem>>, vector<128x128xf32>
    %convert_element_type3A = arith.truncf %mul3A_24 : vector<512x128xf32> to vector<512x128xbf16>
    %convert_element_type3A_28 = arith.truncf %get3A_27 : vector<128x128xf32> to vector<128x128xbf16>
    %dot_general3A = arith.constant dense<0.000000e+00> : vector<512x128xf32>
    %dot_general3A_29 = tpu.matmul %convert_element_type3A, %convert_element_type3A_28, %dot_general3A {dimension_numbers = #tpu.dot_dimension_numbers<[1], [0], [0], [1], [0, 0, 1, 1], [], []>, transpose_lhs_hint = false} : vector<512x128xbf16>, vector<128x128xbf16>, vector<512x128xf32> -> vector<512x128xf32>
    %get3A_30 = arith.constant 0 : index
    %get3A_31 = arith.constant 0 : index
    %get3A_32 = vector.load %arg5[%get3A_30, %get3A_31] : memref<1x128xf32, #tpu.memory_space<vmem>>, vector<1x128xf32>
    %add3A_33 = vector.broadcast %get3A_32 : vector<1x128xf32> to vector<512x128xf32>
    %add3A_34 = arith.addf %dot_general3A_29, %add3A_33 : vector<512x128xf32>
    %get3A_35 = arith.constant 0 : index
    %get3A_36 = arith.constant 0 : index
    %get3A_37 = vector.load %arg3[%get3A_35, %get3A_36] : memref<512x128xf32, #tpu.memory_space<vmem>>, vector<512x128xf32>
    %get3A_38 = arith.constant 0 : index
    %get3A_39 = arith.constant 0 : index
    %get3A_40 = vector.load %arg6[%get3A_38, %get3A_39] : memref<128x128xf32, #tpu.memory_space<vmem>>, vector<128x128xf32>
    %convert_element_type3A_41 = arith.truncf %get3A_37 : vector<512x128xf32> to vector<512x128xbf16>
    %convert_element_type3A_42 = arith.truncf %get3A_40 : vector<128x128xf32> to vector<128x128xbf16>
    %dot_general3A_43 = arith.constant dense<0.000000e+00> : vector<512x128xf32>
    %dot_general3A_44 = tpu.matmul %convert_element_type3A_41, %convert_element_type3A_42, %dot_general3A_43 {dimension_numbers = #tpu.dot_dimension_numbers<[1], [0], [0], [1], [0, 0, 1, 1], [], []>, transpose_lhs_hint = false} : vector<512x128xbf16>, vector<128x128xbf16>, vector<512x128xf32> -> vector<512x128xf32>
    %add3A_45 = arith.addf %add3A_34, %dot_general3A_44 : vector<512x128xf32>
    %tanh3A = math.tanh %add3A_45 : vector<512x128xf32>
    %swap3A = arith.constant 0 : index
    %swap3A_46 = arith.constant 0 : index
    %swap3A_47 = vector.load %arg7[%swap3A, %swap3A_46] : memref<512x128xf32, #tpu.memory_space<vmem>>, vector<512x128xf32>
    tpu.vector_store %arg7[%swap3A, %swap3A_46], %tanh3A {strides = array<i32>} : memref<512x128xf32, #tpu.memory_space<vmem>>, vector<512x128xf32>,
    %swap3A_48 = arith.constant 0 : index
    %swap3A_49 = arith.constant 0 : index
    %swap3A_50 = vector.load %arg8[%swap3A_48, %swap3A_49] : memref<512x16xf32, #tpu.memory_space<vmem>>, vector<512x16xf32>
    tpu.vector_store %arg8[%swap3A_48, %swap3A_49], %div3A_12 {strides = array<i32>} : memref<512x16xf32, #tpu.memory_space<vmem>>, vector<512x16xf32>,
    return
  }
  func.func @transform_0(%arg0: i32) -> (i32, i32, i32) {
    %c0_i32 = arith.constant 0 : i32
    %c0_i32_0 = arith.constant 0 : i32
    %c0_i32_1 = arith.constant 0 : i32
    return %c0_i32, %arg0, %c0_i32_0 : i32, i32, i32
  }
  func.func @transform_1(%arg0: i32) -> (i32, i32, i32) {
    %c0_i32 = arith.constant 0 : i32
    %c0_i32_0 = arith.constant 0 : i32
    %c0_i32_1 = arith.constant 0 : i32
    return %c0_i32, %arg0, %c0_i32_0 : i32, i32, i32
  }
  func.func @transform_2(%arg0: i32) -> (i32, i32) {
    %c0_i32 = arith.constant 0 : i32
    %c0_i32_0 = arith.constant 0 : i32
    return %arg0, %c0_i32 : i32, i32
  }
  func.func @transform_3(%arg0: i32) -> (i32, i32) {
    %c0_i32 = arith.constant 0 : i32
    %c0_i32_0 = arith.constant 0 : i32
    %c0_i32_1 = arith.constant 0 : i32
    return %c0_i32, %c0_i32_0 : i32, i32
  }
  func.func @transform_4(%arg0: i32) -> (i32, i32) {
    %c0_i32 = arith.constant 0 : i32
    %c0_i32_0 = arith.constant 0 : i32
    %c0_i32_1 = arith.constant 0 : i32
    return %c0_i32, %c0_i32_0 : i32, i32
  }
  func.func @transform_5(%arg0: i32) -> (i32, i32) {
    %c0_i32 = arith.constant 0 : i32
    %c0_i32_0 = arith.constant 0 : i32
    %c0_i32_1 = arith.constant 0 : i32
    return %c0_i32, %c0_i32_0 : i32, i32
  }
  func.func @transform_6(%arg0: i32) -> (i32, i32) {
    %c0_i32 = arith.constant 0 : i32
    %c0_i32_0 = arith.constant 0 : i32
    return %arg0, %c0_i32 : i32, i32
  }
  func.func @transform_7(%arg0: i32) -> (i32, i32) {
    %c0_i32 = arith.constant 0 : i32
    %c0_i32_0 = arith.constant 0 : i32
    return %arg0, %c0_i32 : i32, i32
  }
}

module attributes {stable_mosaic.version = 14 : i64} {
  func.func @_mid_body(%arg0: i32, %arg1: memref<2x512x128xf32, #tpu.memory_space<vmem>>, %arg2: memref<512x16xf32, #tpu.memory_space<vmem>>, %arg3: memref<512x128xf32, #tpu.memory_space<vmem>>, %arg4: memref<128x128xf32, #tpu.memory_space<vmem>>, %arg5: memref<1x128xf32, #tpu.memory_space<vmem>>, %arg6: memref<128x128xf32, #tpu.memory_space<vmem>>, %arg7: memref<512x128xf32, #tpu.memory_space<vmem>>) attributes {dimension_semantics = [#tpu.dimension_semantics<arbitrary>], iteration_bounds = array<i64: 20>, scalar_prefetch = 0 : i64, scratch_operands = 0 : i64, tpu.core_type = #tpu.core_type<tc>, window_params = [{transform_indices = @transform_0, window_bounds = array<i64: 2, 512, 128>}, {transform_indices = @transform_1, window_bounds = array<i64: 512, 16>}, {transform_indices = @transform_2, window_bounds = array<i64: 512, 128>}, {pipeline_mode = #tpu.pipeline_mode<synchronous>, transform_indices = @transform_3, window_bounds = array<i64: 128, 128>}, {pipeline_mode = #tpu.pipeline_mode<synchronous>, transform_indices = @transform_4, window_bounds = array<i64: 1, 128>}, {pipeline_mode = #tpu.pipeline_mode<synchronous>, transform_indices = @transform_5, window_bounds = array<i64: 128, 128>}, {transform_indices = @transform_6, window_bounds = array<i64: 512, 128>}]} {
    %get3A = arith.constant 0 : index
    %get3A_0 = arith.constant 0 : index
    %get3A_1 = arith.constant 0 : index
    %get3A_2 = vector.load %arg1[%get3A, %get3A_0, %get3A_1] : memref<2x512x128xf32, #tpu.memory_space<vmem>>, vector<1x512x128xf32>
    %get3A_3 = vector.shape_cast %get3A_2 : vector<1x512x128xf32> to vector<512x128xf32>
    %get3A_4 = arith.constant 1 : index
    %get3A_5 = arith.constant 0 : index
    %get3A_6 = arith.constant 0 : index
    %get3A_7 = vector.load %arg1[%get3A_4, %get3A_5, %get3A_6] : memref<2x512x128xf32, #tpu.memory_space<vmem>>, vector<1x512x128xf32>
    %get3A_8 = vector.shape_cast %get3A_7 : vector<1x512x128xf32> to vector<512x128xf32>
    %add3A = arith.addf %get3A_3, %get3A_8 : vector<512x128xf32>
    %get3A_9 = arith.constant 0 : index
    %get3A_10 = arith.constant 0 : index
    %get3A_11 = vector.load %arg2[%get3A_9, %get3A_10] : memref<512x16xf32, #tpu.memory_space<vmem>>, vector<512x1xf32>
    %mul3A = vector.broadcast %get3A_11 : vector<512x1xf32> to vector<512x128xf32>
    %mul3A_12 = arith.mulf %add3A, %mul3A : vector<512x128xf32>
    %get3A_13 = arith.constant 0 : index
    %get3A_14 = arith.constant 0 : index
    %get3A_15 = vector.load %arg4[%get3A_13, %get3A_14] : memref<128x128xf32, #tpu.memory_space<vmem>>, vector<128x128xf32>
    %convert_element_type3A = arith.truncf %mul3A_12 : vector<512x128xf32> to vector<512x128xbf16>
    %convert_element_type3A_16 = arith.truncf %get3A_15 : vector<128x128xf32> to vector<128x128xbf16>
    %dot_general3A = arith.constant dense<0.000000e+00> : vector<512x128xf32>
    %dot_general3A_17 = tpu.matmul %convert_element_type3A, %convert_element_type3A_16, %dot_general3A {dimension_numbers = #tpu.dot_dimension_numbers<[1], [0], [0], [1], [0, 0, 1, 1], [], []>, transpose_lhs_hint = false} : vector<512x128xbf16>, vector<128x128xbf16>, vector<512x128xf32> -> vector<512x128xf32>
    %get3A_18 = arith.constant 0 : index
    %get3A_19 = arith.constant 0 : index
    %get3A_20 = vector.load %arg5[%get3A_18, %get3A_19] : memref<1x128xf32, #tpu.memory_space<vmem>>, vector<1x128xf32>
    %add3A_21 = vector.broadcast %get3A_20 : vector<1x128xf32> to vector<512x128xf32>
    %add3A_22 = arith.addf %dot_general3A_17, %add3A_21 : vector<512x128xf32>
    %get3A_23 = arith.constant 0 : index
    %get3A_24 = arith.constant 0 : index
    %get3A_25 = vector.load %arg3[%get3A_23, %get3A_24] : memref<512x128xf32, #tpu.memory_space<vmem>>, vector<512x128xf32>
    %get3A_26 = arith.constant 0 : index
    %get3A_27 = arith.constant 0 : index
    %get3A_28 = vector.load %arg6[%get3A_26, %get3A_27] : memref<128x128xf32, #tpu.memory_space<vmem>>, vector<128x128xf32>
    %convert_element_type3A_29 = arith.truncf %get3A_25 : vector<512x128xf32> to vector<512x128xbf16>
    %convert_element_type3A_30 = arith.truncf %get3A_28 : vector<128x128xf32> to vector<128x128xbf16>
    %dot_general3A_31 = arith.constant dense<0.000000e+00> : vector<512x128xf32>
    %dot_general3A_32 = tpu.matmul %convert_element_type3A_29, %convert_element_type3A_30, %dot_general3A_31 {dimension_numbers = #tpu.dot_dimension_numbers<[1], [0], [0], [1], [0, 0, 1, 1], [], []>, transpose_lhs_hint = false} : vector<512x128xbf16>, vector<128x128xbf16>, vector<512x128xf32> -> vector<512x128xf32>
    %add3A_33 = arith.addf %add3A_22, %dot_general3A_32 : vector<512x128xf32>
    %tanh3A = math.tanh %add3A_33 : vector<512x128xf32>
    %swap3A = arith.constant 0 : index
    %swap3A_34 = arith.constant 0 : index
    %swap3A_35 = vector.load %arg7[%swap3A, %swap3A_34] : memref<512x128xf32, #tpu.memory_space<vmem>>, vector<512x128xf32>
    tpu.vector_store %arg7[%swap3A, %swap3A_34], %tanh3A {strides = array<i32>} : memref<512x128xf32, #tpu.memory_space<vmem>>, vector<512x128xf32>,
    return
  }
  func.func @transform_0(%arg0: i32) -> (i32, i32, i32) {
    %c0_i32 = arith.constant 0 : i32
    %c0_i32_0 = arith.constant 0 : i32
    %c0_i32_1 = arith.constant 0 : i32
    return %c0_i32, %arg0, %c0_i32_0 : i32, i32, i32
  }
  func.func @transform_1(%arg0: i32) -> (i32, i32) {
    %c0_i32 = arith.constant 0 : i32
    %c0_i32_0 = arith.constant 0 : i32
    return %arg0, %c0_i32 : i32, i32
  }
  func.func @transform_2(%arg0: i32) -> (i32, i32) {
    %c0_i32 = arith.constant 0 : i32
    %c0_i32_0 = arith.constant 0 : i32
    return %arg0, %c0_i32 : i32, i32
  }
  func.func @transform_3(%arg0: i32) -> (i32, i32) {
    %c0_i32 = arith.constant 0 : i32
    %c0_i32_0 = arith.constant 0 : i32
    %c0_i32_1 = arith.constant 0 : i32
    return %c0_i32, %c0_i32_0 : i32, i32
  }
  func.func @transform_4(%arg0: i32) -> (i32, i32) {
    %c0_i32 = arith.constant 0 : i32
    %c0_i32_0 = arith.constant 0 : i32
    %c0_i32_1 = arith.constant 0 : i32
    return %c0_i32, %c0_i32_0 : i32, i32
  }
  func.func @transform_5(%arg0: i32) -> (i32, i32) {
    %c0_i32 = arith.constant 0 : i32
    %c0_i32_0 = arith.constant 0 : i32
    %c0_i32_1 = arith.constant 0 : i32
    return %c0_i32, %c0_i32_0 : i32, i32
  }
  func.func @transform_6(%arg0: i32) -> (i32, i32) {
    %c0_i32 = arith.constant 0 : i32
    %c0_i32_0 = arith.constant 0 : i32
    return %arg0, %c0_i32 : i32, i32
  }
}

module attributes {stable_mosaic.version = 14 : i64} {
  func.func @_l3_body(%arg0: i32, %arg1: memref<2x512x128xf32, #tpu.memory_space<vmem>>, %arg2: memref<512x16xf32, #tpu.memory_space<vmem>>, %arg3: memref<512x128xf32, #tpu.memory_space<vmem>>, %arg4: memref<128x128xf32, #tpu.memory_space<vmem>>, %arg5: memref<1x128xf32, #tpu.memory_space<vmem>>, %arg6: memref<128x128xf32, #tpu.memory_space<vmem>>, %arg7: memref<128x64xf32, #tpu.memory_space<vmem>>, %arg8: memref<1x64xf32, #tpu.memory_space<vmem>>, %arg9: memref<64x128xf32, #tpu.memory_space<vmem>>, %arg10: memref<1x128xf32, #tpu.memory_space<vmem>>, %arg11: memref<512x64xf32, #tpu.memory_space<vmem>>, %arg12: memref<512x128xf32, #tpu.memory_space<vmem>>) attributes {dimension_semantics = [#tpu.dimension_semantics<arbitrary>], iteration_bounds = array<i64: 20>, scalar_prefetch = 0 : i64, scratch_operands = 0 : i64, tpu.core_type = #tpu.core_type<tc>, window_params = [{transform_indices = @transform_0, window_bounds = array<i64: 2, 512, 128>}, {transform_indices = @transform_1, window_bounds = array<i64: 512, 16>}, {transform_indices = @transform_2, window_bounds = array<i64: 512, 128>}, {pipeline_mode = #tpu.pipeline_mode<synchronous>, transform_indices = @transform_3, window_bounds = array<i64: 128, 128>}, {pipeline_mode = #tpu.pipeline_mode<synchronous>, transform_indices = @transform_4, window_bounds = array<i64: 1, 128>}, {pipeline_mode = #tpu.pipeline_mode<synchronous>, transform_indices = @transform_5, window_bounds = array<i64: 128, 128>}, {pipeline_mode = #tpu.pipeline_mode<synchronous>, transform_indices = @transform_6, window_bounds = array<i64: 128, 64>}, {pipeline_mode = #tpu.pipeline_mode<synchronous>, transform_indices = @transform_7, window_bounds = array<i64: 1, 64>}, {pipeline_mode = #tpu.pipeline_mode<synchronous>, transform_indices = @transform_8, window_bounds = array<i64: 64, 128>}, {pipeline_mode = #tpu.pipeline_mode<synchronous>, transform_indices = @transform_9, window_bounds = array<i64: 1, 128>}, {transform_indices = @transform_10, window_bounds = array<i64: 512, 64>}, {transform_indices = @transform_11, window_bounds = array<i64: 512, 128>}]} {
    %get3A = arith.constant 0 : index
    %get3A_0 = arith.constant 0 : index
    %get3A_1 = arith.constant 0 : index
    %get3A_2 = vector.load %arg1[%get3A, %get3A_0, %get3A_1] : memref<2x512x128xf32, #tpu.memory_space<vmem>>, vector<1x512x128xf32>
    %get3A_3 = vector.shape_cast %get3A_2 : vector<1x512x128xf32> to vector<512x128xf32>
    %get3A_4 = arith.constant 1 : index
    %get3A_5 = arith.constant 0 : index
    %get3A_6 = arith.constant 0 : index
    %get3A_7 = vector.load %arg1[%get3A_4, %get3A_5, %get3A_6] : memref<2x512x128xf32, #tpu.memory_space<vmem>>, vector<1x512x128xf32>
    %get3A_8 = vector.shape_cast %get3A_7 : vector<1x512x128xf32> to vector<512x128xf32>
    %add3A = arith.addf %get3A_3, %get3A_8 : vector<512x128xf32>
    %get3A_9 = arith.constant 0 : index
    %get3A_10 = arith.constant 0 : index
    %get3A_11 = vector.load %arg2[%get3A_9, %get3A_10] : memref<512x16xf32, #tpu.memory_space<vmem>>, vector<512x1xf32>
    %mul3A = vector.broadcast %get3A_11 : vector<512x1xf32> to vector<512x128xf32>
    %mul3A_12 = arith.mulf %add3A, %mul3A : vector<512x128xf32>
    %get3A_13 = arith.constant 0 : index
    %get3A_14 = arith.constant 0 : index
    %get3A_15 = vector.load %arg4[%get3A_13, %get3A_14] : memref<128x128xf32, #tpu.memory_space<vmem>>, vector<128x128xf32>
    %convert_element_type3A = arith.truncf %mul3A_12 : vector<512x128xf32> to vector<512x128xbf16>
    %convert_element_type3A_16 = arith.truncf %get3A_15 : vector<128x128xf32> to vector<128x128xbf16>
    %dot_general3A = arith.constant dense<0.000000e+00> : vector<512x128xf32>
    %dot_general3A_17 = tpu.matmul %convert_element_type3A, %convert_element_type3A_16, %dot_general3A {dimension_numbers = #tpu.dot_dimension_numbers<[1], [0], [0], [1], [0, 0, 1, 1], [], []>, transpose_lhs_hint = false} : vector<512x128xbf16>, vector<128x128xbf16>, vector<512x128xf32> -> vector<512x128xf32>
    %get3A_18 = arith.constant 0 : index
    %get3A_19 = arith.constant 0 : index
    %get3A_20 = vector.load %arg5[%get3A_18, %get3A_19] : memref<1x128xf32, #tpu.memory_space<vmem>>, vector<1x128xf32>
    %add3A_21 = vector.broadcast %get3A_20 : vector<1x128xf32> to vector<512x128xf32>
    %add3A_22 = arith.addf %dot_general3A_17, %add3A_21 : vector<512x128xf32>
    %get3A_23 = arith.constant 0 : index
    %get3A_24 = arith.constant 0 : index
    %get3A_25 = vector.load %arg3[%get3A_23, %get3A_24] : memref<512x128xf32, #tpu.memory_space<vmem>>, vector<512x128xf32>
    %get3A_26 = arith.constant 0 : index
    %get3A_27 = arith.constant 0 : index
    %get3A_28 = vector.load %arg6[%get3A_26, %get3A_27] : memref<128x128xf32, #tpu.memory_space<vmem>>, vector<128x128xf32>
    %convert_element_type3A_29 = arith.truncf %get3A_25 : vector<512x128xf32> to vector<512x128xbf16>
    %convert_element_type3A_30 = arith.truncf %get3A_28 : vector<128x128xf32> to vector<128x128xbf16>
    %dot_general3A_31 = arith.constant dense<0.000000e+00> : vector<512x128xf32>
    %dot_general3A_32 = tpu.matmul %convert_element_type3A_29, %convert_element_type3A_30, %dot_general3A_31 {dimension_numbers = #tpu.dot_dimension_numbers<[1], [0], [0], [1], [0, 0, 1, 1], [], []>, transpose_lhs_hint = false} : vector<512x128xbf16>, vector<128x128xbf16>, vector<512x128xf32> -> vector<512x128xf32>
    %add3A_33 = arith.addf %add3A_22, %dot_general3A_32 : vector<512x128xf32>
    %tanh3A = math.tanh %add3A_33 : vector<512x128xf32>
    %get3A_34 = arith.constant 0 : index
    %get3A_35 = arith.constant 0 : index
    %get3A_36 = vector.load %arg7[%get3A_34, %get3A_35] : memref<128x64xf32, #tpu.memory_space<vmem>>, vector<128x64xf32>
    %convert_element_type3A_37 = arith.truncf %tanh3A : vector<512x128xf32> to vector<512x128xbf16>
    %convert_element_type3A_38 = arith.truncf %get3A_36 : vector<128x64xf32> to vector<128x64xbf16>
    %dot_general3A_39 = arith.constant dense<0.000000e+00> : vector<512x64xf32>
    %dot_general3A_40 = tpu.matmul %convert_element_type3A_37, %convert_element_type3A_38, %dot_general3A_39 {dimension_numbers = #tpu.dot_dimension_numbers<[1], [0], [0], [1], [0, 0, 1, 1], [], []>, transpose_lhs_hint = false} : vector<512x128xbf16>, vector<128x64xbf16>, vector<512x64xf32> -> vector<512x64xf32>
    %get3A_41 = arith.constant 0 : index
    %get3A_42 = arith.constant 0 : index
    %get3A_43 = vector.load %arg8[%get3A_41, %get3A_42] : memref<1x64xf32, #tpu.memory_space<vmem>>, vector<1x64xf32>
    %add3A_44 = vector.broadcast %get3A_43 : vector<1x64xf32> to vector<512x64xf32>
    %add3A_45 = arith.addf %dot_general3A_40, %add3A_44 : vector<512x64xf32>
    %swap3A = arith.constant 0 : index
    %swap3A_46 = arith.constant 0 : index
    %swap3A_47 = vector.load %arg11[%swap3A, %swap3A_46] : memref<512x64xf32, #tpu.memory_space<vmem>>, vector<512x64xf32>
    tpu.vector_store %arg11[%swap3A, %swap3A_46], %add3A_45 {strides = array<i32>} : memref<512x64xf32, #tpu.memory_space<vmem>>, vector<512x64xf32>,
    %get3A_48 = arith.constant 0 : index
    %get3A_49 = arith.constant 0 : index
    %get3A_50 = vector.load %arg9[%get3A_48, %get3A_49] : memref<64x128xf32, #tpu.memory_space<vmem>>, vector<64x128xf32>
    %convert_element_type3A_51 = arith.truncf %add3A_45 : vector<512x64xf32> to vector<512x64xbf16>
    %convert_element_type3A_52 = arith.truncf %get3A_50 : vector<64x128xf32> to vector<64x128xbf16>
    %dot_general3A_53 = arith.constant dense<0.000000e+00> : vector<512x128xf32>
    %dot_general3A_54 = tpu.matmul %convert_element_type3A_51, %convert_element_type3A_52, %dot_general3A_53 {dimension_numbers = #tpu.dot_dimension_numbers<[1], [0], [0], [1], [0, 0, 1, 1], [], []>, transpose_lhs_hint = false} : vector<512x64xbf16>, vector<64x128xbf16>, vector<512x128xf32> -> vector<512x128xf32>
    %get3A_55 = arith.constant 0 : index
    %get3A_56 = arith.constant 0 : index
    %get3A_57 = vector.load %arg10[%get3A_55, %get3A_56] : memref<1x128xf32, #tpu.memory_space<vmem>>, vector<1x128xf32>
    %add3A_58 = vector.broadcast %get3A_57 : vector<1x128xf32> to vector<512x128xf32>
    %add3A_59 = arith.addf %dot_general3A_54, %add3A_58 : vector<512x128xf32>
    %ge3A = arith.constant 0.000000e+00 : f32
    %ge3A_60 = vector.broadcast %ge3A : f32 to vector<512x128xf32>
    %ge3A_61 = arith.cmpf oge, %add3A_59, %ge3A_60 : vector<512x128xf32>
    %mul3A_62 = arith.constant 0.00999999977 : f32
    %mul3A_63 = vector.broadcast %mul3A_62 : f32 to vector<512x128xf32>
    %mul3A_64 = arith.mulf %mul3A_63, %add3A_59 : vector<512x128xf32>
    %select_n3A = arith.select %ge3A_61, %add3A_59, %mul3A_64 : vector<512x128xi1>, vector<512x128xf32>
    %swap3A_65 = arith.constant 0 : index
    %swap3A_66 = arith.constant 0 : index
    %swap3A_67 = vector.load %arg12[%swap3A_65, %swap3A_66] : memref<512x128xf32, #tpu.memory_space<vmem>>, vector<512x128xf32>
    tpu.vector_store %arg12[%swap3A_65, %swap3A_66], %select_n3A {strides = array<i32>} : memref<512x128xf32, #tpu.memory_space<vmem>>, vector<512x128xf32>,
    return
  }
  func.func @transform_0(%arg0: i32) -> (i32, i32, i32) {
    %c0_i32 = arith.constant 0 : i32
    %c0_i32_0 = arith.constant 0 : i32
    %c0_i32_1 = arith.constant 0 : i32
    return %c0_i32, %arg0, %c0_i32_0 : i32, i32, i32
  }
  func.func @transform_1(%arg0: i32) -> (i32, i32) {
    %c0_i32 = arith.constant 0 : i32
    %c0_i32_0 = arith.constant 0 : i32
    return %arg0, %c0_i32 : i32, i32
  }
  func.func @transform_2(%arg0: i32) -> (i32, i32) {
    %c0_i32 = arith.constant 0 : i32
    %c0_i32_0 = arith.constant 0 : i32
    return %arg0, %c0_i32 : i32, i32
  }
  func.func @transform_3(%arg0: i32) -> (i32, i32) {
    %c0_i32 = arith.constant 0 : i32
    %c0_i32_0 = arith.constant 0 : i32
    %c0_i32_1 = arith.constant 0 : i32
    return %c0_i32, %c0_i32_0 : i32, i32
  }
  func.func @transform_4(%arg0: i32) -> (i32, i32) {
    %c0_i32 = arith.constant 0 : i32
    %c0_i32_0 = arith.constant 0 : i32
    %c0_i32_1 = arith.constant 0 : i32
    return %c0_i32, %c0_i32_0 : i32, i32
  }
  func.func @transform_5(%arg0: i32) -> (i32, i32) {
    %c0_i32 = arith.constant 0 : i32
    %c0_i32_0 = arith.constant 0 : i32
    %c0_i32_1 = arith.constant 0 : i32
    return %c0_i32, %c0_i32_0 : i32, i32
  }
  func.func @transform_6(%arg0: i32) -> (i32, i32) {
    %c0_i32 = arith.constant 0 : i32
    %c0_i32_0 = arith.constant 0 : i32
    %c0_i32_1 = arith.constant 0 : i32
    return %c0_i32, %c0_i32_0 : i32, i32
  }
  func.func @transform_7(%arg0: i32) -> (i32, i32) {
    %c0_i32 = arith.constant 0 : i32
    %c0_i32_0 = arith.constant 0 : i32
    %c0_i32_1 = arith.constant 0 : i32
    return %c0_i32, %c0_i32_0 : i32, i32
  }
  func.func @transform_8(%arg0: i32) -> (i32, i32) {
    %c0_i32 = arith.constant 0 : i32
    %c0_i32_0 = arith.constant 0 : i32
    %c0_i32_1 = arith.constant 0 : i32
    return %c0_i32, %c0_i32_0 : i32, i32
  }
  func.func @transform_9(%arg0: i32) -> (i32, i32) {
    %c0_i32 = arith.constant 0 : i32
    %c0_i32_0 = arith.constant 0 : i32
    %c0_i32_1 = arith.constant 0 : i32
    return %c0_i32, %c0_i32_0 : i32, i32
  }
  func.func @transform_10(%arg0: i32) -> (i32, i32) {
    %c0_i32 = arith.constant 0 : i32
    %c0_i32_0 = arith.constant 0 : i32
    return %arg0, %c0_i32 : i32, i32
  }
  func.func @transform_11(%arg0: i32) -> (i32, i32) {
    %c0_i32 = arith.constant 0 : i32
    %c0_i32_0 = arith.constant 0 : i32
    return %arg0, %c0_i32 : i32, i32
  }
}

module attributes {stable_mosaic.version = 14 : i64} {
  func.func @_mid_body(%arg0: i32, %arg1: memref<2x512x128xf32, #tpu.memory_space<vmem>>, %arg2: memref<512x16xf32, #tpu.memory_space<vmem>>, %arg3: memref<512x128xf32, #tpu.memory_space<vmem>>, %arg4: memref<128x128xf32, #tpu.memory_space<vmem>>, %arg5: memref<1x128xf32, #tpu.memory_space<vmem>>, %arg6: memref<128x128xf32, #tpu.memory_space<vmem>>, %arg7: memref<512x128xf32, #tpu.memory_space<vmem>>) attributes {dimension_semantics = [#tpu.dimension_semantics<arbitrary>], iteration_bounds = array<i64: 20>, scalar_prefetch = 0 : i64, scratch_operands = 0 : i64, tpu.core_type = #tpu.core_type<tc>, window_params = [{transform_indices = @transform_0, window_bounds = array<i64: 2, 512, 128>}, {transform_indices = @transform_1, window_bounds = array<i64: 512, 16>}, {transform_indices = @transform_2, window_bounds = array<i64: 512, 128>}, {pipeline_mode = #tpu.pipeline_mode<synchronous>, transform_indices = @transform_3, window_bounds = array<i64: 128, 128>}, {pipeline_mode = #tpu.pipeline_mode<synchronous>, transform_indices = @transform_4, window_bounds = array<i64: 1, 128>}, {pipeline_mode = #tpu.pipeline_mode<synchronous>, transform_indices = @transform_5, window_bounds = array<i64: 128, 128>}, {transform_indices = @transform_6, window_bounds = array<i64: 512, 128>}]} {
    %get3A = arith.constant 0 : index
    %get3A_0 = arith.constant 0 : index
    %get3A_1 = arith.constant 0 : index
    %get3A_2 = vector.load %arg1[%get3A, %get3A_0, %get3A_1] : memref<2x512x128xf32, #tpu.memory_space<vmem>>, vector<1x512x128xf32>
    %get3A_3 = vector.shape_cast %get3A_2 : vector<1x512x128xf32> to vector<512x128xf32>
    %get3A_4 = arith.constant 1 : index
    %get3A_5 = arith.constant 0 : index
    %get3A_6 = arith.constant 0 : index
    %get3A_7 = vector.load %arg1[%get3A_4, %get3A_5, %get3A_6] : memref<2x512x128xf32, #tpu.memory_space<vmem>>, vector<1x512x128xf32>
    %get3A_8 = vector.shape_cast %get3A_7 : vector<1x512x128xf32> to vector<512x128xf32>
    %add3A = arith.addf %get3A_3, %get3A_8 : vector<512x128xf32>
    %get3A_9 = arith.constant 0 : index
    %get3A_10 = arith.constant 0 : index
    %get3A_11 = vector.load %arg2[%get3A_9, %get3A_10] : memref<512x16xf32, #tpu.memory_space<vmem>>, vector<512x1xf32>
    %mul3A = vector.broadcast %get3A_11 : vector<512x1xf32> to vector<512x128xf32>
    %mul3A_12 = arith.mulf %add3A, %mul3A : vector<512x128xf32>
    %get3A_13 = arith.constant 0 : index
    %get3A_14 = arith.constant 0 : index
    %get3A_15 = vector.load %arg4[%get3A_13, %get3A_14] : memref<128x128xf32, #tpu.memory_space<vmem>>, vector<128x128xf32>
    %convert_element_type3A = arith.truncf %mul3A_12 : vector<512x128xf32> to vector<512x128xbf16>
    %convert_element_type3A_16 = arith.truncf %get3A_15 : vector<128x128xf32> to vector<128x128xbf16>
    %dot_general3A = arith.constant dense<0.000000e+00> : vector<512x128xf32>
    %dot_general3A_17 = tpu.matmul %convert_element_type3A, %convert_element_type3A_16, %dot_general3A {dimension_numbers = #tpu.dot_dimension_numbers<[1], [0], [0], [1], [0, 0, 1, 1], [], []>, transpose_lhs_hint = false} : vector<512x128xbf16>, vector<128x128xbf16>, vector<512x128xf32> -> vector<512x128xf32>
    %get3A_18 = arith.constant 0 : index
    %get3A_19 = arith.constant 0 : index
    %get3A_20 = vector.load %arg5[%get3A_18, %get3A_19] : memref<1x128xf32, #tpu.memory_space<vmem>>, vector<1x128xf32>
    %add3A_21 = vector.broadcast %get3A_20 : vector<1x128xf32> to vector<512x128xf32>
    %add3A_22 = arith.addf %dot_general3A_17, %add3A_21 : vector<512x128xf32>
    %get3A_23 = arith.constant 0 : index
    %get3A_24 = arith.constant 0 : index
    %get3A_25 = vector.load %arg3[%get3A_23, %get3A_24] : memref<512x128xf32, #tpu.memory_space<vmem>>, vector<512x128xf32>
    %get3A_26 = arith.constant 0 : index
    %get3A_27 = arith.constant 0 : index
    %get3A_28 = vector.load %arg6[%get3A_26, %get3A_27] : memref<128x128xf32, #tpu.memory_space<vmem>>, vector<128x128xf32>
    %convert_element_type3A_29 = arith.truncf %get3A_25 : vector<512x128xf32> to vector<512x128xbf16>
    %convert_element_type3A_30 = arith.truncf %get3A_28 : vector<128x128xf32> to vector<128x128xbf16>
    %dot_general3A_31 = arith.constant dense<0.000000e+00> : vector<512x128xf32>
    %dot_general3A_32 = tpu.matmul %convert_element_type3A_29, %convert_element_type3A_30, %dot_general3A_31 {dimension_numbers = #tpu.dot_dimension_numbers<[1], [0], [0], [1], [0, 0, 1, 1], [], []>, transpose_lhs_hint = false} : vector<512x128xbf16>, vector<128x128xbf16>, vector<512x128xf32> -> vector<512x128xf32>
    %add3A_33 = arith.addf %add3A_22, %dot_general3A_32 : vector<512x128xf32>
    %ge3A = arith.constant 0.000000e+00 : f32
    %ge3A_34 = vector.broadcast %ge3A : f32 to vector<512x128xf32>
    %ge3A_35 = arith.cmpf oge, %add3A_33, %ge3A_34 : vector<512x128xf32>
    %mul3A_36 = arith.constant 0.00999999977 : f32
    %mul3A_37 = vector.broadcast %mul3A_36 : f32 to vector<512x128xf32>
    %mul3A_38 = arith.mulf %mul3A_37, %add3A_33 : vector<512x128xf32>
    %select_n3A = arith.select %ge3A_35, %add3A_33, %mul3A_38 : vector<512x128xi1>, vector<512x128xf32>
    %swap3A = arith.constant 0 : index
    %swap3A_39 = arith.constant 0 : index
    %swap3A_40 = vector.load %arg7[%swap3A, %swap3A_39] : memref<512x128xf32, #tpu.memory_space<vmem>>, vector<512x128xf32>
    tpu.vector_store %arg7[%swap3A, %swap3A_39], %select_n3A {strides = array<i32>} : memref<512x128xf32, #tpu.memory_space<vmem>>, vector<512x128xf32>,
    return
  }
  func.func @transform_0(%arg0: i32) -> (i32, i32, i32) {
    %c0_i32 = arith.constant 0 : i32
    %c0_i32_0 = arith.constant 0 : i32
    %c0_i32_1 = arith.constant 0 : i32
    return %c0_i32, %arg0, %c0_i32_0 : i32, i32, i32
  }
  func.func @transform_1(%arg0: i32) -> (i32, i32) {
    %c0_i32 = arith.constant 0 : i32
    %c0_i32_0 = arith.constant 0 : i32
    return %arg0, %c0_i32 : i32, i32
  }
  func.func @transform_2(%arg0: i32) -> (i32, i32) {
    %c0_i32 = arith.constant 0 : i32
    %c0_i32_0 = arith.constant 0 : i32
    return %arg0, %c0_i32 : i32, i32
  }
  func.func @transform_3(%arg0: i32) -> (i32, i32) {
    %c0_i32 = arith.constant 0 : i32
    %c0_i32_0 = arith.constant 0 : i32
    %c0_i32_1 = arith.constant 0 : i32
    return %c0_i32, %c0_i32_0 : i32, i32
  }
  func.func @transform_4(%arg0: i32) -> (i32, i32) {
    %c0_i32 = arith.constant 0 : i32
    %c0_i32_0 = arith.constant 0 : i32
    %c0_i32_1 = arith.constant 0 : i32
    return %c0_i32, %c0_i32_0 : i32, i32
  }
  func.func @transform_5(%arg0: i32) -> (i32, i32) {
    %c0_i32 = arith.constant 0 : i32
    %c0_i32_0 = arith.constant 0 : i32
    %c0_i32_1 = arith.constant 0 : i32
    return %c0_i32, %c0_i32_0 : i32, i32
  }
  func.func @transform_6(%arg0: i32) -> (i32, i32) {
    %c0_i32 = arith.constant 0 : i32
    %c0_i32_0 = arith.constant 0 : i32
    return %arg0, %c0_i32 : i32, i32
  }
}

module attributes {stable_mosaic.version = 14 : i64} {
  func.func @_l6_body(%arg0: i32, %arg1: memref<2x512x128xf32, #tpu.memory_space<vmem>>, %arg2: memref<512x16xf32, #tpu.memory_space<vmem>>, %arg3: memref<512x128xf32, #tpu.memory_space<vmem>>, %arg4: memref<128x16xf32, #tpu.memory_space<vmem>>, %arg5: memref<1x16xf32, #tpu.memory_space<vmem>>, %arg6: memref<128x16xf32, #tpu.memory_space<vmem>>, %arg7: memref<512x16xf32, #tpu.memory_space<vmem>>) attributes {dimension_semantics = [#tpu.dimension_semantics<arbitrary>], iteration_bounds = array<i64: 20>, scalar_prefetch = 0 : i64, scratch_operands = 0 : i64, tpu.core_type = #tpu.core_type<tc>, window_params = [{transform_indices = @transform_0, window_bounds = array<i64: 2, 512, 128>}, {transform_indices = @transform_1, window_bounds = array<i64: 512, 16>}, {transform_indices = @transform_2, window_bounds = array<i64: 512, 128>}, {pipeline_mode = #tpu.pipeline_mode<synchronous>, transform_indices = @transform_3, window_bounds = array<i64: 128, 16>}, {pipeline_mode = #tpu.pipeline_mode<synchronous>, transform_indices = @transform_4, window_bounds = array<i64: 1, 16>}, {pipeline_mode = #tpu.pipeline_mode<synchronous>, transform_indices = @transform_5, window_bounds = array<i64: 128, 16>}, {transform_indices = @transform_6, window_bounds = array<i64: 512, 16>}]} {
    %get3A = arith.constant 0 : index
    %get3A_0 = arith.constant 0 : index
    %get3A_1 = arith.constant 0 : index
    %get3A_2 = vector.load %arg1[%get3A, %get3A_0, %get3A_1] : memref<2x512x128xf32, #tpu.memory_space<vmem>>, vector<1x512x128xf32>
    %get3A_3 = vector.shape_cast %get3A_2 : vector<1x512x128xf32> to vector<512x128xf32>
    %get3A_4 = arith.constant 1 : index
    %get3A_5 = arith.constant 0 : index
    %get3A_6 = arith.constant 0 : index
    %get3A_7 = vector.load %arg1[%get3A_4, %get3A_5, %get3A_6] : memref<2x512x128xf32, #tpu.memory_space<vmem>>, vector<1x512x128xf32>
    %get3A_8 = vector.shape_cast %get3A_7 : vector<1x512x128xf32> to vector<512x128xf32>
    %add3A = arith.addf %get3A_3, %get3A_8 : vector<512x128xf32>
    %get3A_9 = arith.constant 0 : index
    %get3A_10 = arith.constant 0 : index
    %get3A_11 = vector.load %arg2[%get3A_9, %get3A_10] : memref<512x16xf32, #tpu.memory_space<vmem>>, vector<512x1xf32>
    %mul3A = vector.broadcast %get3A_11 : vector<512x1xf32> to vector<512x128xf32>
    %mul3A_12 = arith.mulf %add3A, %mul3A : vector<512x128xf32>
    %get3A_13 = arith.constant 0 : index
    %get3A_14 = arith.constant 0 : index
    %get3A_15 = vector.load %arg4[%get3A_13, %get3A_14] : memref<128x16xf32, #tpu.memory_space<vmem>>, vector<128x16xf32>
    %convert_element_type3A = arith.truncf %mul3A_12 : vector<512x128xf32> to vector<512x128xbf16>
    %convert_element_type3A_16 = arith.truncf %get3A_15 : vector<128x16xf32> to vector<128x16xbf16>
    %dot_general3A = arith.constant dense<0.000000e+00> : vector<512x16xf32>
    %dot_general3A_17 = tpu.matmul %convert_element_type3A, %convert_element_type3A_16, %dot_general3A {dimension_numbers = #tpu.dot_dimension_numbers<[1], [0], [0], [1], [0, 0, 1, 1], [], []>, transpose_lhs_hint = false} : vector<512x128xbf16>, vector<128x16xbf16>, vector<512x16xf32> -> vector<512x16xf32>
    %get3A_18 = arith.constant 0 : index
    %get3A_19 = arith.constant 0 : index
    %get3A_20 = vector.load %arg5[%get3A_18, %get3A_19] : memref<1x16xf32, #tpu.memory_space<vmem>>, vector<1x16xf32>
    %add3A_21 = vector.broadcast %get3A_20 : vector<1x16xf32> to vector<512x16xf32>
    %add3A_22 = arith.addf %dot_general3A_17, %add3A_21 : vector<512x16xf32>
    %get3A_23 = arith.constant 0 : index
    %get3A_24 = arith.constant 0 : index
    %get3A_25 = vector.load %arg3[%get3A_23, %get3A_24] : memref<512x128xf32, #tpu.memory_space<vmem>>, vector<512x128xf32>
    %get3A_26 = arith.constant 0 : index
    %get3A_27 = arith.constant 0 : index
    %get3A_28 = vector.load %arg6[%get3A_26, %get3A_27] : memref<128x16xf32, #tpu.memory_space<vmem>>, vector<128x16xf32>
    %convert_element_type3A_29 = arith.truncf %get3A_25 : vector<512x128xf32> to vector<512x128xbf16>
    %convert_element_type3A_30 = arith.truncf %get3A_28 : vector<128x16xf32> to vector<128x16xbf16>
    %dot_general3A_31 = arith.constant dense<0.000000e+00> : vector<512x16xf32>
    %dot_general3A_32 = tpu.matmul %convert_element_type3A_29, %convert_element_type3A_30, %dot_general3A_31 {dimension_numbers = #tpu.dot_dimension_numbers<[1], [0], [0], [1], [0, 0, 1, 1], [], []>, transpose_lhs_hint = false} : vector<512x128xbf16>, vector<128x16xbf16>, vector<512x16xf32> -> vector<512x16xf32>
    %add3A_33 = arith.addf %add3A_22, %dot_general3A_32 : vector<512x16xf32>
    %swap3A = arith.constant 0 : index
    %swap3A_34 = arith.constant 0 : index
    %swap3A_35 = vector.load %arg7[%swap3A, %swap3A_34] : memref<512x16xf32, #tpu.memory_space<vmem>>, vector<512x16xf32>
    tpu.vector_store %arg7[%swap3A, %swap3A_34], %add3A_33 {strides = array<i32>} : memref<512x16xf32, #tpu.memory_space<vmem>>, vector<512x16xf32>,
    return
  }
  func.func @transform_0(%arg0: i32) -> (i32, i32, i32) {
    %c0_i32 = arith.constant 0 : i32
    %c0_i32_0 = arith.constant 0 : i32
    %c0_i32_1 = arith.constant 0 : i32
    return %c0_i32, %arg0, %c0_i32_0 : i32, i32, i32
  }
  func.func @transform_1(%arg0: i32) -> (i32, i32) {
    %c0_i32 = arith.constant 0 : i32
    %c0_i32_0 = arith.constant 0 : i32
    return %arg0, %c0_i32 : i32, i32
  }
  func.func @transform_2(%arg0: i32) -> (i32, i32) {
    %c0_i32 = arith.constant 0 : i32
    %c0_i32_0 = arith.constant 0 : i32
    return %arg0, %c0_i32 : i32, i32
  }
  func.func @transform_3(%arg0: i32) -> (i32, i32) {
    %c0_i32 = arith.constant 0 : i32
    %c0_i32_0 = arith.constant 0 : i32
    %c0_i32_1 = arith.constant 0 : i32
    return %c0_i32, %c0_i32_0 : i32, i32
  }
  func.func @transform_4(%arg0: i32) -> (i32, i32) {
    %c0_i32 = arith.constant 0 : i32
    %c0_i32_0 = arith.constant 0 : i32
    %c0_i32_1 = arith.constant 0 : i32
    return %c0_i32, %c0_i32_0 : i32, i32
  }
  func.func @transform_5(%arg0: i32) -> (i32, i32) {
    %c0_i32 = arith.constant 0 : i32
    %c0_i32_0 = arith.constant 0 : i32
    %c0_i32_1 = arith.constant 0 : i32
    return %c0_i32, %c0_i32_0 : i32, i32
  }
  func.func @transform_6(%arg0: i32) -> (i32, i32) {
    %c0_i32 = arith.constant 0 : i32
    %c0_i32_0 = arith.constant 0 : i32
    return %arg0, %c0_i32 : i32, i32
  }
}

</mosaic_0001>

<sc_bundles>
// kernel: kernel.14.cloned.1.call-start
scs
__scs_entry_jumppad:
0x0: {  	(pc) =	sbr.rel $0x88, $3  }
0x1: {  	(tag) =	ssettag $0x0;
	lr =	simm.s32 $0x1  }
0x2: {  	[smem:$0x3F89] =	sst lr;
	_ =	strace $0xD0000000  }
0x3: {  	_ = 	snop  }
0x4: {  	_ = 	snop  }
0x5: {  	_ = 	snop  }
0x6: {  	_ = 	snop  }
0x7: {  	_ = 	snop  }
__scs_overlays_trampoline_lowered:
0x8: {  	[smem:$0x3F98] =	sst s0  }
0x9: {  	[smem:$0x3F99] =	sst s1  }
0xa: {  	[smem:$0x3F9A] =	sst s2  }
0xb: {  	[smem:$0x3F9B] =	sst s3  }
0xc: {  	[smem:$0x3F9C] =	sst s4  }
0xd: {  	[smem:$0x3F9D] =	sst s5  }
0xe: {  	[smem:$0x3F9E] =	sst s6  }
0xf: {  	[smem:$0x3F9F] =	sst s7  }
0x10: {  	[smem:$0x3FA0] =	sst s8  }
0x11: {  	[smem:$0x3FA1] =	sst s9;
	s0 =	simm.s32 @!p0 $0x0  }
0x12: {  	s1 =	sld [smem:$0x3F87];
	s0 =	simm.s32 @p0 $0x1  }
0x13: {  	[smem:$0x3FA2] =	sst s0;
	s0 =	simm.s32 @!p1 $0x0  }
0x14: {  	s2 =	sld [smem:$0x3F86];
	s0 =	simm.s32 @p1 $0x1  }
0x15: {  	[smem:$0x3FA3] =	sst s0;
	s0 =	simm.s32 @!p2 $0x0  }
0x16: {  	s3 =	sld [smem:$0x3FDB];
	s0 =	simm.s32 @p2 $0x1  }
0x17: {  	s4 =	simm.s32 $0x1BF5;
	[smem:$0x3FA5] =	sst s0  }
0x18: {  	s0 =	sld [smem:$0x3F88];
	_ =	swait.ge [sflag:s4], $0x0  }
0x19: {  	s7 =	sld [smem:$0x3F89]  }
0x1a: {  	s8 =	sadd.s32 $0xFFFFE003, lr  }
0x1b: {  	s9 =	sadd.s32 $0xFFFFFEF7, lr;
	s5 =	simm.s32 $0xFFFFFFFF;
	p2 =	slt.u32 s8, $0xFFFFF086  }
0x1c: {  	p1 =	slt.u32 s9, $0xF7A;
	s5 =	simm.s32 @!p2 $0x0  }
0x1d: {  	s5 =	simm.s32 @p1 $0x1;
	p0 =	seq.s32 s7, s2  }
0x1e: {  	s7 =	smul.u32 @!p0 $0xF7A, s2;
	p2 =	seq.s32 @!p0 s5, $0x0  }
0x1f: {  	s9 =	smul.u32 $0xF7A, s1;
	s8 =	simm.s32 @!p0 $0x1BF5;
	p2 =	por !p2, p0  }
0x20: {  	[sflag:s8] =	ssyncset.s32 @!p0 $0xFFFFF086;
	s6 =	sadd.s32 @!p0 s3, s7;
	s7 =	simm.s32 @!p0 $0x108  }
0x21: {  	s3 =	sadd.s32 s3, s9;
	s6 =	sadd.s32 @!p0 $0x88, s6;
	s7 =	simm.s32 @p2 $0x1082  }
0x22: {  	[simem:s7], [sflag:s8] =	dma.local @!p0 [hbm:s6], $0xF7A  }
0x23: {  	s9 =	sor.u32 $0xD0000000, s2;
	s6 =	simm.s32 $0x108;
	_ =	swait.ge @!p0 [sflag:s8], $0x0  }
0x24: {  	s3 =	sadd.s32 $0x88, s3;
	s6 =	simm.s32 @!p1 $0x1082;
	[sflag:s4] =	ssyncset.s32 $0xFFFFF086  }
0x25: {  	[simem:s6], [sflag:s4] =	dma.local [hbm:s3], $0xF7A  }
0x26: {  	[smem:$0x3F89] =	sst s1;
	(tag) =	ssettag s2;
	_ =	strace s9  }
0x27: {  	s1 =	sld [smem:$0x3F99]  }
0x28: {  	s2 =	sld [smem:$0x3F9A]  }
0x29: {  	s4 =	sld [smem:$0x3F9C]  }
0x2a: {  	p0 =	seq.s32 s5, $0x0;
	s5 =	sld [smem:$0x3F9D]  }
0x2b: {  	s6 =	sld [smem:$0x3F9E]  }
0x2c: {  	s7 =	sld [smem:$0x3F9F]  }
0x2d: {  	s3 =	simm.s32 $0x108;
	s8 =	sld [smem:$0x3FA0]  }
0x2e: {  	s3 =	simm.s32 @!p0 $0x1082;
	s9 =	sld [smem:$0x3FA1]  }
0x2f: {  	lr =	sadd.s32 s0, s3;
	s0 =	sld [smem:$0x3F98]  }
0x30: {  	s3 =	sld [smem:$0x3F9B]  }
0x31: {  	[smem:$0x3FA4] =	sst s10  }
0x32: {  	s10 =	sld [smem:$0x3FA2];
	_ =	sdelay $0x3  }
0x33: {  	p0 =	seq.s32 s10, $0x1;
	s10 =	sld [smem:$0x3FA4];
	_ =	sdelay $0x3  }
0x34: {  	[smem:$0x3FA4] =	sst s10  }
0x35: {  	s10 =	sld [smem:$0x3FA3];
	_ =	sdelay $0x3  }
0x36: {  	p1 =	seq.s32 s10, $0x1;
	s10 =	sld [smem:$0x3FA4];
	_ =	sdelay $0x3  }
0x37: {  	[smem:$0x3FA4] =	sst s10  }
0x38: {  	s10 =	sld [smem:$0x3FA5]  }
0x39: {  	_ = 	snop;
	(pc) =	sbr.ind lr, $3  }
0x3a: {  	_ = 	snop  }
0x3b: {  	_ = 	snop  }
0x3c: {  	p2 =	seq.s32 s10, $0x1;
	s10 =	sld [smem:$0x3FA4]  }
0x3d: {  	_ =	shalt  }
0x3e: {  	_ =	shalt  }
0x3f: {  	_ =	shalt  }
0x40: {  	_ =	shalt  }
0x41: {  	_ =	shalt  }
0x42: {  	_ =	shalt  }
0x43: {  	_ =	shalt  }
0x44: {  	_ =	shalt  }
0x45: {  	_ =	shalt  }
0x46: {  	_ =	shalt  }
0x47: {  	_ =	shalt  }
0x48: {  	_ =	shalt  }
0x49: {  	_ =	shalt  }
0x4a: {  	_ =	shalt  }
0x4b: {  	_ =	shalt  }
0x4c: {  	_ =	shalt  }
0x4d: {  	_ =	shalt  }
0x4e: {  	_ =	shalt  }
0x4f: {  	_ =	shalt  }
0x50: {  	_ =	shalt  }
0x51: {  	_ =	shalt  }
0x52: {  	_ =	shalt  }
0x53: {  	_ =	shalt  }
0x54: {  	_ =	shalt  }
0x55: {  	_ =	shalt  }
0x56: {  	_ =	shalt  }
0x57: {  	_ =	shalt  }
0x58: {  	_ =	shalt  }
0x59: {  	_ =	shalt  }
0x5a: {  	_ =	shalt  }
0x5b: {  	_ =	shalt  }
0x5c: {  	_ =	shalt  }
0x5d: {  	_ =	shalt  }
0x5e: {  	_ =	shalt  }
0x5f: {  	_ =	shalt  }
0x60: {  	_ =	shalt  }
0x61: {  	_ =	shalt  }
0x62: {  	_ =	shalt  }
0x63: {  	_ =	shalt  }
0x64: {  	_ =	shalt  }
0x65: {  	_ =	shalt  }
0x66: {  	_ =	shalt  }
0x67: {  	_ =	shalt  }
0x68: {  	_ =	shalt  }
0x69: {  	_ =	shalt  }
0x6a: {  	_ =	shalt  }
0x6b: {  	_ =	shalt  }
0x6c: {  	_ =	shalt  }
0x6d: {  	_ =	shalt  }
0x6e: {  	_ =	shalt  }
0x6f: {  	_ =	shalt  }
0x70: {  	_ =	shalt  }
0x71: {  	_ =	shalt  }
0x72: {  	_ =	shalt  }
0x73: {  	_ =	shalt  }
0x74: {  	_ =	shalt  }
0x75: {  	_ =	shalt  }
0x76: {  	_ =	shalt  }
0x77: {  	_ =	shalt  }
0x78: {  	_ =	shalt  }
0x79: {  	_ =	shalt  }
0x7a: {  	_ =	shalt  }
0x7b: {  	_ =	shalt  }
0x7c: {  	_ =	shalt  }
0x7d: {  	_ =	shalt  }
0x7e: {  	_ =	shalt  }
0x7f: {  	_ =	shalt  }
0x80: {  	_ =	shalt  }
0x81: {  	_ =	shalt  }
0x82: {  	_ =	shalt  }
0x83: {  	_ =	shalt  }
0x84: {  	_ =	shalt  }
0x85: {  	_ =	shalt  }
0x86: {  	_ =	shalt  }
0x87: {  	_ =	shalt  }
.Lfunc_end0:
.L_simem_size_0:
called_computation_lowered:
.L_overlay_start_0:
0x88: {  	s2 =	sld [smem:$0x3FD9]  }
0x89: {  	s3 =	sld [smem:$0x3FFE];
	_ =	sdelay $0x1  }
0x8a: {  	s1 =	srdreg.scid  }
0x8b: {  	s0 =	sand.u32 $0x1, s1  }
0x8c: {  	s14 =	sshll.u32 s0, $0xA;
	s2 =	sadd.s32 s3, s2  }
0x8d: {  	s2 =	sadd.s32 s2, s14  }
0x8e: {  	[smem:$0x3FB0] =	sst s2  }
0x8f: {  	_ = 	snop  }
0x90: {  	s2 =	sld [smem:$0x3FD0];
	_ =	sdelay $0x2  }
0x91: {  	s15 =	simm.s32 $0xA;
	s4 =	simm.s32 $0x10  }
0x92: {  	[smem:s4], [sflag:s15] =	dma.local [hbm:s2], $0x1  }
0x93: {  	_ =	swait.eq [sflag:s15], $0x1  }
0x94: {  	[sflag:s15] =	ssyncset.done $0x0  }
0x95: {  	s16 =	sld [smem:$0x11];
	[sflag:s15] =	ssyncadd.s32 $0xFFFFFFFF  }
0x96: {  	s17 =	sld [smem:$0x13];
	(tm) =	ssettm $0x1  }
0x97: {  	s18 =	sld [smem:$0x3FFB];
	_ =	sdelay $0x3  }
0x98: {  	_ =	strace s18  }
0x99: {  	s4 =	sld [smem:$0x3FFC];
	_ =	sdelay $0x3  }
0x9a: {  	_ =	strace s4  }
0x9b: {  	s4 =	sld [smem:$0x3FFD];
	_ =	sdelay $0x3  }
0x9c: {  	_ =	strace s4  }
0x9d: {  	_ =	strace $0x8FFFFFFF  }
0x9e: {  	s19 =	sld [smem:$0x3FDB];
	_ =	sdelay $0x1  }
0x9f: {  	s5 =	simm.s32 $_scs_section_size  }
0xa0: {  	s6 =	simm.s32 $_size__tile_overlayer_lowered;
	s7 =	simm.s32 $_tile_overlayer_lowered  }
0xa1: {  	s22 =	simm.s32 $0x1BFF;
	s21 =	sshll.u32 s7, $0x1;
	s4 =	sadd.s32 s5, s19  }
0xa2: {  	s8 =	simm.s32 $0x0;
	s20 =	sshll.u32 s6, $0x1;
	s6 =	sadd.s32 s21, s4  }
0xa3: {  	[timem:s8], [sflag:s22] =	dma.local [hbm:s6], s20  }
0xa4: {  	_ =	swait.ge [sflag:s22], s20  }
0xa5: {  	s5 =	ssub.s32 $0x0, s20;
	[sflag:s22] =	ssyncset.done $0x0  }
0xa6: {  	[sflag:s22] =	ssyncadd.s32 s5;
	_ =	sdelay $0x1  }
0xa7: {  	s23 =	simm.s32 $0x1B8B  }
0xa8: {  	_ =	swait.ge [sflag:s23], $0x1  }
0xa9: {  	[sflag:s23] =	ssyncset.done $0x0  }
0xaa: {  	s25 =	simm.s32 $0x1B8E;
	s24 =	sld [smem:$0x3FFE];
	[sflag:s23] =	ssyncadd.s32 $0xFFFFFFFF  }
0xab: {  	s26 =	simm.s32 $execute0_lowered;
	[smem:$0x3FD2] =	sst s25  }
0xac: {  	s6 =	sshll.u32 s26, $0x1;
	_ =	strace $0x80000046;
	[dreg:$0x1] =	wrdreg $0xFFFFFFFF  }
0xad: {  	s28 =	simm.s32 $_size_execute0_lowered;
	s4 =	sadd.s32 s4, s6;
	[dreg:$0x0] =	wrdreg $0x0  }
0xae: {  	s6 =	sshll.u32 s28, $0x1;
	[dreg:$0x2] =	wrdreg s4  }
0xaf: {  	[dreg:$0x3] =	wrdreg s6  }
0xb0: {  	[dreg:$0x4] =	wrdreg $0xC0  }
0xb1: {  	_ =	task [dreg:s8], $0x5FFFF  }
0xb2: {  	[dreg:$0x1] =	wrdreg $0xFFFFFFFF  }
0xb3: {  	[dreg:$0x0] =	wrdreg $0x60  }
0xb4: {  	[dreg:$0x2] =	wrdreg s24  }
0xb5: {  	[dreg:$0x3] =	wrdreg s17  }
0xb6: {  	[dreg:$0x4] =	wrdreg s16  }
0xb7: {  	[dreg:$0x5] =	wrdreg $0x29000  }
0xb8: {  	[dreg:$0x6] =	wrdreg $0x9  }
0xb9: {  	_ =	task.clear_ibuf [dreg:s8], $0x7FFFF;
	_ =	strace $0x90000046  }
0xba: {  	s29 =	simm.s32 $0x9;
	_ =	strace $0x80000048  }
0xbb: {  	_ =	swait.ge [sflag:s29], $0x1  }
0xbc: {  	[sflag:s29] =	ssyncadd.s32 $0xFFFFFFFF  }
0xbd: {  	_ =	strace $0x90000048  }
0xbe: {  	_ =	sfence  }
0xbf: {  	s30 =	sld [smem:$0x0];
	_ =	sdelay $0x2  }
0xc0: {  	s31 =	sshll.u32 s1, $0xD;
	s1 =	sshrl.u32 s1, $0x2  }
0xc1: {  	s3 =	sand.u32 $0x4000, s31;
	s1 =	sadd.s32 s1, s30  }
0xc2: {  	s0 =	sor.u32 s3, s0;
	s1 =	sshll.u32 s1, $0x11  }
0xc3: {  	s0 =	sor.u32 s1, s0  }
0xc4: {  	s0 =	sadd.s32 $0x8F2B, s0  }
0xc5: {  	[sflag:s0] =	ssyncadd.remote.s32 $0x1  }
0xc6: {  	_ =	sfence.sel $0xFFFF  }
0xc7: {  	[dreg:$0x0] =	wrdreg $0xFFFFFFFF;
	(pc) =	sbr.abs _section_cstart, $3  }
0xc8: {  	[dreg:$0x1] =	wrdreg $0xFFFFFFFF  }
0xc9: {  	_ =	task.clear_ibuf [dreg:s8], $0x2FFFF;
	_ =	strace $0x9FFFFFFF  }
0xca: {  	(tm) =	ssettm $0x7FFFFFFF  }
0xcb: {  	_ =	shalt  }
tec
execute0_lowered:
.L_overlay_start_1:
0x0: {  	(tag) =	ssettag $0x1  }
0x1: {  	s6 =	rddreg [dreg:$0x0]  }
0x2: {  	s11 =	rddreg [dreg:$0x1]  }
0x3: {  	s1 =	srdreg.scid;
	s2 =	rddreg [dreg:$0x2]  }
0x4: {  	s0 =	stileid.u32;
	s3 =	rddreg [dreg:$0x3];
	s4 =	simm.s32 $0x0  }
0x5: {  	s17 =	simm.s32 $0x50;
	s18 =	simm.s32 $0x100;
	s5 =	smul.u32 $0x4E20, s0  }
0x6: {  	s19 =	simm.s32 $0x1;
	s20 =	simm.s32 $0x0;
	s26 =	smul.u32 $0x14000, s0  }
0x7: {  	s7 =	sand.u32 $0x1, s1;
	s1 =	rddreg [dreg:$0x4];
	s28 =	smul.u32 $0x50000, s0  }
0x8: {  	[smem:$0x7FF] =	sst s4;
	s31 =	sshll.u32 s0, $0x6;
	s8 =	smul.u32 $0x2710, s7  }
0x9: {  	s9 =	smul.u32 $0x140000, s7;
	_ =	strace $0x80000047;
	s7 =	ssub.s32 $0x2, s7  }
0xa: {  	s10 =	sshrl.u32 s26, $0x3;
	s29 =	sshrl.u32 s7, $0x1;
	s30 =	sshrl.u32 s28, $0x2  }
0xb: {  	s5 =	sadd.s32 s8, s5;
	s8 =	sadd.s32 s26, s9;
	s10 =	sadd.s32 s10, s6  }
0xc: {  	s15 =	ssub.s32 s7, s29;
	s16 =	sadd.s32 s30, s3;
	s7 =	sor.u32 $0x1C02, s31  }
0xd: {  	s12 =	sshrl.u32 s5, $0x3;
	s5 =	sadd.s32 $0xF800, s6;
	s8 =	sshrl.u32 s8, $0x3  }
0xe: {  	s13 =	sadd.s32 s12, s6;
	s14 =	sadd.s32 s8, s6;
	s6 =	sadd.s32 $0x37800, s10  }
0xf: {  	s10 =	smax.u32 s15, $0x1;
	s11 =	sadd.s32 s12, s11;
	s15 =	simm.s32 $0x16900  }
0x10: {  	s8 =	sadd.s32 $0xAF800, s14;
	s9 =	sadd.s32 $0x5F800, s14;
	s12 =	sadd.s32 $0x5A00, s13  }
0x11: {  	s13 =	sshrl.u32 s16, $0x3;
	s14 =	simm.s32 $0x2;
	s16 =	simm.s32 $0x80  }
.LBB2_1:
0x12: {  	[spmem:s13], [sflag:s7] =	dma.local [hbm:s6], $0x2800  }
0x13: {  	_ =	swait.ge [sflag:s14], $0x2800  }
0x14: {  	[sflag:s14] =	ssyncset.done $0x0  }
0x15: {  	[sflag:s14] =	ssyncadd.s32 $0xFFFFD800  }
0x16: {  	[tilespmem:s15], [sflag:$0x2] =	stream.linear.gather [hbm4b:s2+s4], $0x2800, $0x38;
	[tilespmem:$0x19100] =	vst v63  }
0x17: {  	_ =	swait.ge [sflag:s14], $0x2800  }
0x18: {  	[sflag:s14] =	ssyncset.done $0x0  }
0x19: {  	[sflag:s14] =	ssyncadd.s32 $0xFFFFD800  }
0x1a: {  	s21 =	sadd.s32 $0x0, s11;
	[bflag:$0x0] =	sbarrier.arrive $0xFFFF  }
0x1b: {  	[tilespmem:s16], [sflag:$0x2] =	stream.linear.gather [hbm4b:s21+s4], $0x50, $0x38;
	[tilespmem:$0x19100] =	vst v63  }
0x1c: {  	_ =	swait.ge [sflag:s14], $0x50  }
0x1d: {  	[sflag:s14] =	ssyncset.done $0x0  }
0x1e: {  	[sflag:s14] =	ssyncadd.s32 $0xFFFFFFB0  }
0x1f: {  	[spmem:s3] =	stream.indirect.scatter.add.f32 [tilespmem:s15], [sflag:$0x2], $0x80, s16, s17, $0xb8;
	[tilespmem:$0x19100] =	vst v63  }
0x20: {  	_ =	swait.ge [sflag:s14], $0x2800  }
0x21: {  	s22 =	simm.s32 $0x14;
	s21 =	simm.s32 $0xA;
	[sflag:s14] =	ssyncset.done $0x0  }
.LBB2_2:
0x22: {  	s23 =	sadd.s32 s21, s11  }
0x23: {  	[sflag:s14] =	ssyncadd.s32 $0xFFFFD800;
	s21 =	smov.u32 s22;
	s24 =	sadd.s32 $0xA, s22  }
0x24: {  	[tilespmem:s16], [sflag:$0x2] =	stream.linear.gather [hbm4b:s23+s4], $0x50, $0x38;
	[tilespmem:$0x19100] =	vst v63  }
0x25: {  	p0 =	sne.s32 s22, $0x4D8;
	_ =	swait.ge [sflag:s14], $0x50  }
.Ltmp0:
0x26: {  	[sflag:s14] =	ssyncset.done $0x0;
	(pc) =	sbr.rel @p0 .LBB2_2-.Ltmp0, $4  }
0x27: {  	[sflag:s14] =	ssyncadd.s32 $0xFFFFFFB0  }
0x28: {  	[spmem:s3] =	stream.indirect.scatter.add.f32 [tilespmem:s15], [sflag:$0x2], $0x80, s16, s17, $0xb8;
	[tilespmem:$0x19100] =	vst v63  }
0x29: {  	_ =	swait.ge [sflag:s14], $0x2800  }
0x2a: {  	s22 =	smov.u32 s24;
	[sflag:s14] =	ssyncset.done $0x0  }
0x2b: {  	s21 =	sadd.s32 s21, s11;
	[sflag:s14] =	ssyncadd.s32 $0xFFFFD800  }
0x2c: {  	[tilespmem:s16], [sflag:$0x2] =	stream.linear.gather [hbm4b:s21+s4], $0x50, $0x38;
	[tilespmem:$0x19100] =	vst v63  }
0x2d: {  	_ =	swait.ge [sflag:s14], $0x50  }
0x2e: {  	[sflag:s14] =	ssyncset.done $0x0  }
0x2f: {  	[sflag:s14] =	ssyncadd.s32 $0xFFFFFFB0  }
0x30: {  	[spmem:s3] =	stream.indirect.scatter.add.f32 [tilespmem:s15], [sflag:$0x2], $0x80, s16, s17, $0xb8;
	[tilespmem:$0x19100] =	vst v63  }
0x31: {  	_ =	swait.ge [sflag:s14], $0x2800  }
0x32: {  	[sflag:s14] =	ssyncset.done $0x0  }
0x33: {  	[sflag:s14] =	ssyncadd.s32 $0xFFFFD800  }
0x34: {  	[bflag:$0x0] =	sbarrier.arrive $0xFFFF  }
0x35: {  	[hbm:s8], [sflag:s7] =	dma.local [spmem:s13], $0x2800  }
0x36: {  	_ =	swait.ge [sflag:s14], $0x2800  }
0x37: {  	[sflag:s14] =	ssyncset.done $0x0  }
0x38: {  	[sflag:s14] =	ssyncadd.s32 $0xFFFFD800  }
0x39: {  	[spmem:s13], [sflag:s7] =	dma.local [hbm:s6], $0x2800  }
0x3a: {  	_ =	swait.ge [sflag:s14], $0x2800  }
0x3b: {  	[sflag:s14] =	ssyncset.done $0x0  }
0x3c: {  	[sflag:s14] =	ssyncadd.s32 $0xFFFFD800  }
0x3d: {  	s30 =	sadd.s32 $0x0, s12;
	[bflag:$0x0] =	sbarrier.arrive $0xFFFF  }
0x3e: {  	[tilespmem:s4], [sflag:$0x2] =	stream.linear.gather [hbm4b:s30+s4], $0x50, $0x38;
	[tilespmem:$0x19100] =	vst v63  }
0x3f: {  	_ =	swait.ge [sflag:s14], $0x50  }
0x40: {  	[sflag:s14] =	ssyncset.done $0x0  }
0x41: {  	s31 =	sadd.s32 $0x0, s11;
	[sflag:s14] =	ssyncadd.s32 $0xFFFFFFB0  }
0x42: {  	[tilespmem:s16], [sflag:$0x2] =	stream.linear.gather [hbm4b:s31+s4], $0x50, $0x38;
	[tilespmem:$0x19100] =	vst v63  }
0x43: {  	_ =	swait.ge [sflag:s14], $0x50  }
0x44: {  	[sflag:s14] =	ssyncset.done $0x0  }
0x45: {  	[sflag:s14] =	ssyncadd.s32 $0xFFFFFFB0  }
0x46: {  	[tilespmem:s18], [sflag:$0x1] =	stream.indirect.gather [hbm4b:s5+s17], $0x80, s4, s17, $0xb8;
	[tilespmem:$0x19100] =	vst v63  }
0x47: {  	_ =	swait.ge [sflag:s19], $0x2800  }
0x48: {  	[sflag:s19] =	ssyncset.done $0x0  }
0x49: {  	[sflag:s19] =	ssyncadd.s32 $0xFFFFD800  }
0x4a: {  	[spmem:s3] =	stream.indirect.scatter.add.f32 [tilespmem:s18], [sflag:$0x2], $0x80, s16, s17, $0xb8;
	[tilespmem:$0x19100] =	vst v63  }
0x4b: {  	_ =	swait.ge [sflag:s14], $0x2800  }
0x4c: {  	s22 =	simm.s32 $0x14;
	s21 =	simm.s32 $0xA;
	[sflag:s14] =	ssyncset.done $0x0  }
.LBB2_4:
0x4d: {  	s23 =	sadd.s32 s21, s12  }
0x4e: {  	[sflag:s14] =	ssyncadd.s32 $0xFFFFD800;
	s24 =	smov.u32 s22;
	s25 =	sadd.s32 $0xA, s22  }
0x4f: {  	[tilespmem:s4], [sflag:$0x2] =	stream.linear.gather [hbm4b:s23+s4], $0x50, $0x38;
	[tilespmem:$0x19100] =	vst v63  }
0x50: {  	p0 =	sne.s32 s22, $0x4D8;
	_ =	swait.ge [sflag:s14], $0x50  }
0x51: {  	[sflag:s14] =	ssyncset.done $0x0  }
0x52: {  	s22 =	sadd.s32 s21, s11;
	s21 =	smov.u32 s24;
	[sflag:s14] =	ssyncadd.s32 $0xFFFFFFB0  }
0x53: {  	[tilespmem:s16], [sflag:$0x2] =	stream.linear.gather [hbm4b:s22+s4], $0x50, $0x38;
	[tilespmem:$0x19100] =	vst v63  }
0x54: {  	_ =	swait.ge [sflag:s14], $0x50  }
0x55: {  	[sflag:s14] =	ssyncset.done $0x0  }
0x56: {  	[sflag:s14] =	ssyncadd.s32 $0xFFFFFFB0  }
0x57: {  	[tilespmem:s18], [sflag:$0x1] =	stream.indirect.gather [hbm4b:s5+s17], $0x80, s4, s17, $0xb8;
	[tilespmem:$0x19100] =	vst v63  }
0x58: {  	_ =	swait.ge [sflag:s19], $0x2800  }
.Ltmp1:
0x59: {  	[sflag:s19] =	ssyncset.done $0x0;
	(pc) =	sbr.rel @p0 .LBB2_4-.Ltmp1, $4  }
0x5a: {  	[sflag:s19] =	ssyncadd.s32 $0xFFFFD800  }
0x5b: {  	[spmem:s3] =	stream.indirect.scatter.add.f32 [tilespmem:s18], [sflag:$0x2], $0x80, s16, s17, $0xb8;
	[tilespmem:$0x19100] =	vst v63  }
0x5c: {  	_ =	swait.ge [sflag:s14], $0x2800  }
0x5d: {  	s22 =	smov.u32 s25;
	[sflag:s14] =	ssyncset.done $0x0  }
0x5e: {  	s22 =	sadd.s32 s21, s12;
	[sflag:s14] =	ssyncadd.s32 $0xFFFFD800  }
0x5f: {  	[tilespmem:s4], [sflag:$0x2] =	stream.linear.gather [hbm4b:s22+s4], $0x50, $0x38;
	[tilespmem:$0x19100] =	vst v63  }
0x60: {  	_ =	swait.ge [sflag:s14], $0x50  }
0x61: {  	[sflag:s14] =	ssyncset.done $0x0  }
0x62: {  	s31 =	sadd.s32 s21, s11;
	[sflag:s14] =	ssyncadd.s32 $0xFFFFFFB0  }
0x63: {  	[tilespmem:s16], [sflag:$0x2] =	stream.linear.gather [hbm4b:s31+s4], $0x50, $0x38;
	[tilespmem:$0x19100] =	vst v63  }
0x64: {  	_ =	swait.ge [sflag:s14], $0x50  }
0x65: {  	[sflag:s14] =	ssyncset.done $0x0  }
0x66: {  	[sflag:s14] =	ssyncadd.s32 $0xFFFFFFB0  }
0x67: {  	[tilespmem:s18], [sflag:$0x1] =	stream.indirect.gather [hbm4b:s5+s17], $0x80, s4, s17, $0xb8;
	[tilespmem:$0x19100] =	vst v63  }
0x68: {  	_ =	swait.ge [sflag:s19], $0x2800  }
0x69: {  	[sflag:s19] =	ssyncset.done $0x0  }
0x6a: {  	[sflag:s19] =	ssyncadd.s32 $0xFFFFD800  }
0x6b: {  	[spmem:s3] =	stream.indirect.scatter.add.f32 [tilespmem:s18], [sflag:$0x2], $0x80, s16, s17, $0xb8;
	[tilespmem:$0x19100] =	vst v63  }
0x6c: {  	_ =	swait.ge [sflag:s14], $0x2800  }
0x6d: {  	s20 =	sadd.s32 $0x1, s20;
	[sflag:s14] =	ssyncset.done $0x0  }
0x6e: {  	p0 =	sne.s32 s20, s10;
	[sflag:s14] =	ssyncadd.s32 $0xFFFFD800  }
.Ltmp2:
0x6f: {  	[bflag:$0x0] =	sbarrier.arrive $0xFFFF;
	(pc) =	sbr.rel @p0 .LBB2_1-.Ltmp2, $4  }
0x70: {  	[hbm:s9], [sflag:s7] =	dma.local [spmem:s13], $0x2800  }
0x71: {  	_ =	swait.ge [sflag:s14], $0x2800  }
0x72: {  	[sflag:s14] =	ssyncset.done $0x0  }
0x73: {  	[sflag:s14] =	ssyncadd.s32 $0xFFFFD800  }
0x74: {  	_ =	sfence.sel $0x180000  }
0x75: {  	[bflag:$0x0] =	sbarrier.arrive $0xFFFF  }
0x76: {  	p0 =	sne.s32 s0, $0x0;
	_ =	strace $0x90000047  }
0x77: {  	s0 =	sadd.s32 @!p0 $0x100000, s1;
	[bflag:$0x2] =	sbarrier.arrive $0xFFFF  }
0x78: {  	[sflag:s0] =	ssyncadd.tile.s32 @!p0 $0x1;
	_ =	shalt  }
.Lfunc_end2:
_tile_overlayer_lowered:
.L_overlay_start_2:
0x79: {  	(tag) =	ssettag $0x2  }
0x7a: {  	s0 =	rddreg [dreg:$0x0];
	s2 =	stileid.u32  }
0x7b: {  	s1 =	rddreg [dreg:$0x1];
	p0 =	sne.s32 s2, $0x0  }
0x7c: {  	s3 =	rddreg [dreg:$0x2];
	[bflag:$0x3] =	sbarrier.arrive $0xFFFF;
	s2 =	simm.s32 @!p0 $0x1C02  }
0x7d: {  	[timem:s3], [sflag:s2] =	dma.local @!p0 [hbm:s0], s1  }
0x7e: {  	s0 =	simm.s32 @!p0 $0x2  }
0x7f: {  	_ =	swait.ge @!p0 [sflag:s0], s1  }
0x80: {  	s1 =	ssub.s32 @!p0 $0x0, s1;
	[sflag:s0] =	ssyncset.done @!p0 $0x0  }
0x81: {  	[sflag:s0] =	ssyncadd.s32 @!p0 s1  }
0x82: {  	[bflag:$0x3] =	sbarrier.arrive $0xFFFF  }
0x83: {  	_ =	shalt  }

// kernel: kernel.17.cloned.1.call-start
scs
__scs_entry_jumppad:
0x0: {  	(pc) =	sbr.rel $0x88, $3  }
0x1: {  	(tag) =	ssettag $0x0;
	lr =	simm.s32 $0x1  }
0x2: {  	[smem:$0x3F89] =	sst lr;
	_ =	strace $0xD0000000  }
0x3: {  	_ = 	snop  }
0x4: {  	_ = 	snop  }
0x5: {  	_ = 	snop  }
0x6: {  	_ = 	snop  }
0x7: {  	_ = 	snop  }
__scs_overlays_trampoline_lowered:
0x8: {  	[smem:$0x3F98] =	sst s0  }
0x9: {  	[smem:$0x3F99] =	sst s1  }
0xa: {  	[smem:$0x3F9A] =	sst s2  }
0xb: {  	[smem:$0x3F9B] =	sst s3  }
0xc: {  	[smem:$0x3F9C] =	sst s4  }
0xd: {  	[smem:$0x3F9D] =	sst s5  }
0xe: {  	[smem:$0x3F9E] =	sst s6  }
0xf: {  	[smem:$0x3F9F] =	sst s7  }
0x10: {  	[smem:$0x3FA0] =	sst s8  }
0x11: {  	[smem:$0x3FA1] =	sst s9;
	s0 =	simm.s32 @!p0 $0x0  }
0x12: {  	s1 =	sld [smem:$0x3F87];
	s0 =	simm.s32 @p0 $0x1  }
0x13: {  	[smem:$0x3FA2] =	sst s0;
	s0 =	simm.s32 @!p1 $0x0  }
0x14: {  	s2 =	sld [smem:$0x3F86];
	s0 =	simm.s32 @p1 $0x1  }
0x15: {  	[smem:$0x3FA3] =	sst s0;
	s0 =	simm.s32 @!p2 $0x0  }
0x16: {  	s3 =	sld [smem:$0x3FDB];
	s0 =	simm.s32 @p2 $0x1  }
0x17: {  	s4 =	simm.s32 $0x1BF5;
	[smem:$0x3FA5] =	sst s0  }
0x18: {  	s0 =	sld [smem:$0x3F88];
	_ =	swait.ge [sflag:s4], $0x0  }
0x19: {  	s7 =	sld [smem:$0x3F89]  }
0x1a: {  	s8 =	sadd.s32 $0xFFFFE003, lr  }
0x1b: {  	s9 =	sadd.s32 $0xFFFFFEF7, lr;
	s5 =	simm.s32 $0xFFFFFFFF;
	p2 =	slt.u32 s8, $0xFFFFF086  }
0x1c: {  	p1 =	slt.u32 s9, $0xF7A;
	s5 =	simm.s32 @!p2 $0x0  }
0x1d: {  	s5 =	simm.s32 @p1 $0x1;
	p0 =	seq.s32 s7, s2  }
0x1e: {  	s7 =	smul.u32 @!p0 $0xF7A, s2;
	p2 =	seq.s32 @!p0 s5, $0x0  }
0x1f: {  	s9 =	smul.u32 $0xF7A, s1;
	s8 =	simm.s32 @!p0 $0x1BF5;
	p2 =	por !p2, p0  }
0x20: {  	[sflag:s8] =	ssyncset.s32 @!p0 $0xFFFFF086;
	s6 =	sadd.s32 @!p0 s3, s7;
	s7 =	simm.s32 @!p0 $0x108  }
0x21: {  	s3 =	sadd.s32 s3, s9;
	s6 =	sadd.s32 @!p0 $0x88, s6;
	s7 =	simm.s32 @p2 $0x1082  }
0x22: {  	[simem:s7], [sflag:s8] =	dma.local @!p0 [hbm:s6], $0xF7A  }
0x23: {  	s9 =	sor.u32 $0xD0000000, s2;
	s6 =	simm.s32 $0x108;
	_ =	swait.ge @!p0 [sflag:s8], $0x0  }
0x24: {  	s3 =	sadd.s32 $0x88, s3;
	s6 =	simm.s32 @!p1 $0x1082;
	[sflag:s4] =	ssyncset.s32 $0xFFFFF086  }
0x25: {  	[simem:s6], [sflag:s4] =	dma.local [hbm:s3], $0xF7A  }
0x26: {  	[smem:$0x3F89] =	sst s1;
	(tag) =	ssettag s2;
	_ =	strace s9  }
0x27: {  	s1 =	sld [smem:$0x3F99]  }
0x28: {  	s2 =	sld [smem:$0x3F9A]  }
0x29: {  	s4 =	sld [smem:$0x3F9C]  }
0x2a: {  	p0 =	seq.s32 s5, $0x0;
	s5 =	sld [smem:$0x3F9D]  }
0x2b: {  	s6 =	sld [smem:$0x3F9E]  }
0x2c: {  	s7 =	sld [smem:$0x3F9F]  }
0x2d: {  	s3 =	simm.s32 $0x108;
	s8 =	sld [smem:$0x3FA0]  }
0x2e: {  	s3 =	simm.s32 @!p0 $0x1082;
	s9 =	sld [smem:$0x3FA1]  }
0x2f: {  	lr =	sadd.s32 s0, s3;
	s0 =	sld [smem:$0x3F98]  }
0x30: {  	s3 =	sld [smem:$0x3F9B]  }
0x31: {  	[smem:$0x3FA4] =	sst s10  }
0x32: {  	s10 =	sld [smem:$0x3FA2];
	_ =	sdelay $0x3  }
0x33: {  	p0 =	seq.s32 s10, $0x1;
	s10 =	sld [smem:$0x3FA4];
	_ =	sdelay $0x3  }
0x34: {  	[smem:$0x3FA4] =	sst s10  }
0x35: {  	s10 =	sld [smem:$0x3FA3];
	_ =	sdelay $0x3  }
0x36: {  	p1 =	seq.s32 s10, $0x1;
	s10 =	sld [smem:$0x3FA4];
	_ =	sdelay $0x3  }
0x37: {  	[smem:$0x3FA4] =	sst s10  }
0x38: {  	s10 =	sld [smem:$0x3FA5]  }
0x39: {  	_ = 	snop;
	(pc) =	sbr.ind lr, $3  }
0x3a: {  	_ = 	snop  }
0x3b: {  	_ = 	snop  }
0x3c: {  	p2 =	seq.s32 s10, $0x1;
	s10 =	sld [smem:$0x3FA4]  }
0x3d: {  	_ =	shalt  }
0x3e: {  	_ =	shalt  }
0x3f: {  	_ =	shalt  }
0x40: {  	_ =	shalt  }
0x41: {  	_ =	shalt  }
0x42: {  	_ =	shalt  }
0x43: {  	_ =	shalt  }
0x44: {  	_ =	shalt  }
0x45: {  	_ =	shalt  }
0x46: {  	_ =	shalt  }
0x47: {  	_ =	shalt  }
0x48: {  	_ =	shalt  }
0x49: {  	_ =	shalt  }
0x4a: {  	_ =	shalt  }
0x4b: {  	_ =	shalt  }
0x4c: {  	_ =	shalt  }
0x4d: {  	_ =	shalt  }
0x4e: {  	_ =	shalt  }
0x4f: {  	_ =	shalt  }
0x50: {  	_ =	shalt  }
0x51: {  	_ =	shalt  }
0x52: {  	_ =	shalt  }
0x53: {  	_ =	shalt  }
0x54: {  	_ =	shalt  }
0x55: {  	_ =	shalt  }
0x56: {  	_ =	shalt  }
0x57: {  	_ =	shalt  }
0x58: {  	_ =	shalt  }
0x59: {  	_ =	shalt  }
0x5a: {  	_ =	shalt  }
0x5b: {  	_ =	shalt  }
0x5c: {  	_ =	shalt  }
0x5d: {  	_ =	shalt  }
0x5e: {  	_ =	shalt  }
0x5f: {  	_ =	shalt  }
0x60: {  	_ =	shalt  }
0x61: {  	_ =	shalt  }
0x62: {  	_ =	shalt  }
0x63: {  	_ =	shalt  }
0x64: {  	_ =	shalt  }
0x65: {  	_ =	shalt  }
0x66: {  	_ =	shalt  }
0x67: {  	_ =	shalt  }
0x68: {  	_ =	shalt  }
0x69: {  	_ =	shalt  }
0x6a: {  	_ =	shalt  }
0x6b: {  	_ =	shalt  }
0x6c: {  	_ =	shalt  }
0x6d: {  	_ =	shalt  }
0x6e: {  	_ =	shalt  }
0x6f: {  	_ =	shalt  }
0x70: {  	_ =	shalt  }
0x71: {  	_ =	shalt  }
0x72: {  	_ =	shalt  }
0x73: {  	_ =	shalt  }
0x74: {  	_ =	shalt  }
0x75: {  	_ =	shalt  }
0x76: {  	_ =	shalt  }
0x77: {  	_ =	shalt  }
0x78: {  	_ =	shalt  }
0x79: {  	_ =	shalt  }
0x7a: {  	_ =	shalt  }
0x7b: {  	_ =	shalt  }
0x7c: {  	_ =	shalt  }
0x7d: {  	_ =	shalt  }
0x7e: {  	_ =	shalt  }
0x7f: {  	_ =	shalt  }
0x80: {  	_ =	shalt  }
0x81: {  	_ =	shalt  }
0x82: {  	_ =	shalt  }
0x83: {  	_ =	shalt  }
0x84: {  	_ =	shalt  }
0x85: {  	_ =	shalt  }
0x86: {  	_ =	shalt  }
0x87: {  	_ =	shalt  }
.Lfunc_end0:
.L_simem_size_0:
called_computation.1_lowered:
.L_overlay_start_0:
0x88: {  	s2 =	sld [smem:$0x3FD9]  }
0x89: {  	s3 =	sld [smem:$0x3FFE];
	_ =	sdelay $0x1  }
0x8a: {  	s1 =	srdreg.scid  }
0x8b: {  	s0 =	sand.u32 $0x1, s1  }
0x8c: {  	s14 =	sshll.u32 s0, $0xA;
	s2 =	sadd.s32 s3, s2  }
0x8d: {  	s2 =	sadd.s32 s2, s14  }
0x8e: {  	[smem:$0x3FB0] =	sst s2  }
0x8f: {  	_ = 	snop  }
0x90: {  	s2 =	sld [smem:$0x3FD0];
	_ =	sdelay $0x2  }
0x91: {  	s15 =	simm.s32 $0xA;
	s4 =	simm.s32 $0x10  }
0x92: {  	[smem:s4], [sflag:s15] =	dma.local [hbm:s2], $0x1  }
0x93: {  	_ =	swait.eq [sflag:s15], $0x1  }
0x94: {  	[sflag:s15] =	ssyncset.done $0x0  }
0x95: {  	[sflag:s15] =	ssyncadd.s32 $0xFFFFFFFF  }
0x96: {  	s16 =	sld [smem:$0x13];
	(tm) =	ssettm $0x1  }
0x97: {  	s17 =	sld [smem:$0x3FFB];
	_ =	sdelay $0x3  }
0x98: {  	_ =	strace s17  }
0x99: {  	s3 =	sld [smem:$0x3FFC];
	_ =	sdelay $0x3  }
0x9a: {  	_ =	strace s3  }
0x9b: {  	s3 =	sld [smem:$0x3FFD];
	_ =	sdelay $0x3  }
0x9c: {  	_ =	strace s3  }
0x9d: {  	_ =	strace $0x8FFFFFFF  }
0x9e: {  	s18 =	sld [smem:$0x3FDB];
	_ =	sdelay $0x1  }
0x9f: {  	s19 =	simm.s32 $_scs_section_size  }
0xa0: {  	s5 =	simm.s32 $_size__tile_overlayer_lowered;
	s6 =	simm.s32 $_tile_overlayer_lowered  }
0xa1: {  	s22 =	simm.s32 $0x1BFF;
	s21 =	sshll.u32 s6, $0x1;
	s3 =	sadd.s32 s19, s18  }
0xa2: {  	s7 =	simm.s32 $0x0;
	s20 =	sshll.u32 s5, $0x1;
	s5 =	sadd.s32 s21, s3  }
0xa3: {  	[timem:s7], [sflag:s22] =	dma.local [hbm:s5], s20  }
0xa4: {  	_ =	swait.ge [sflag:s22], s20  }
0xa5: {  	s4 =	ssub.s32 $0x0, s20;
	[sflag:s22] =	ssyncset.done $0x0  }
0xa6: {  	[sflag:s22] =	ssyncadd.s32 s4;
	_ =	sdelay $0x1  }
0xa7: {  	s23 =	simm.s32 $0x1B8B  }
0xa8: {  	_ =	swait.ge [sflag:s23], $0x1  }
0xa9: {  	[sflag:s23] =	ssyncset.done $0x0  }
0xaa: {  	s25 =	simm.s32 $0x1B8E;
	s24 =	sld [smem:$0x3FFE];
	[sflag:s23] =	ssyncadd.s32 $0xFFFFFFFF  }
0xab: {  	s26 =	simm.s32 $execute0_lowered;
	[smem:$0x3FD2] =	sst s25  }
0xac: {  	s5 =	sshll.u32 s26, $0x1;
	_ =	strace $0x80000049;
	[dreg:$0x1] =	wrdreg $0xFFFFFFFF  }
0xad: {  	s28 =	simm.s32 $_size_execute0_lowered;
	s3 =	sadd.s32 s3, s5;
	[dreg:$0x0] =	wrdreg $0x0  }
0xae: {  	s5 =	sshll.u32 s28, $0x1;
	[dreg:$0x2] =	wrdreg s3  }
0xaf: {  	[dreg:$0x3] =	wrdreg s5  }
0xb0: {  	[dreg:$0x4] =	wrdreg $0xC0  }
0xb1: {  	_ =	task [dreg:s7], $0x5FFFF  }
0xb2: {  	[dreg:$0x1] =	wrdreg $0xFFFFFFFF  }
0xb3: {  	[dreg:$0x0] =	wrdreg $0x60  }
0xb4: {  	[dreg:$0x2] =	wrdreg s24  }
0xb5: {  	[dreg:$0x3] =	wrdreg s16  }
0xb6: {  	[dreg:$0x4] =	wrdreg $0x29000  }
0xb7: {  	[dreg:$0x5] =	wrdreg $0x9  }
0xb8: {  	_ =	task.clear_ibuf [dreg:s7], $0x6FFFF;
	_ =	strace $0x90000049  }
0xb9: {  	s29 =	simm.s32 $0x9;
	_ =	strace $0x8000004B  }
0xba: {  	_ =	swait.ge [sflag:s29], $0x1  }
0xbb: {  	[sflag:s29] =	ssyncadd.s32 $0xFFFFFFFF  }
0xbc: {  	_ =	strace $0x9000004B  }
0xbd: {  	_ =	sfence  }
0xbe: {  	s30 =	sld [smem:$0x0];
	_ =	sdelay $0x2  }
0xbf: {  	s31 =	sshll.u32 s1, $0xD;
	s1 =	sshrl.u32 s1, $0x2  }
0xc0: {  	s3 =	sand.u32 $0x4000, s31;
	s1 =	sadd.s32 s1, s30  }
0xc1: {  	s0 =	sor.u32 s3, s0;
	s1 =	sshll.u32 s1, $0x11  }
0xc2: {  	s0 =	sor.u32 s1, s0  }
0xc3: {  	s0 =	sadd.s32 $0x8F2B, s0  }
0xc4: {  	[sflag:s0] =	ssyncadd.remote.s32 $0x1  }
0xc5: {  	_ =	sfence.sel $0xFFFF  }
0xc6: {  	[dreg:$0x0] =	wrdreg $0xFFFFFFFF;
	(pc) =	sbr.abs _section_cstart, $3  }
0xc7: {  	[dreg:$0x1] =	wrdreg $0xFFFFFFFF  }
0xc8: {  	_ =	task.clear_ibuf [dreg:s7], $0x2FFFF;
	_ =	strace $0x9FFFFFFF  }
0xc9: {  	(tm) =	ssettm $0x7FFFFFFF  }
tec
execute0_lowered:
.L_overlay_start_1:
0x0: {  	(tag) =	ssettag $0x1  }
0x1: {  	s5 =	rddreg [dreg:$0x0];
	s1 =	srdreg.scid  }
0x2: {  	s0 =	stileid.u32;
	s9 =	rddreg [dreg:$0x1]  }
0x3: {  	s2 =	rddreg [dreg:$0x2];
	s3 =	simm.s32 $0x0;
	s4 =	smul.u32 $0x4E20, s0  }
0x4: {  	s15 =	simm.s32 $0x100;
	s16 =	simm.s32 $0x1;
	s28 =	smul.u32 $0x14000, s0  }
0x5: {  	s6 =	sand.u32 $0x1, s1;
	s1 =	rddreg [dreg:$0x3];
	s29 =	smul.u32 $0x50000, s0  }
0x6: {  	s17 =	simm.s32 $0x0;
	[smem:$0x7FF] =	sst s3;
	s7 =	smul.u32 $0x2710, s6  }
0x7: {  	s31 =	sshll.u32 s0, $0x6;
	s8 =	smul.u32 $0x140000, s6;
	s6 =	ssub.s32 $0x2, s6  }
0x8: {  	_ =	strace $0x8000004A;
	s12 =	sshrl.u32 s28, $0x3;
	s13 =	sshrl.u32 s6, $0x1  }
0x9: {  	s30 =	sshrl.u32 s29, $0x2;
	s4 =	sadd.s32 s7, s4;
	s7 =	sadd.s32 s28, s8  }
0xa: {  	s12 =	sadd.s32 s12, s5;
	s13 =	ssub.s32 s6, s13;
	s14 =	sadd.s32 s30, s2  }
0xb: {  	s6 =	sor.u32 $0x1C02, s31;
	s10 =	sshrl.u32 s4, $0x3;
	s4 =	sadd.s32 $0xF800, s5  }
0xc: {  	s7 =	sshrl.u32 s7, $0x3;
	s8 =	smax.u32 s13, $0x1;
	s13 =	simm.s32 $0x80  }
0xd: {  	s11 =	sadd.s32 s10, s5;
	s7 =	sadd.s32 s7, s5;
	s5 =	sadd.s32 $0x37800, s12  }
0xe: {  	s9 =	sadd.s32 s10, s9;
	s12 =	simm.s32 $0x2;
	s7 =	sadd.s32 $0x5F800, s7  }
0xf: {  	s10 =	sadd.s32 $0x5A00, s11;
	s11 =	sshrl.u32 s14, $0x3;
	s14 =	simm.s32 $0x50  }
.LBB2_1:
0x10: {  	[spmem:s11], [sflag:s6] =	dma.local [hbm:s5], $0x2800  }
0x11: {  	_ =	swait.ge [sflag:s12], $0x2800  }
0x12: {  	[sflag:s12] =	ssyncset.done $0x0  }
0x13: {  	[sflag:s12] =	ssyncadd.s32 $0xFFFFD800  }
0x14: {  	s18 =	sadd.s32 $0x0, s10;
	[bflag:$0x0] =	sbarrier.arrive $0xFFFF  }
0x15: {  	[tilespmem:s3], [sflag:$0x2] =	stream.linear.gather [hbm4b:s18+s3], $0x50, $0x38;
	[tilespmem:$0x16900] =	vst v63  }
0x16: {  	_ =	swait.ge [sflag:s12], $0x50  }
0x17: {  	[sflag:s12] =	ssyncset.done $0x0  }
0x18: {  	s31 =	sadd.s32 $0x0, s9;
	[sflag:s12] =	ssyncadd.s32 $0xFFFFFFB0  }
0x19: {  	[tilespmem:s13], [sflag:$0x2] =	stream.linear.gather [hbm4b:s31+s3], $0x50, $0x38;
	[tilespmem:$0x16900] =	vst v63  }
0x1a: {  	_ =	swait.ge [sflag:s12], $0x50  }
0x1b: {  	[sflag:s12] =	ssyncset.done $0x0  }
0x1c: {  	[sflag:s12] =	ssyncadd.s32 $0xFFFFFFB0  }
0x1d: {  	[tilespmem:s15], [sflag:$0x1] =	stream.indirect.gather [hbm4b:s4+s14], $0x80, s3, s14, $0xb8;
	[tilespmem:$0x16900] =	vst v63  }
0x1e: {  	_ =	swait.ge [sflag:s16], $0x2800  }
0x1f: {  	[sflag:s16] =	ssyncset.done $0x0  }
0x20: {  	[sflag:s16] =	ssyncadd.s32 $0xFFFFD800  }
0x21: {  	[spmem:s2] =	stream.indirect.scatter.add.f32 [tilespmem:s15], [sflag:$0x2], $0x80, s13, s14, $0xb8;
	[tilespmem:$0x16900] =	vst v63  }
0x22: {  	_ =	swait.ge [sflag:s12], $0x2800  }
0x23: {  	s19 =	simm.s32 $0x14;
	s18 =	simm.s32 $0xA;
	[sflag:s12] =	ssyncset.done $0x0  }
.LBB2_2:
0x24: {  	s20 =	sadd.s32 s18, s10  }
0x25: {  	[sflag:s12] =	ssyncadd.s32 $0xFFFFD800;
	s21 =	smov.u32 s19;
	s22 =	sadd.s32 $0xA, s19  }
0x26: {  	[tilespmem:s3], [sflag:$0x2] =	stream.linear.gather [hbm4b:s20+s3], $0x50, $0x38;
	[tilespmem:$0x16900] =	vst v63  }
0x27: {  	p0 =	sne.s32 s19, $0x4D8;
	_ =	swait.ge [sflag:s12], $0x50  }
0x28: {  	[sflag:s12] =	ssyncset.done $0x0  }
0x29: {  	s19 =	sadd.s32 s18, s9;
	s18 =	smov.u32 s21;
	[sflag:s12] =	ssyncadd.s32 $0xFFFFFFB0  }
0x2a: {  	[tilespmem:s13], [sflag:$0x2] =	stream.linear.gather [hbm4b:s19+s3], $0x50, $0x38;
	[tilespmem:$0x16900] =	vst v63  }
0x2b: {  	_ =	swait.ge [sflag:s12], $0x50  }
0x2c: {  	[sflag:s12] =	ssyncset.done $0x0  }
0x2d: {  	[sflag:s12] =	ssyncadd.s32 $0xFFFFFFB0  }
0x2e: {  	[tilespmem:s15], [sflag:$0x1] =	stream.indirect.gather [hbm4b:s4+s14], $0x80, s3, s14, $0xb8;
	[tilespmem:$0x16900] =	vst v63  }
0x2f: {  	_ =	swait.ge [sflag:s16], $0x2800  }
.Ltmp0:
0x30: {  	[sflag:s16] =	ssyncset.done $0x0;
	(pc) =	sbr.rel @p0 .LBB2_2-.Ltmp0, $4  }
0x31: {  	[sflag:s16] =	ssyncadd.s32 $0xFFFFD800  }
0x32: {  	[spmem:s2] =	stream.indirect.scatter.add.f32 [tilespmem:s15], [sflag:$0x2], $0x80, s13, s14, $0xb8;
	[tilespmem:$0x16900] =	vst v63  }
0x33: {  	_ =	swait.ge [sflag:s12], $0x2800  }
0x34: {  	s19 =	smov.u32 s22;
	[sflag:s12] =	ssyncset.done $0x0  }
0x35: {  	s19 =	sadd.s32 s18, s10;
	[sflag:s12] =	ssyncadd.s32 $0xFFFFD800  }
0x36: {  	[tilespmem:s3], [sflag:$0x2] =	stream.linear.gather [hbm4b:s19+s3], $0x50, $0x38;
	[tilespmem:$0x16900] =	vst v63  }
0x37: {  	_ =	swait.ge [sflag:s12], $0x50  }
0x38: {  	[sflag:s12] =	ssyncset.done $0x0  }
0x39: {  	s31 =	sadd.s32 s18, s9;
	[sflag:s12] =	ssyncadd.s32 $0xFFFFFFB0  }
0x3a: {  	[tilespmem:s13], [sflag:$0x2] =	stream.linear.gather [hbm4b:s31+s3], $0x50, $0x38;
	[tilespmem:$0x16900] =	vst v63  }
0x3b: {  	_ =	swait.ge [sflag:s12], $0x50  }
0x3c: {  	[sflag:s12] =	ssyncset.done $0x0  }
0x3d: {  	[sflag:s12] =	ssyncadd.s32 $0xFFFFFFB0  }
0x3e: {  	[tilespmem:s15], [sflag:$0x1] =	stream.indirect.gather [hbm4b:s4+s14], $0x80, s3, s14, $0xb8;
	[tilespmem:$0x16900] =	vst v63  }
0x3f: {  	_ =	swait.ge [sflag:s16], $0x2800  }
0x40: {  	[sflag:s16] =	ssyncset.done $0x0  }
0x41: {  	[sflag:s16] =	ssyncadd.s32 $0xFFFFD800  }
0x42: {  	[spmem:s2] =	stream.indirect.scatter.add.f32 [tilespmem:s15], [sflag:$0x2], $0x80, s13, s14, $0xb8;
	[tilespmem:$0x16900] =	vst v63  }
0x43: {  	_ =	swait.ge [sflag:s12], $0x2800  }
0x44: {  	s17 =	sadd.s32 $0x1, s17;
	[sflag:s12] =	ssyncset.done $0x0  }
0x45: {  	p0 =	sne.s32 s17, s8;
	[sflag:s12] =	ssyncadd.s32 $0xFFFFD800  }
.Ltmp1:
0x46: {  	[bflag:$0x0] =	sbarrier.arrive $0xFFFF;
	(pc) =	sbr.rel @p0 .LBB2_1-.Ltmp1, $4  }
0x47: {  	[hbm:s7], [sflag:s6] =	dma.local [spmem:s11], $0x2800  }
0x48: {  	_ =	swait.ge [sflag:s12], $0x2800  }
0x49: {  	[sflag:s12] =	ssyncset.done $0x0  }
0x4a: {  	[sflag:s12] =	ssyncadd.s32 $0xFFFFD800  }
0x4b: {  	_ =	sfence.sel $0x180000  }
0x4c: {  	[bflag:$0x0] =	sbarrier.arrive $0xFFFF  }
0x4d: {  	p0 =	sne.s32 s0, $0x0;
	_ =	strace $0x9000004A  }
0x4e: {  	s0 =	sadd.s32 @!p0 $0x100000, s1;
	[bflag:$0x2] =	sbarrier.arrive $0xFFFF  }
0x4f: {  	[sflag:s0] =	ssyncadd.tile.s32 @!p0 $0x1;
	_ =	shalt  }
.Lfunc_end2:
_tile_overlayer_lowered:
.L_overlay_start_2:
0x50: {  	(tag) =	ssettag $0x2  }
0x51: {  	s0 =	rddreg [dreg:$0x0];
	s2 =	stileid.u32  }
0x52: {  	s1 =	rddreg [dreg:$0x1];
	p0 =	sne.s32 s2, $0x0  }
0x53: {  	s3 =	rddreg [dreg:$0x2];
	[bflag:$0x3] =	sbarrier.arrive $0xFFFF;
	s2 =	simm.s32 @!p0 $0x1C02  }
0x54: {  	[timem:s3], [sflag:s2] =	dma.local @!p0 [hbm:s0], s1  }
0x55: {  	s0 =	simm.s32 @!p0 $0x2  }
0x56: {  	_ =	swait.ge @!p0 [sflag:s0], s1  }
0x57: {  	s1 =	ssub.s32 @!p0 $0x0, s1;
	[sflag:s0] =	ssyncset.done @!p0 $0x0  }
0x58: {  	[sflag:s0] =	ssyncadd.s32 @!p0 s1  }
0x59: {  	[bflag:$0x3] =	sbarrier.arrive $0xFFFF  }
0x5a: {  	_ =	shalt  }

// kernel: kernel.20.cloned.1.call-start
scs
__scs_entry_jumppad:
0x0: {  	(pc) =	sbr.rel $0x88, $3  }
0x1: {  	(tag) =	ssettag $0x0;
	lr =	simm.s32 $0x1  }
0x2: {  	[smem:$0x3F89] =	sst lr;
	_ =	strace $0xD0000000  }
0x3: {  	_ = 	snop  }
0x4: {  	_ = 	snop  }
0x5: {  	_ = 	snop  }
0x6: {  	_ = 	snop  }
0x7: {  	_ = 	snop  }
__scs_overlays_trampoline_lowered:
0x8: {  	[smem:$0x3F98] =	sst s0  }
0x9: {  	[smem:$0x3F99] =	sst s1  }
0xa: {  	[smem:$0x3F9A] =	sst s2  }
0xb: {  	[smem:$0x3F9B] =	sst s3  }
0xc: {  	[smem:$0x3F9C] =	sst s4  }
0xd: {  	[smem:$0x3F9D] =	sst s5  }
0xe: {  	[smem:$0x3F9E] =	sst s6  }
0xf: {  	[smem:$0x3F9F] =	sst s7  }
0x10: {  	[smem:$0x3FA0] =	sst s8  }
0x11: {  	[smem:$0x3FA1] =	sst s9;
	s0 =	simm.s32 @!p0 $0x0  }
0x12: {  	s1 =	sld [smem:$0x3F87];
	s0 =	simm.s32 @p0 $0x1  }
0x13: {  	[smem:$0x3FA2] =	sst s0;
	s0 =	simm.s32 @!p1 $0x0  }
0x14: {  	s2 =	sld [smem:$0x3F86];
	s0 =	simm.s32 @p1 $0x1  }
0x15: {  	[smem:$0x3FA3] =	sst s0;
	s0 =	simm.s32 @!p2 $0x0  }
0x16: {  	s3 =	sld [smem:$0x3FDB];
	s0 =	simm.s32 @p2 $0x1  }
0x17: {  	s4 =	simm.s32 $0x1BF5;
	[smem:$0x3FA5] =	sst s0  }
0x18: {  	s0 =	sld [smem:$0x3F88];
	_ =	swait.ge [sflag:s4], $0x0  }
0x19: {  	s7 =	sld [smem:$0x3F89]  }
0x1a: {  	s8 =	sadd.s32 $0xFFFFE003, lr  }
0x1b: {  	s9 =	sadd.s32 $0xFFFFFEF7, lr;
	s5 =	simm.s32 $0xFFFFFFFF;
	p2 =	slt.u32 s8, $0xFFFFF086  }
0x1c: {  	p1 =	slt.u32 s9, $0xF7A;
	s5 =	simm.s32 @!p2 $0x0  }
0x1d: {  	s5 =	simm.s32 @p1 $0x1;
	p0 =	seq.s32 s7, s2  }
0x1e: {  	s7 =	smul.u32 @!p0 $0xF7A, s2;
	p2 =	seq.s32 @!p0 s5, $0x0  }
0x1f: {  	s9 =	smul.u32 $0xF7A, s1;
	s8 =	simm.s32 @!p0 $0x1BF5;
	p2 =	por !p2, p0  }
0x20: {  	[sflag:s8] =	ssyncset.s32 @!p0 $0xFFFFF086;
	s6 =	sadd.s32 @!p0 s3, s7;
	s7 =	simm.s32 @!p0 $0x108  }
0x21: {  	s3 =	sadd.s32 s3, s9;
	s6 =	sadd.s32 @!p0 $0x88, s6;
	s7 =	simm.s32 @p2 $0x1082  }
0x22: {  	[simem:s7], [sflag:s8] =	dma.local @!p0 [hbm:s6], $0xF7A  }
0x23: {  	s9 =	sor.u32 $0xD0000000, s2;
	s6 =	simm.s32 $0x108;
	_ =	swait.ge @!p0 [sflag:s8], $0x0  }
0x24: {  	s3 =	sadd.s32 $0x88, s3;
	s6 =	simm.s32 @!p1 $0x1082;
	[sflag:s4] =	ssyncset.s32 $0xFFFFF086  }
0x25: {  	[simem:s6], [sflag:s4] =	dma.local [hbm:s3], $0xF7A  }
0x26: {  	[smem:$0x3F89] =	sst s1;
	(tag) =	ssettag s2;
	_ =	strace s9  }
0x27: {  	s1 =	sld [smem:$0x3F99]  }
0x28: {  	s2 =	sld [smem:$0x3F9A]  }
0x29: {  	s4 =	sld [smem:$0x3F9C]  }
0x2a: {  	p0 =	seq.s32 s5, $0x0;
	s5 =	sld [smem:$0x3F9D]  }
0x2b: {  	s6 =	sld [smem:$0x3F9E]  }
0x2c: {  	s7 =	sld [smem:$0x3F9F]  }
0x2d: {  	s3 =	simm.s32 $0x108;
	s8 =	sld [smem:$0x3FA0]  }
0x2e: {  	s3 =	simm.s32 @!p0 $0x1082;
	s9 =	sld [smem:$0x3FA1]  }
0x2f: {  	lr =	sadd.s32 s0, s3;
	s0 =	sld [smem:$0x3F98]  }
0x30: {  	s3 =	sld [smem:$0x3F9B]  }
0x31: {  	[smem:$0x3FA4] =	sst s10  }
0x32: {  	s10 =	sld [smem:$0x3FA2];
	_ =	sdelay $0x3  }
0x33: {  	p0 =	seq.s32 s10, $0x1;
	s10 =	sld [smem:$0x3FA4];
	_ =	sdelay $0x3  }
0x34: {  	[smem:$0x3FA4] =	sst s10  }
0x35: {  	s10 =	sld [smem:$0x3FA3];
	_ =	sdelay $0x3  }
0x36: {  	p1 =	seq.s32 s10, $0x1;
	s10 =	sld [smem:$0x3FA4];
	_ =	sdelay $0x3  }
0x37: {  	[smem:$0x3FA4] =	sst s10  }
0x38: {  	s10 =	sld [smem:$0x3FA5]  }
0x39: {  	_ = 	snop;
	(pc) =	sbr.ind lr, $3  }
0x3a: {  	_ = 	snop  }
0x3b: {  	_ = 	snop  }
0x3c: {  	p2 =	seq.s32 s10, $0x1;
	s10 =	sld [smem:$0x3FA4]  }
0x3d: {  	_ =	shalt  }
0x3e: {  	_ =	shalt  }
0x3f: {  	_ =	shalt  }
0x40: {  	_ =	shalt  }
0x41: {  	_ =	shalt  }
0x42: {  	_ =	shalt  }
0x43: {  	_ =	shalt  }
0x44: {  	_ =	shalt  }
0x45: {  	_ =	shalt  }
0x46: {  	_ =	shalt  }
0x47: {  	_ =	shalt  }
0x48: {  	_ =	shalt  }
0x49: {  	_ =	shalt  }
0x4a: {  	_ =	shalt  }
0x4b: {  	_ =	shalt  }
0x4c: {  	_ =	shalt  }
0x4d: {  	_ =	shalt  }
0x4e: {  	_ =	shalt  }
0x4f: {  	_ =	shalt  }
0x50: {  	_ =	shalt  }
0x51: {  	_ =	shalt  }
0x52: {  	_ =	shalt  }
0x53: {  	_ =	shalt  }
0x54: {  	_ =	shalt  }
0x55: {  	_ =	shalt  }
0x56: {  	_ =	shalt  }
0x57: {  	_ =	shalt  }
0x58: {  	_ =	shalt  }
0x59: {  	_ =	shalt  }
0x5a: {  	_ =	shalt  }
0x5b: {  	_ =	shalt  }
0x5c: {  	_ =	shalt  }
0x5d: {  	_ =	shalt  }
0x5e: {  	_ =	shalt  }
0x5f: {  	_ =	shalt  }
0x60: {  	_ =	shalt  }
0x61: {  	_ =	shalt  }
0x62: {  	_ =	shalt  }
0x63: {  	_ =	shalt  }
0x64: {  	_ =	shalt  }
0x65: {  	_ =	shalt  }
0x66: {  	_ =	shalt  }
0x67: {  	_ =	shalt  }
0x68: {  	_ =	shalt  }
0x69: {  	_ =	shalt  }
0x6a: {  	_ =	shalt  }
0x6b: {  	_ =	shalt  }
0x6c: {  	_ =	shalt  }
0x6d: {  	_ =	shalt  }
0x6e: {  	_ =	shalt  }
0x6f: {  	_ =	shalt  }
0x70: {  	_ =	shalt  }
0x71: {  	_ =	shalt  }
0x72: {  	_ =	shalt  }
0x73: {  	_ =	shalt  }
0x74: {  	_ =	shalt  }
0x75: {  	_ =	shalt  }
0x76: {  	_ =	shalt  }
0x77: {  	_ =	shalt  }
0x78: {  	_ =	shalt  }
0x79: {  	_ =	shalt  }
0x7a: {  	_ =	shalt  }
0x7b: {  	_ =	shalt  }
0x7c: {  	_ =	shalt  }
0x7d: {  	_ =	shalt  }
0x7e: {  	_ =	shalt  }
0x7f: {  	_ =	shalt  }
0x80: {  	_ =	shalt  }
0x81: {  	_ =	shalt  }
0x82: {  	_ =	shalt  }
0x83: {  	_ =	shalt  }
0x84: {  	_ =	shalt  }
0x85: {  	_ =	shalt  }
0x86: {  	_ =	shalt  }
0x87: {  	_ =	shalt  }
.Lfunc_end0:
.L_simem_size_0:
called_computation.2_lowered:
.L_overlay_start_0:
0x88: {  	s2 =	sld [smem:$0x3FD9]  }
0x89: {  	s3 =	sld [smem:$0x3FFE];
	_ =	sdelay $0x1  }
0x8a: {  	s1 =	srdreg.scid  }
0x8b: {  	s0 =	sand.u32 $0x1, s1  }
0x8c: {  	s14 =	sshll.u32 s0, $0xA;
	s2 =	sadd.s32 s3, s2  }
0x8d: {  	s2 =	sadd.s32 s2, s14  }
0x8e: {  	[smem:$0x3FB0] =	sst s2  }
0x8f: {  	_ = 	snop  }
0x90: {  	s2 =	sld [smem:$0x3FD0];
	_ =	sdelay $0x2  }
0x91: {  	s15 =	simm.s32 $0xA;
	s4 =	simm.s32 $0x10  }
0x92: {  	[smem:s4], [sflag:s15] =	dma.local [hbm:s2], $0x1  }
0x93: {  	_ =	swait.eq [sflag:s15], $0x1  }
0x94: {  	[sflag:s15] =	ssyncset.done $0x0  }
0x95: {  	[sflag:s15] =	ssyncadd.s32 $0xFFFFFFFF  }
0x96: {  	s16 =	sld [smem:$0x13];
	(tm) =	ssettm $0x1  }
0x97: {  	s17 =	sld [smem:$0x3FFB];
	_ =	sdelay $0x3  }
0x98: {  	_ =	strace s17  }
0x99: {  	s3 =	sld [smem:$0x3FFC];
	_ =	sdelay $0x3  }
0x9a: {  	_ =	strace s3  }
0x9b: {  	s3 =	sld [smem:$0x3FFD];
	_ =	sdelay $0x3  }
0x9c: {  	_ =	strace s3  }
0x9d: {  	_ =	strace $0x8FFFFFFF  }
0x9e: {  	s18 =	sld [smem:$0x3FDB];
	_ =	sdelay $0x1  }
0x9f: {  	s19 =	simm.s32 $_scs_section_size  }
0xa0: {  	s5 =	simm.s32 $_size__tile_overlayer_lowered;
	s6 =	simm.s32 $_tile_overlayer_lowered  }
0xa1: {  	s22 =	simm.s32 $0x1BFF;
	s21 =	sshll.u32 s6, $0x1;
	s3 =	sadd.s32 s19, s18  }
0xa2: {  	s7 =	simm.s32 $0x0;
	s20 =	sshll.u32 s5, $0x1;
	s5 =	sadd.s32 s21, s3  }
0xa3: {  	[timem:s7], [sflag:s22] =	dma.local [hbm:s5], s20  }
0xa4: {  	_ =	swait.ge [sflag:s22], s20  }
0xa5: {  	s4 =	ssub.s32 $0x0, s20;
	[sflag:s22] =	ssyncset.done $0x0  }
0xa6: {  	[sflag:s22] =	ssyncadd.s32 s4;
	_ =	sdelay $0x1  }
0xa7: {  	s23 =	simm.s32 $0x1B8B  }
0xa8: {  	_ =	swait.ge [sflag:s23], $0x1  }
0xa9: {  	[sflag:s23] =	ssyncset.done $0x0  }
0xaa: {  	s25 =	simm.s32 $0x1B8E;
	s24 =	sld [smem:$0x3FFE];
	[sflag:s23] =	ssyncadd.s32 $0xFFFFFFFF  }
0xab: {  	s26 =	simm.s32 $execute0_lowered;
	[smem:$0x3FD2] =	sst s25  }
0xac: {  	s5 =	sshll.u32 s26, $0x1;
	_ =	strace $0x8000004C;
	[dreg:$0x1] =	wrdreg $0xFFFFFFFF  }
0xad: {  	s28 =	simm.s32 $_size_execute0_lowered;
	s3 =	sadd.s32 s3, s5;
	[dreg:$0x0] =	wrdreg $0x0  }
0xae: {  	s5 =	sshll.u32 s28, $0x1;
	[dreg:$0x2] =	wrdreg s3  }
0xaf: {  	[dreg:$0x3] =	wrdreg s5  }
0xb0: {  	[dreg:$0x4] =	wrdreg $0xC0  }
0xb1: {  	_ =	task [dreg:s7], $0x5FFFF  }
0xb2: {  	[dreg:$0x1] =	wrdreg $0xFFFFFFFF  }
0xb3: {  	[dreg:$0x0] =	wrdreg $0x60  }
0xb4: {  	[dreg:$0x2] =	wrdreg s24  }
0xb5: {  	[dreg:$0x3] =	wrdreg s16  }
0xb6: {  	[dreg:$0x4] =	wrdreg $0x29000  }
0xb7: {  	[dreg:$0x5] =	wrdreg $0x9  }
0xb8: {  	_ =	task.clear_ibuf [dreg:s7], $0x6FFFF;
	_ =	strace $0x9000004C  }
0xb9: {  	s29 =	simm.s32 $0x9;
	_ =	strace $0x8000004E  }
0xba: {  	_ =	swait.ge [sflag:s29], $0x1  }
0xbb: {  	[sflag:s29] =	ssyncadd.s32 $0xFFFFFFFF  }
0xbc: {  	_ =	strace $0x9000004E  }
0xbd: {  	_ =	sfence  }
0xbe: {  	s30 =	sld [smem:$0x0];
	_ =	sdelay $0x2  }
0xbf: {  	s31 =	sshll.u32 s1, $0xD;
	s1 =	sshrl.u32 s1, $0x2  }
0xc0: {  	s3 =	sand.u32 $0x4000, s31;
	s1 =	sadd.s32 s1, s30  }
0xc1: {  	s0 =	sor.u32 s3, s0;
	s1 =	sshll.u32 s1, $0x11  }
0xc2: {  	s0 =	sor.u32 s1, s0  }
0xc3: {  	s0 =	sadd.s32 $0x8F2B, s0  }
0xc4: {  	[sflag:s0] =	ssyncadd.remote.s32 $0x1  }
0xc5: {  	_ =	sfence.sel $0xFFFF  }
0xc6: {  	[dreg:$0x0] =	wrdreg $0xFFFFFFFF;
	(pc) =	sbr.abs _section_cstart, $3  }
0xc7: {  	[dreg:$0x1] =	wrdreg $0xFFFFFFFF  }
0xc8: {  	_ =	task.clear_ibuf [dreg:s7], $0x2FFFF;
	_ =	strace $0x9FFFFFFF  }
0xc9: {  	(tm) =	ssettm $0x7FFFFFFF  }
tec
execute0_lowered:
.L_overlay_start_1:
0x0: {  	(tag) =	ssettag $0x1  }
0x1: {  	s5 =	rddreg [dreg:$0x0];
	s1 =	srdreg.scid  }
0x2: {  	s0 =	stileid.u32;
	s9 =	rddreg [dreg:$0x1]  }
0x3: {  	s2 =	rddreg [dreg:$0x2];
	s3 =	simm.s32 $0x0;
	s4 =	smul.u32 $0x4E20, s0  }
0x4: {  	s15 =	simm.s32 $0x100;
	s16 =	simm.s32 $0x1;
	s28 =	smul.u32 $0x14000, s0  }
0x5: {  	s6 =	sand.u32 $0x1, s1;
	s1 =	rddreg [dreg:$0x3];
	s29 =	smul.u32 $0x50000, s0  }
0x6: {  	s17 =	simm.s32 $0x0;
	[smem:$0x7FF] =	sst s3;
	s7 =	smul.u32 $0x2710, s6  }
0x7: {  	s31 =	sshll.u32 s0, $0x6;
	s8 =	smul.u32 $0x140000, s6;
	s6 =	ssub.s32 $0x2, s6  }
0x8: {  	_ =	strace $0x8000004D;
	s12 =	sshrl.u32 s28, $0x3;
	s13 =	sshrl.u32 s6, $0x1  }
0x9: {  	s30 =	sshrl.u32 s29, $0x2;
	s4 =	sadd.s32 s7, s4;
	s7 =	sadd.s32 s28, s8  }
0xa: {  	s12 =	sadd.s32 s12, s5;
	s13 =	ssub.s32 s6, s13;
	s14 =	sadd.s32 s30, s2  }
0xb: {  	s6 =	sor.u32 $0x1C02, s31;
	s10 =	sshrl.u32 s4, $0x3;
	s4 =	sadd.s32 $0xF800, s5  }
0xc: {  	s7 =	sshrl.u32 s7, $0x3;
	s8 =	smax.u32 s13, $0x1;
	s13 =	simm.s32 $0x80  }
0xd: {  	s11 =	sadd.s32 s10, s5;
	s7 =	sadd.s32 s7, s5;
	s5 =	sadd.s32 $0x37800, s12  }
0xe: {  	s9 =	sadd.s32 s10, s9;
	s12 =	simm.s32 $0x2;
	s7 =	sadd.s32 $0x5F800, s7  }
0xf: {  	s10 =	sadd.s32 $0x5A00, s11;
	s11 =	sshrl.u32 s14, $0x3;
	s14 =	simm.s32 $0x50  }
.LBB2_1:
0x10: {  	[spmem:s11], [sflag:s6] =	dma.local [hbm:s5], $0x2800  }
0x11: {  	_ =	swait.ge [sflag:s12], $0x2800  }
0x12: {  	[sflag:s12] =	ssyncset.done $0x0  }
0x13: {  	[sflag:s12] =	ssyncadd.s32 $0xFFFFD800  }
0x14: {  	s18 =	sadd.s32 $0x0, s10;
	[bflag:$0x0] =	sbarrier.arrive $0xFFFF  }
0x15: {  	[tilespmem:s3], [sflag:$0x2] =	stream.linear.gather [hbm4b:s18+s3], $0x50, $0x38;
	[tilespmem:$0x16900] =	vst v63  }
0x16: {  	_ =	swait.ge [sflag:s12], $0x50  }
0x17: {  	[sflag:s12] =	ssyncset.done $0x0  }
0x18: {  	s31 =	sadd.s32 $0x0, s9;
	[sflag:s12] =	ssyncadd.s32 $0xFFFFFFB0  }
0x19: {  	[tilespmem:s13], [sflag:$0x2] =	stream.linear.gather [hbm4b:s31+s3], $0x50, $0x38;
	[tilespmem:$0x16900] =	vst v63  }
0x1a: {  	_ =	swait.ge [sflag:s12], $0x50  }
0x1b: {  	[sflag:s12] =	ssyncset.done $0x0  }
0x1c: {  	[sflag:s12] =	ssyncadd.s32 $0xFFFFFFB0  }
0x1d: {  	[tilespmem:s15], [sflag:$0x1] =	stream.indirect.gather [hbm4b:s4+s14], $0x80, s3, s14, $0xb8;
	[tilespmem:$0x16900] =	vst v63  }
0x1e: {  	_ =	swait.ge [sflag:s16], $0x2800  }
0x1f: {  	[sflag:s16] =	ssyncset.done $0x0  }
0x20: {  	[sflag:s16] =	ssyncadd.s32 $0xFFFFD800  }
0x21: {  	[spmem:s2] =	stream.indirect.scatter.add.f32 [tilespmem:s15], [sflag:$0x2], $0x80, s13, s14, $0xb8;
	[tilespmem:$0x16900] =	vst v63  }
0x22: {  	_ =	swait.ge [sflag:s12], $0x2800  }
0x23: {  	s19 =	simm.s32 $0x14;
	s18 =	simm.s32 $0xA;
	[sflag:s12] =	ssyncset.done $0x0  }
.LBB2_2:
0x24: {  	s20 =	sadd.s32 s18, s10  }
0x25: {  	[sflag:s12] =	ssyncadd.s32 $0xFFFFD800;
	s21 =	smov.u32 s19;
	s22 =	sadd.s32 $0xA, s19  }
0x26: {  	[tilespmem:s3], [sflag:$0x2] =	stream.linear.gather [hbm4b:s20+s3], $0x50, $0x38;
	[tilespmem:$0x16900] =	vst v63  }
0x27: {  	p0 =	sne.s32 s19, $0x4D8;
	_ =	swait.ge [sflag:s12], $0x50  }
0x28: {  	[sflag:s12] =	ssyncset.done $0x0  }
0x29: {  	s19 =	sadd.s32 s18, s9;
	s18 =	smov.u32 s21;
	[sflag:s12] =	ssyncadd.s32 $0xFFFFFFB0  }
0x2a: {  	[tilespmem:s13], [sflag:$0x2] =	stream.linear.gather [hbm4b:s19+s3], $0x50, $0x38;
	[tilespmem:$0x16900] =	vst v63  }
0x2b: {  	_ =	swait.ge [sflag:s12], $0x50  }
0x2c: {  	[sflag:s12] =	ssyncset.done $0x0  }
0x2d: {  	[sflag:s12] =	ssyncadd.s32 $0xFFFFFFB0  }
0x2e: {  	[tilespmem:s15], [sflag:$0x1] =	stream.indirect.gather [hbm4b:s4+s14], $0x80, s3, s14, $0xb8;
	[tilespmem:$0x16900] =	vst v63  }
0x2f: {  	_ =	swait.ge [sflag:s16], $0x2800  }
.Ltmp0:
0x30: {  	[sflag:s16] =	ssyncset.done $0x0;
	(pc) =	sbr.rel @p0 .LBB2_2-.Ltmp0, $4  }
0x31: {  	[sflag:s16] =	ssyncadd.s32 $0xFFFFD800  }
0x32: {  	[spmem:s2] =	stream.indirect.scatter.add.f32 [tilespmem:s15], [sflag:$0x2], $0x80, s13, s14, $0xb8;
	[tilespmem:$0x16900] =	vst v63  }
0x33: {  	_ =	swait.ge [sflag:s12], $0x2800  }
0x34: {  	s19 =	smov.u32 s22;
	[sflag:s12] =	ssyncset.done $0x0  }
0x35: {  	s19 =	sadd.s32 s18, s10;
	[sflag:s12] =	ssyncadd.s32 $0xFFFFD800  }
0x36: {  	[tilespmem:s3], [sflag:$0x2] =	stream.linear.gather [hbm4b:s19+s3], $0x50, $0x38;
	[tilespmem:$0x16900] =	vst v63  }
0x37: {  	_ =	swait.ge [sflag:s12], $0x50  }
0x38: {  	[sflag:s12] =	ssyncset.done $0x0  }
0x39: {  	s31 =	sadd.s32 s18, s9;
	[sflag:s12] =	ssyncadd.s32 $0xFFFFFFB0  }
0x3a: {  	[tilespmem:s13], [sflag:$0x2] =	stream.linear.gather [hbm4b:s31+s3], $0x50, $0x38;
	[tilespmem:$0x16900] =	vst v63  }
0x3b: {  	_ =	swait.ge [sflag:s12], $0x50  }
0x3c: {  	[sflag:s12] =	ssyncset.done $0x0  }
0x3d: {  	[sflag:s12] =	ssyncadd.s32 $0xFFFFFFB0  }
0x3e: {  	[tilespmem:s15], [sflag:$0x1] =	stream.indirect.gather [hbm4b:s4+s14], $0x80, s3, s14, $0xb8;
	[tilespmem:$0x16900] =	vst v63  }
0x3f: {  	_ =	swait.ge [sflag:s16], $0x2800  }
0x40: {  	[sflag:s16] =	ssyncset.done $0x0  }
0x41: {  	[sflag:s16] =	ssyncadd.s32 $0xFFFFD800  }
0x42: {  	[spmem:s2] =	stream.indirect.scatter.add.f32 [tilespmem:s15], [sflag:$0x2], $0x80, s13, s14, $0xb8;
	[tilespmem:$0x16900] =	vst v63  }
0x43: {  	_ =	swait.ge [sflag:s12], $0x2800  }
0x44: {  	s17 =	sadd.s32 $0x1, s17;
	[sflag:s12] =	ssyncset.done $0x0  }
0x45: {  	p0 =	sne.s32 s17, s8;
	[sflag:s12] =	ssyncadd.s32 $0xFFFFD800  }
.Ltmp1:
0x46: {  	[bflag:$0x0] =	sbarrier.arrive $0xFFFF;
	(pc) =	sbr.rel @p0 .LBB2_1-.Ltmp1, $4  }
0x47: {  	[hbm:s7], [sflag:s6] =	dma.local [spmem:s11], $0x2800  }
0x48: {  	_ =	swait.ge [sflag:s12], $0x2800  }
0x49: {  	[sflag:s12] =	ssyncset.done $0x0  }
0x4a: {  	[sflag:s12] =	ssyncadd.s32 $0xFFFFD800  }
0x4b: {  	_ =	sfence.sel $0x180000  }
0x4c: {  	[bflag:$0x0] =	sbarrier.arrive $0xFFFF  }
0x4d: {  	p0 =	sne.s32 s0, $0x0;
	_ =	strace $0x9000004D  }
0x4e: {  	s0 =	sadd.s32 @!p0 $0x100000, s1;
	[bflag:$0x2] =	sbarrier.arrive $0xFFFF  }
0x4f: {  	[sflag:s0] =	ssyncadd.tile.s32 @!p0 $0x1;
	_ =	shalt  }
.Lfunc_end2:
_tile_overlayer_lowered:
.L_overlay_start_2:
0x50: {  	(tag) =	ssettag $0x2  }
0x51: {  	s0 =	rddreg [dreg:$0x0];
	s2 =	stileid.u32  }
0x52: {  	s1 =	rddreg [dreg:$0x1];
	p0 =	sne.s32 s2, $0x0  }
0x53: {  	s3 =	rddreg [dreg:$0x2];
	[bflag:$0x3] =	sbarrier.arrive $0xFFFF;
	s2 =	simm.s32 @!p0 $0x1C02  }
0x54: {  	[timem:s3], [sflag:s2] =	dma.local @!p0 [hbm:s0], s1  }
0x55: {  	s0 =	simm.s32 @!p0 $0x2  }
0x56: {  	_ =	swait.ge @!p0 [sflag:s0], s1  }
0x57: {  	s1 =	ssub.s32 @!p0 $0x0, s1;
	[sflag:s0] =	ssyncset.done @!p0 $0x0  }
0x58: {  	[sflag:s0] =	ssyncadd.s32 @!p0 s1  }
0x59: {  	[bflag:$0x3] =	sbarrier.arrive $0xFFFF  }
0x5a: {  	_ =	shalt  }

// kernel: kernel.23.cloned.1.call-start
scs
__scs_entry_jumppad:
0x0: {  	(pc) =	sbr.rel $0x88, $3  }
0x1: {  	(tag) =	ssettag $0x0;
	lr =	simm.s32 $0x1  }
0x2: {  	[smem:$0x3F89] =	sst lr;
	_ =	strace $0xD0000000  }
0x3: {  	_ = 	snop  }
0x4: {  	_ = 	snop  }
0x5: {  	_ = 	snop  }
0x6: {  	_ = 	snop  }
0x7: {  	_ = 	snop  }
__scs_overlays_trampoline_lowered:
0x8: {  	[smem:$0x3F98] =	sst s0  }
0x9: {  	[smem:$0x3F99] =	sst s1  }
0xa: {  	[smem:$0x3F9A] =	sst s2  }
0xb: {  	[smem:$0x3F9B] =	sst s3  }
0xc: {  	[smem:$0x3F9C] =	sst s4  }
0xd: {  	[smem:$0x3F9D] =	sst s5  }
0xe: {  	[smem:$0x3F9E] =	sst s6  }
0xf: {  	[smem:$0x3F9F] =	sst s7  }
0x10: {  	[smem:$0x3FA0] =	sst s8  }
0x11: {  	[smem:$0x3FA1] =	sst s9;
	s0 =	simm.s32 @!p0 $0x0  }
0x12: {  	s1 =	sld [smem:$0x3F87];
	s0 =	simm.s32 @p0 $0x1  }
0x13: {  	[smem:$0x3FA2] =	sst s0;
	s0 =	simm.s32 @!p1 $0x0  }
0x14: {  	s2 =	sld [smem:$0x3F86];
	s0 =	simm.s32 @p1 $0x1  }
0x15: {  	[smem:$0x3FA3] =	sst s0;
	s0 =	simm.s32 @!p2 $0x0  }
0x16: {  	s3 =	sld [smem:$0x3FDB];
	s0 =	simm.s32 @p2 $0x1  }
0x17: {  	s4 =	simm.s32 $0x1BF5;
	[smem:$0x3FA5] =	sst s0  }
0x18: {  	s0 =	sld [smem:$0x3F88];
	_ =	swait.ge [sflag:s4], $0x0  }
0x19: {  	s7 =	sld [smem:$0x3F89]  }
0x1a: {  	s8 =	sadd.s32 $0xFFFFE003, lr  }
0x1b: {  	s9 =	sadd.s32 $0xFFFFFEF7, lr;
	s5 =	simm.s32 $0xFFFFFFFF;
	p2 =	slt.u32 s8, $0xFFFFF086  }
0x1c: {  	p1 =	slt.u32 s9, $0xF7A;
	s5 =	simm.s32 @!p2 $0x0  }
0x1d: {  	s5 =	simm.s32 @p1 $0x1;
	p0 =	seq.s32 s7, s2  }
0x1e: {  	s7 =	smul.u32 @!p0 $0xF7A, s2;
	p2 =	seq.s32 @!p0 s5, $0x0  }
0x1f: {  	s9 =	smul.u32 $0xF7A, s1;
	s8 =	simm.s32 @!p0 $0x1BF5;
	p2 =	por !p2, p0  }
0x20: {  	[sflag:s8] =	ssyncset.s32 @!p0 $0xFFFFF086;
	s6 =	sadd.s32 @!p0 s3, s7;
	s7 =	simm.s32 @!p0 $0x108  }
0x21: {  	s3 =	sadd.s32 s3, s9;
	s6 =	sadd.s32 @!p0 $0x88, s6;
	s7 =	simm.s32 @p2 $0x1082  }
0x22: {  	[simem:s7], [sflag:s8] =	dma.local @!p0 [hbm:s6], $0xF7A  }
0x23: {  	s9 =	sor.u32 $0xD0000000, s2;
	s6 =	simm.s32 $0x108;
	_ =	swait.ge @!p0 [sflag:s8], $0x0  }
0x24: {  	s3 =	sadd.s32 $0x88, s3;
	s6 =	simm.s32 @!p1 $0x1082;
	[sflag:s4] =	ssyncset.s32 $0xFFFFF086  }
0x25: {  	[simem:s6], [sflag:s4] =	dma.local [hbm:s3], $0xF7A  }
0x26: {  	[smem:$0x3F89] =	sst s1;
	(tag) =	ssettag s2;
	_ =	strace s9  }
0x27: {  	s1 =	sld [smem:$0x3F99]  }
0x28: {  	s2 =	sld [smem:$0x3F9A]  }
0x29: {  	s4 =	sld [smem:$0x3F9C]  }
0x2a: {  	p0 =	seq.s32 s5, $0x0;
	s5 =	sld [smem:$0x3F9D]  }
0x2b: {  	s6 =	sld [smem:$0x3F9E]  }
0x2c: {  	s7 =	sld [smem:$0x3F9F]  }
0x2d: {  	s3 =	simm.s32 $0x108;
	s8 =	sld [smem:$0x3FA0]  }
0x2e: {  	s3 =	simm.s32 @!p0 $0x1082;
	s9 =	sld [smem:$0x3FA1]  }
0x2f: {  	lr =	sadd.s32 s0, s3;
	s0 =	sld [smem:$0x3F98]  }
0x30: {  	s3 =	sld [smem:$0x3F9B]  }
0x31: {  	[smem:$0x3FA4] =	sst s10  }
0x32: {  	s10 =	sld [smem:$0x3FA2];
	_ =	sdelay $0x3  }
0x33: {  	p0 =	seq.s32 s10, $0x1;
	s10 =	sld [smem:$0x3FA4];
	_ =	sdelay $0x3  }
0x34: {  	[smem:$0x3FA4] =	sst s10  }
0x35: {  	s10 =	sld [smem:$0x3FA3];
	_ =	sdelay $0x3  }
0x36: {  	p1 =	seq.s32 s10, $0x1;
	s10 =	sld [smem:$0x3FA4];
	_ =	sdelay $0x3  }
0x37: {  	[smem:$0x3FA4] =	sst s10  }
0x38: {  	s10 =	sld [smem:$0x3FA5]  }
0x39: {  	_ = 	snop;
	(pc) =	sbr.ind lr, $3  }
0x3a: {  	_ = 	snop  }
0x3b: {  	_ = 	snop  }
0x3c: {  	p2 =	seq.s32 s10, $0x1;
	s10 =	sld [smem:$0x3FA4]  }
0x3d: {  	_ =	shalt  }
0x3e: {  	_ =	shalt  }
0x3f: {  	_ =	shalt  }
0x40: {  	_ =	shalt  }
0x41: {  	_ =	shalt  }
0x42: {  	_ =	shalt  }
0x43: {  	_ =	shalt  }
0x44: {  	_ =	shalt  }
0x45: {  	_ =	shalt  }
0x46: {  	_ =	shalt  }
0x47: {  	_ =	shalt  }
0x48: {  	_ =	shalt  }
0x49: {  	_ =	shalt  }
0x4a: {  	_ =	shalt  }
0x4b: {  	_ =	shalt  }
0x4c: {  	_ =	shalt  }
0x4d: {  	_ =	shalt  }
0x4e: {  	_ =	shalt  }
0x4f: {  	_ =	shalt  }
0x50: {  	_ =	shalt  }
0x51: {  	_ =	shalt  }
0x52: {  	_ =	shalt  }
0x53: {  	_ =	shalt  }
0x54: {  	_ =	shalt  }
0x55: {  	_ =	shalt  }
0x56: {  	_ =	shalt  }
0x57: {  	_ =	shalt  }
0x58: {  	_ =	shalt  }
0x59: {  	_ =	shalt  }
0x5a: {  	_ =	shalt  }
0x5b: {  	_ =	shalt  }
0x5c: {  	_ =	shalt  }
0x5d: {  	_ =	shalt  }
0x5e: {  	_ =	shalt  }
0x5f: {  	_ =	shalt  }
0x60: {  	_ =	shalt  }
0x61: {  	_ =	shalt  }
0x62: {  	_ =	shalt  }
0x63: {  	_ =	shalt  }
0x64: {  	_ =	shalt  }
0x65: {  	_ =	shalt  }
0x66: {  	_ =	shalt  }
0x67: {  	_ =	shalt  }
0x68: {  	_ =	shalt  }
0x69: {  	_ =	shalt  }
0x6a: {  	_ =	shalt  }
0x6b: {  	_ =	shalt  }
0x6c: {  	_ =	shalt  }
0x6d: {  	_ =	shalt  }
0x6e: {  	_ =	shalt  }
0x6f: {  	_ =	shalt  }
0x70: {  	_ =	shalt  }
0x71: {  	_ =	shalt  }
0x72: {  	_ =	shalt  }
0x73: {  	_ =	shalt  }
0x74: {  	_ =	shalt  }
0x75: {  	_ =	shalt  }
0x76: {  	_ =	shalt  }
0x77: {  	_ =	shalt  }
0x78: {  	_ =	shalt  }
0x79: {  	_ =	shalt  }
0x7a: {  	_ =	shalt  }
0x7b: {  	_ =	shalt  }
0x7c: {  	_ =	shalt  }
0x7d: {  	_ =	shalt  }
0x7e: {  	_ =	shalt  }
0x7f: {  	_ =	shalt  }
0x80: {  	_ =	shalt  }
0x81: {  	_ =	shalt  }
0x82: {  	_ =	shalt  }
0x83: {  	_ =	shalt  }
0x84: {  	_ =	shalt  }
0x85: {  	_ =	shalt  }
0x86: {  	_ =	shalt  }
0x87: {  	_ =	shalt  }
.Lfunc_end0:
.L_simem_size_0:
called_computation.3_lowered:
.L_overlay_start_0:
0x88: {  	s2 =	sld [smem:$0x3FD9]  }
0x89: {  	s3 =	sld [smem:$0x3FFE];
	_ =	sdelay $0x1  }
0x8a: {  	s1 =	srdreg.scid  }
0x8b: {  	s0 =	sand.u32 $0x1, s1  }
0x8c: {  	s14 =	sshll.u32 s0, $0xA;
	s2 =	sadd.s32 s3, s2  }
0x8d: {  	s2 =	sadd.s32 s2, s14  }
0x8e: {  	[smem:$0x3FB0] =	sst s2  }
0x8f: {  	_ = 	snop  }
0x90: {  	s2 =	sld [smem:$0x3FD0];
	_ =	sdelay $0x2  }
0x91: {  	s15 =	simm.s32 $0xA;
	s4 =	simm.s32 $0x10  }
0x92: {  	[smem:s4], [sflag:s15] =	dma.local [hbm:s2], $0x1  }
0x93: {  	_ =	swait.eq [sflag:s15], $0x1  }
0x94: {  	[sflag:s15] =	ssyncset.done $0x0  }
0x95: {  	[sflag:s15] =	ssyncadd.s32 $0xFFFFFFFF  }
0x96: {  	s16 =	sld [smem:$0x13];
	(tm) =	ssettm $0x1  }
0x97: {  	s17 =	sld [smem:$0x3FFB];
	_ =	sdelay $0x3  }
0x98: {  	_ =	strace s17  }
0x99: {  	s3 =	sld [smem:$0x3FFC];
	_ =	sdelay $0x3  }
0x9a: {  	_ =	strace s3  }
0x9b: {  	s3 =	sld [smem:$0x3FFD];
	_ =	sdelay $0x3  }
0x9c: {  	_ =	strace s3  }
0x9d: {  	_ =	strace $0x8FFFFFFF  }
0x9e: {  	s18 =	sld [smem:$0x3FDB];
	_ =	sdelay $0x1  }
0x9f: {  	s19 =	simm.s32 $_scs_section_size  }
0xa0: {  	s5 =	simm.s32 $_size__tile_overlayer_lowered;
	s6 =	simm.s32 $_tile_overlayer_lowered  }
0xa1: {  	s22 =	simm.s32 $0x1BFF;
	s21 =	sshll.u32 s6, $0x1;
	s3 =	sadd.s32 s19, s18  }
0xa2: {  	s7 =	simm.s32 $0x0;
	s20 =	sshll.u32 s5, $0x1;
	s5 =	sadd.s32 s21, s3  }
0xa3: {  	[timem:s7], [sflag:s22] =	dma.local [hbm:s5], s20  }
0xa4: {  	_ =	swait.ge [sflag:s22], s20  }
0xa5: {  	s4 =	ssub.s32 $0x0, s20;
	[sflag:s22] =	ssyncset.done $0x0  }
0xa6: {  	[sflag:s22] =	ssyncadd.s32 s4;
	_ =	sdelay $0x1  }
0xa7: {  	s23 =	simm.s32 $0x1B8B  }
0xa8: {  	_ =	swait.ge [sflag:s23], $0x1  }
0xa9: {  	[sflag:s23] =	ssyncset.done $0x0  }
0xaa: {  	s25 =	simm.s32 $0x1B8E;
	s24 =	sld [smem:$0x3FFE];
	[sflag:s23] =	ssyncadd.s32 $0xFFFFFFFF  }
0xab: {  	s26 =	simm.s32 $execute0_lowered;
	[smem:$0x3FD2] =	sst s25  }
0xac: {  	s5 =	sshll.u32 s26, $0x1;
	_ =	strace $0x8000004F;
	[dreg:$0x1] =	wrdreg $0xFFFFFFFF  }
0xad: {  	s28 =	simm.s32 $_size_execute0_lowered;
	s3 =	sadd.s32 s3, s5;
	[dreg:$0x0] =	wrdreg $0x0  }
0xae: {  	s5 =	sshll.u32 s28, $0x1;
	[dreg:$0x2] =	wrdreg s3  }
0xaf: {  	[dreg:$0x3] =	wrdreg s5  }
0xb0: {  	[dreg:$0x4] =	wrdreg $0xC0  }
0xb1: {  	_ =	task [dreg:s7], $0x5FFFF  }
0xb2: {  	[dreg:$0x1] =	wrdreg $0xFFFFFFFF  }
0xb3: {  	[dreg:$0x0] =	wrdreg $0x60  }
0xb4: {  	[dreg:$0x2] =	wrdreg s24  }
0xb5: {  	[dreg:$0x3] =	wrdreg s16  }
0xb6: {  	[dreg:$0x4] =	wrdreg $0x29000  }
0xb7: {  	[dreg:$0x5] =	wrdreg $0x9  }
0xb8: {  	_ =	task.clear_ibuf [dreg:s7], $0x6FFFF;
	_ =	strace $0x9000004F  }
0xb9: {  	s29 =	simm.s32 $0x9;
	_ =	strace $0x80000051  }
0xba: {  	_ =	swait.ge [sflag:s29], $0x1  }
0xbb: {  	[sflag:s29] =	ssyncadd.s32 $0xFFFFFFFF  }
0xbc: {  	_ =	strace $0x90000051  }
0xbd: {  	_ =	sfence  }
0xbe: {  	s30 =	sld [smem:$0x0];
	_ =	sdelay $0x2  }
0xbf: {  	s31 =	sshll.u32 s1, $0xD;
	s1 =	sshrl.u32 s1, $0x2  }
0xc0: {  	s3 =	sand.u32 $0x4000, s31;
	s1 =	sadd.s32 s1, s30  }
0xc1: {  	s0 =	sor.u32 s3, s0;
	s1 =	sshll.u32 s1, $0x11  }
0xc2: {  	s0 =	sor.u32 s1, s0  }
0xc3: {  	s0 =	sadd.s32 $0x8F2B, s0  }
0xc4: {  	[sflag:s0] =	ssyncadd.remote.s32 $0x1  }
0xc5: {  	_ =	sfence.sel $0xFFFF  }
0xc6: {  	[dreg:$0x0] =	wrdreg $0xFFFFFFFF;
	(pc) =	sbr.abs _section_cstart, $3  }
0xc7: {  	[dreg:$0x1] =	wrdreg $0xFFFFFFFF  }
0xc8: {  	_ =	task.clear_ibuf [dreg:s7], $0x2FFFF;
	_ =	strace $0x9FFFFFFF  }
0xc9: {  	(tm) =	ssettm $0x7FFFFFFF  }
tec
execute0_lowered:
.L_overlay_start_1:
0x0: {  	(tag) =	ssettag $0x1  }
0x1: {  	s5 =	rddreg [dreg:$0x0];
	s1 =	srdreg.scid  }
0x2: {  	s0 =	stileid.u32;
	s9 =	rddreg [dreg:$0x1]  }
0x3: {  	s2 =	rddreg [dreg:$0x2];
	s3 =	simm.s32 $0x0;
	s4 =	smul.u32 $0x4E20, s0  }
0x4: {  	s15 =	simm.s32 $0x100;
	s16 =	simm.s32 $0x1;
	s28 =	smul.u32 $0x14000, s0  }
0x5: {  	s6 =	sand.u32 $0x1, s1;
	s1 =	rddreg [dreg:$0x3];
	s29 =	smul.u32 $0x50000, s0  }
0x6: {  	s17 =	simm.s32 $0x0;
	[smem:$0x7FF] =	sst s3;
	s7 =	smul.u32 $0x2710, s6  }
0x7: {  	s31 =	sshll.u32 s0, $0x6;
	s8 =	smul.u32 $0x140000, s6;
	s6 =	ssub.s32 $0x2, s6  }
0x8: {  	_ =	strace $0x80000050;
	s12 =	sshrl.u32 s28, $0x3;
	s13 =	sshrl.u32 s6, $0x1  }
0x9: {  	s30 =	sshrl.u32 s29, $0x2;
	s4 =	sadd.s32 s7, s4;
	s7 =	sadd.s32 s28, s8  }
0xa: {  	s12 =	sadd.s32 s12, s5;
	s13 =	ssub.s32 s6, s13;
	s14 =	sadd.s32 s30, s2  }
0xb: {  	s6 =	sor.u32 $0x1C02, s31;
	s10 =	sshrl.u32 s4, $0x3;
	s4 =	sadd.s32 $0xF800, s5  }
0xc: {  	s7 =	sshrl.u32 s7, $0x3;
	s8 =	smax.u32 s13, $0x1;
	s13 =	simm.s32 $0x80  }
0xd: {  	s11 =	sadd.s32 s10, s5;
	s7 =	sadd.s32 s7, s5;
	s5 =	sadd.s32 $0x37800, s12  }
0xe: {  	s9 =	sadd.s32 s10, s9;
	s12 =	simm.s32 $0x2;
	s7 =	sadd.s32 $0x5F800, s7  }
0xf: {  	s10 =	sadd.s32 $0x5A00, s11;
	s11 =	sshrl.u32 s14, $0x3;
	s14 =	simm.s32 $0x50  }
.LBB2_1:
0x10: {  	[spmem:s11], [sflag:s6] =	dma.local [hbm:s5], $0x2800  }
0x11: {  	_ =	swait.ge [sflag:s12], $0x2800  }
0x12: {  	[sflag:s12] =	ssyncset.done $0x0  }
0x13: {  	[sflag:s12] =	ssyncadd.s32 $0xFFFFD800  }
0x14: {  	s18 =	sadd.s32 $0x0, s10;
	[bflag:$0x0] =	sbarrier.arrive $0xFFFF  }
0x15: {  	[tilespmem:s3], [sflag:$0x2] =	stream.linear.gather [hbm4b:s18+s3], $0x50, $0x38;
	[tilespmem:$0x16900] =	vst v63  }
0x16: {  	_ =	swait.ge [sflag:s12], $0x50  }
0x17: {  	[sflag:s12] =	ssyncset.done $0x0  }
0x18: {  	s31 =	sadd.s32 $0x0, s9;
	[sflag:s12] =	ssyncadd.s32 $0xFFFFFFB0  }
0x19: {  	[tilespmem:s13], [sflag:$0x2] =	stream.linear.gather [hbm4b:s31+s3], $0x50, $0x38;
	[tilespmem:$0x16900] =	vst v63  }
0x1a: {  	_ =	swait.ge [sflag:s12], $0x50  }
0x1b: {  	[sflag:s12] =	ssyncset.done $0x0  }
0x1c: {  	[sflag:s12] =	ssyncadd.s32 $0xFFFFFFB0  }
0x1d: {  	[tilespmem:s15], [sflag:$0x1] =	stream.indirect.gather [hbm4b:s4+s14], $0x80, s3, s14, $0xb8;
	[tilespmem:$0x16900] =	vst v63  }
0x1e: {  	_ =	swait.ge [sflag:s16], $0x2800  }
0x1f: {  	[sflag:s16] =	ssyncset.done $0x0  }
0x20: {  	[sflag:s16] =	ssyncadd.s32 $0xFFFFD800  }
0x21: {  	[spmem:s2] =	stream.indirect.scatter.add.f32 [tilespmem:s15], [sflag:$0x2], $0x80, s13, s14, $0xb8;
	[tilespmem:$0x16900] =	vst v63  }
0x22: {  	_ =	swait.ge [sflag:s12], $0x2800  }
0x23: {  	s19 =	simm.s32 $0x14;
	s18 =	simm.s32 $0xA;
	[sflag:s12] =	ssyncset.done $0x0  }
.LBB2_2:
0x24: {  	s20 =	sadd.s32 s18, s10  }
0x25: {  	[sflag:s12] =	ssyncadd.s32 $0xFFFFD800;
	s21 =	smov.u32 s19;
	s22 =	sadd.s32 $0xA, s19  }
0x26: {  	[tilespmem:s3], [sflag:$0x2] =	stream.linear.gather [hbm4b:s20+s3], $0x50, $0x38;
	[tilespmem:$0x16900] =	vst v63  }
0x27: {  	p0 =	sne.s32 s19, $0x4D8;
	_ =	swait.ge [sflag:s12], $0x50  }
0x28: {  	[sflag:s12] =	ssyncset.done $0x0  }
0x29: {  	s19 =	sadd.s32 s18, s9;
	s18 =	smov.u32 s21;
	[sflag:s12] =	ssyncadd.s32 $0xFFFFFFB0  }
0x2a: {  	[tilespmem:s13], [sflag:$0x2] =	stream.linear.gather [hbm4b:s19+s3], $0x50, $0x38;
	[tilespmem:$0x16900] =	vst v63  }
0x2b: {  	_ =	swait.ge [sflag:s12], $0x50  }
0x2c: {  	[sflag:s12] =	ssyncset.done $0x0  }
0x2d: {  	[sflag:s12] =	ssyncadd.s32 $0xFFFFFFB0  }
0x2e: {  	[tilespmem:s15], [sflag:$0x1] =	stream.indirect.gather [hbm4b:s4+s14], $0x80, s3, s14, $0xb8;
	[tilespmem:$0x16900] =	vst v63  }
0x2f: {  	_ =	swait.ge [sflag:s16], $0x2800  }
.Ltmp0:
0x30: {  	[sflag:s16] =	ssyncset.done $0x0;
	(pc) =	sbr.rel @p0 .LBB2_2-.Ltmp0, $4  }
0x31: {  	[sflag:s16] =	ssyncadd.s32 $0xFFFFD800  }
0x32: {  	[spmem:s2] =	stream.indirect.scatter.add.f32 [tilespmem:s15], [sflag:$0x2], $0x80, s13, s14, $0xb8;
	[tilespmem:$0x16900] =	vst v63  }
0x33: {  	_ =	swait.ge [sflag:s12], $0x2800  }
0x34: {  	s19 =	smov.u32 s22;
	[sflag:s12] =	ssyncset.done $0x0  }
0x35: {  	s19 =	sadd.s32 s18, s10;
	[sflag:s12] =	ssyncadd.s32 $0xFFFFD800  }
0x36: {  	[tilespmem:s3], [sflag:$0x2] =	stream.linear.gather [hbm4b:s19+s3], $0x50, $0x38;
	[tilespmem:$0x16900] =	vst v63  }
0x37: {  	_ =	swait.ge [sflag:s12], $0x50  }
0x38: {  	[sflag:s12] =	ssyncset.done $0x0  }
0x39: {  	s31 =	sadd.s32 s18, s9;
	[sflag:s12] =	ssyncadd.s32 $0xFFFFFFB0  }
0x3a: {  	[tilespmem:s13], [sflag:$0x2] =	stream.linear.gather [hbm4b:s31+s3], $0x50, $0x38;
	[tilespmem:$0x16900] =	vst v63  }
0x3b: {  	_ =	swait.ge [sflag:s12], $0x50  }
0x3c: {  	[sflag:s12] =	ssyncset.done $0x0  }
0x3d: {  	[sflag:s12] =	ssyncadd.s32 $0xFFFFFFB0  }
0x3e: {  	[tilespmem:s15], [sflag:$0x1] =	stream.indirect.gather [hbm4b:s4+s14], $0x80, s3, s14, $0xb8;
	[tilespmem:$0x16900] =	vst v63  }
0x3f: {  	_ =	swait.ge [sflag:s16], $0x2800  }
0x40: {  	[sflag:s16] =	ssyncset.done $0x0  }
0x41: {  	[sflag:s16] =	ssyncadd.s32 $0xFFFFD800  }
0x42: {  	[spmem:s2] =	stream.indirect.scatter.add.f32 [tilespmem:s15], [sflag:$0x2], $0x80, s13, s14, $0xb8;
	[tilespmem:$0x16900] =	vst v63  }
0x43: {  	_ =	swait.ge [sflag:s12], $0x2800  }
0x44: {  	s17 =	sadd.s32 $0x1, s17;
	[sflag:s12] =	ssyncset.done $0x0  }
0x45: {  	p0 =	sne.s32 s17, s8;
	[sflag:s12] =	ssyncadd.s32 $0xFFFFD800  }
.Ltmp1:
0x46: {  	[bflag:$0x0] =	sbarrier.arrive $0xFFFF;
	(pc) =	sbr.rel @p0 .LBB2_1-.Ltmp1, $4  }
0x47: {  	[hbm:s7], [sflag:s6] =	dma.local [spmem:s11], $0x2800  }
0x48: {  	_ =	swait.ge [sflag:s12], $0x2800  }
0x49: {  	[sflag:s12] =	ssyncset.done $0x0  }
0x4a: {  	[sflag:s12] =	ssyncadd.s32 $0xFFFFD800  }
0x4b: {  	_ =	sfence.sel $0x180000  }
0x4c: {  	[bflag:$0x0] =	sbarrier.arrive $0xFFFF  }
0x4d: {  	p0 =	sne.s32 s0, $0x0;
	_ =	strace $0x90000050  }
0x4e: {  	s0 =	sadd.s32 @!p0 $0x100000, s1;
	[bflag:$0x2] =	sbarrier.arrive $0xFFFF  }
0x4f: {  	[sflag:s0] =	ssyncadd.tile.s32 @!p0 $0x1;
	_ =	shalt  }
.Lfunc_end2:
_tile_overlayer_lowered:
.L_overlay_start_2:
0x50: {  	(tag) =	ssettag $0x2  }
0x51: {  	s0 =	rddreg [dreg:$0x0];
	s2 =	stileid.u32  }
0x52: {  	s1 =	rddreg [dreg:$0x1];
	p0 =	sne.s32 s2, $0x0  }
0x53: {  	s3 =	rddreg [dreg:$0x2];
	[bflag:$0x3] =	sbarrier.arrive $0xFFFF;
	s2 =	simm.s32 @!p0 $0x1C02  }
0x54: {  	[timem:s3], [sflag:s2] =	dma.local @!p0 [hbm:s0], s1  }
0x55: {  	s0 =	simm.s32 @!p0 $0x2  }
0x56: {  	_ =	swait.ge @!p0 [sflag:s0], s1  }
0x57: {  	s1 =	ssub.s32 @!p0 $0x0, s1;
	[sflag:s0] =	ssyncset.done @!p0 $0x0  }
0x58: {  	[sflag:s0] =	ssyncadd.s32 @!p0 s1  }
0x59: {  	[bflag:$0x3] =	sbarrier.arrive $0xFFFF  }
0x5a: {  	_ =	shalt  }

// kernel: kernel.26.cloned.1.call-start
scs
__scs_entry_jumppad:
0x0: {  	(pc) =	sbr.rel $0x88, $3  }
0x1: {  	(tag) =	ssettag $0x0;
	lr =	simm.s32 $0x1  }
0x2: {  	[smem:$0x3F89] =	sst lr;
	_ =	strace $0xD0000000  }
0x3: {  	_ = 	snop  }
0x4: {  	_ = 	snop  }
0x5: {  	_ = 	snop  }
0x6: {  	_ = 	snop  }
0x7: {  	_ = 	snop  }
__scs_overlays_trampoline_lowered:
0x8: {  	[smem:$0x3F98] =	sst s0  }
0x9: {  	[smem:$0x3F99] =	sst s1  }
0xa: {  	[smem:$0x3F9A] =	sst s2  }
0xb: {  	[smem:$0x3F9B] =	sst s3  }
0xc: {  	[smem:$0x3F9C] =	sst s4  }
0xd: {  	[smem:$0x3F9D] =	sst s5  }
0xe: {  	[smem:$0x3F9E] =	sst s6  }
0xf: {  	[smem:$0x3F9F] =	sst s7  }
0x10: {  	[smem:$0x3FA0] =	sst s8  }
0x11: {  	[smem:$0x3FA1] =	sst s9;
	s0 =	simm.s32 @!p0 $0x0  }
0x12: {  	s1 =	sld [smem:$0x3F87];
	s0 =	simm.s32 @p0 $0x1  }
0x13: {  	[smem:$0x3FA2] =	sst s0;
	s0 =	simm.s32 @!p1 $0x0  }
0x14: {  	s2 =	sld [smem:$0x3F86];
	s0 =	simm.s32 @p1 $0x1  }
0x15: {  	[smem:$0x3FA3] =	sst s0;
	s0 =	simm.s32 @!p2 $0x0  }
0x16: {  	s3 =	sld [smem:$0x3FDB];
	s0 =	simm.s32 @p2 $0x1  }
0x17: {  	s4 =	simm.s32 $0x1BF5;
	[smem:$0x3FA5] =	sst s0  }
0x18: {  	s0 =	sld [smem:$0x3F88];
	_ =	swait.ge [sflag:s4], $0x0  }
0x19: {  	s7 =	sld [smem:$0x3F89]  }
0x1a: {  	s8 =	sadd.s32 $0xFFFFE003, lr  }
0x1b: {  	s9 =	sadd.s32 $0xFFFFFEF7, lr;
	s5 =	simm.s32 $0xFFFFFFFF;
	p2 =	slt.u32 s8, $0xFFFFF086  }
0x1c: {  	p1 =	slt.u32 s9, $0xF7A;
	s5 =	simm.s32 @!p2 $0x0  }
0x1d: {  	s5 =	simm.s32 @p1 $0x1;
	p0 =	seq.s32 s7, s2  }
0x1e: {  	s7 =	smul.u32 @!p0 $0xF7A, s2;
	p2 =	seq.s32 @!p0 s5, $0x0  }
0x1f: {  	s9 =	smul.u32 $0xF7A, s1;
	s8 =	simm.s32 @!p0 $0x1BF5;
	p2 =	por !p2, p0  }
0x20: {  	[sflag:s8] =	ssyncset.s32 @!p0 $0xFFFFF086;
	s6 =	sadd.s32 @!p0 s3, s7;
	s7 =	simm.s32 @!p0 $0x108  }
0x21: {  	s3 =	sadd.s32 s3, s9;
	s6 =	sadd.s32 @!p0 $0x88, s6;
	s7 =	simm.s32 @p2 $0x1082  }
0x22: {  	[simem:s7], [sflag:s8] =	dma.local @!p0 [hbm:s6], $0xF7A  }
0x23: {  	s9 =	sor.u32 $0xD0000000, s2;
	s6 =	simm.s32 $0x108;
	_ =	swait.ge @!p0 [sflag:s8], $0x0  }
0x24: {  	s3 =	sadd.s32 $0x88, s3;
	s6 =	simm.s32 @!p1 $0x1082;
	[sflag:s4] =	ssyncset.s32 $0xFFFFF086  }
0x25: {  	[simem:s6], [sflag:s4] =	dma.local [hbm:s3], $0xF7A  }
0x26: {  	[smem:$0x3F89] =	sst s1;
	(tag) =	ssettag s2;
	_ =	strace s9  }
0x27: {  	s1 =	sld [smem:$0x3F99]  }
0x28: {  	s2 =	sld [smem:$0x3F9A]  }
0x29: {  	s4 =	sld [smem:$0x3F9C]  }
0x2a: {  	p0 =	seq.s32 s5, $0x0;
	s5 =	sld [smem:$0x3F9D]  }
0x2b: {  	s6 =	sld [smem:$0x3F9E]  }
0x2c: {  	s7 =	sld [smem:$0x3F9F]  }
0x2d: {  	s3 =	simm.s32 $0x108;
	s8 =	sld [smem:$0x3FA0]  }
0x2e: {  	s3 =	simm.s32 @!p0 $0x1082;
	s9 =	sld [smem:$0x3FA1]  }
0x2f: {  	lr =	sadd.s32 s0, s3;
	s0 =	sld [smem:$0x3F98]  }
0x30: {  	s3 =	sld [smem:$0x3F9B]  }
0x31: {  	[smem:$0x3FA4] =	sst s10  }
0x32: {  	s10 =	sld [smem:$0x3FA2];
	_ =	sdelay $0x3  }
0x33: {  	p0 =	seq.s32 s10, $0x1;
	s10 =	sld [smem:$0x3FA4];
	_ =	sdelay $0x3  }
0x34: {  	[smem:$0x3FA4] =	sst s10  }
0x35: {  	s10 =	sld [smem:$0x3FA3];
	_ =	sdelay $0x3  }
0x36: {  	p1 =	seq.s32 s10, $0x1;
	s10 =	sld [smem:$0x3FA4];
	_ =	sdelay $0x3  }
0x37: {  	[smem:$0x3FA4] =	sst s10  }
0x38: {  	s10 =	sld [smem:$0x3FA5]  }
0x39: {  	_ = 	snop;
	(pc) =	sbr.ind lr, $3  }
0x3a: {  	_ = 	snop  }
0x3b: {  	_ = 	snop  }
0x3c: {  	p2 =	seq.s32 s10, $0x1;
	s10 =	sld [smem:$0x3FA4]  }
0x3d: {  	_ =	shalt  }
0x3e: {  	_ =	shalt  }
0x3f: {  	_ =	shalt  }
0x40: {  	_ =	shalt  }
0x41: {  	_ =	shalt  }
0x42: {  	_ =	shalt  }
0x43: {  	_ =	shalt  }
0x44: {  	_ =	shalt  }
0x45: {  	_ =	shalt  }
0x46: {  	_ =	shalt  }
0x47: {  	_ =	shalt  }
0x48: {  	_ =	shalt  }
0x49: {  	_ =	shalt  }
0x4a: {  	_ =	shalt  }
0x4b: {  	_ =	shalt  }
0x4c: {  	_ =	shalt  }
0x4d: {  	_ =	shalt  }
0x4e: {  	_ =	shalt  }
0x4f: {  	_ =	shalt  }
0x50: {  	_ =	shalt  }
0x51: {  	_ =	shalt  }
0x52: {  	_ =	shalt  }
0x53: {  	_ =	shalt  }
0x54: {  	_ =	shalt  }
0x55: {  	_ =	shalt  }
0x56: {  	_ =	shalt  }
0x57: {  	_ =	shalt  }
0x58: {  	_ =	shalt  }
0x59: {  	_ =	shalt  }
0x5a: {  	_ =	shalt  }
0x5b: {  	_ =	shalt  }
0x5c: {  	_ =	shalt  }
0x5d: {  	_ =	shalt  }
0x5e: {  	_ =	shalt  }
0x5f: {  	_ =	shalt  }
0x60: {  	_ =	shalt  }
0x61: {  	_ =	shalt  }
0x62: {  	_ =	shalt  }
0x63: {  	_ =	shalt  }
0x64: {  	_ =	shalt  }
0x65: {  	_ =	shalt  }
0x66: {  	_ =	shalt  }
0x67: {  	_ =	shalt  }
0x68: {  	_ =	shalt  }
0x69: {  	_ =	shalt  }
0x6a: {  	_ =	shalt  }
0x6b: {  	_ =	shalt  }
0x6c: {  	_ =	shalt  }
0x6d: {  	_ =	shalt  }
0x6e: {  	_ =	shalt  }
0x6f: {  	_ =	shalt  }
0x70: {  	_ =	shalt  }
0x71: {  	_ =	shalt  }
0x72: {  	_ =	shalt  }
0x73: {  	_ =	shalt  }
0x74: {  	_ =	shalt  }
0x75: {  	_ =	shalt  }
0x76: {  	_ =	shalt  }
0x77: {  	_ =	shalt  }
0x78: {  	_ =	shalt  }
0x79: {  	_ =	shalt  }
0x7a: {  	_ =	shalt  }
0x7b: {  	_ =	shalt  }
0x7c: {  	_ =	shalt  }
0x7d: {  	_ =	shalt  }
0x7e: {  	_ =	shalt  }
0x7f: {  	_ =	shalt  }
0x80: {  	_ =	shalt  }
0x81: {  	_ =	shalt  }
0x82: {  	_ =	shalt  }
0x83: {  	_ =	shalt  }
0x84: {  	_ =	shalt  }
0x85: {  	_ =	shalt  }
0x86: {  	_ =	shalt  }
0x87: {  	_ =	shalt  }
.Lfunc_end0:
.L_simem_size_0:
called_computation.4_lowered:
.L_overlay_start_0:
0x88: {  	s2 =	sld [smem:$0x3FD9]  }
0x89: {  	s3 =	sld [smem:$0x3FFE];
	_ =	sdelay $0x1  }
0x8a: {  	s1 =	srdreg.scid  }
0x8b: {  	s0 =	sand.u32 $0x1, s1  }
0x8c: {  	s14 =	sshll.u32 s0, $0xA;
	s2 =	sadd.s32 s3, s2  }
0x8d: {  	s2 =	sadd.s32 s2, s14  }
0x8e: {  	[smem:$0x3FB0] =	sst s2  }
0x8f: {  	_ = 	snop  }
0x90: {  	s2 =	sld [smem:$0x3FD0];
	_ =	sdelay $0x2  }
0x91: {  	s15 =	simm.s32 $0xA;
	s4 =	simm.s32 $0x10  }
0x92: {  	[smem:s4], [sflag:s15] =	dma.local [hbm:s2], $0x1  }
0x93: {  	_ =	swait.eq [sflag:s15], $0x1  }
0x94: {  	[sflag:s15] =	ssyncset.done $0x0  }
0x95: {  	[sflag:s15] =	ssyncadd.s32 $0xFFFFFFFF  }
0x96: {  	s16 =	sld [smem:$0x13];
	(tm) =	ssettm $0x1  }
0x97: {  	s17 =	sld [smem:$0x3FFB];
	_ =	sdelay $0x3  }
0x98: {  	_ =	strace s17  }
0x99: {  	s3 =	sld [smem:$0x3FFC];
	_ =	sdelay $0x3  }
0x9a: {  	_ =	strace s3  }
0x9b: {  	s3 =	sld [smem:$0x3FFD];
	_ =	sdelay $0x3  }
0x9c: {  	_ =	strace s3  }
0x9d: {  	_ =	strace $0x8FFFFFFF  }
0x9e: {  	s18 =	sld [smem:$0x3FDB];
	_ =	sdelay $0x1  }
0x9f: {  	s19 =	simm.s32 $_scs_section_size  }
0xa0: {  	s5 =	simm.s32 $_size__tile_overlayer_lowered;
	s6 =	simm.s32 $_tile_overlayer_lowered  }
0xa1: {  	s22 =	simm.s32 $0x1BFF;
	s21 =	sshll.u32 s6, $0x1;
	s3 =	sadd.s32 s19, s18  }
0xa2: {  	s7 =	simm.s32 $0x0;
	s20 =	sshll.u32 s5, $0x1;
	s5 =	sadd.s32 s21, s3  }
0xa3: {  	[timem:s7], [sflag:s22] =	dma.local [hbm:s5], s20  }
0xa4: {  	_ =	swait.ge [sflag:s22], s20  }
0xa5: {  	s4 =	ssub.s32 $0x0, s20;
	[sflag:s22] =	ssyncset.done $0x0  }
0xa6: {  	[sflag:s22] =	ssyncadd.s32 s4;
	_ =	sdelay $0x1  }
0xa7: {  	s23 =	simm.s32 $0x1B8B  }
0xa8: {  	_ =	swait.ge [sflag:s23], $0x1  }
0xa9: {  	[sflag:s23] =	ssyncset.done $0x0  }
0xaa: {  	s25 =	simm.s32 $0x1B8E;
	s24 =	sld [smem:$0x3FFE];
	[sflag:s23] =	ssyncadd.s32 $0xFFFFFFFF  }
0xab: {  	s26 =	simm.s32 $execute0_lowered;
	[smem:$0x3FD2] =	sst s25  }
0xac: {  	s5 =	sshll.u32 s26, $0x1;
	_ =	strace $0x80000052;
	[dreg:$0x1] =	wrdreg $0xFFFFFFFF  }
0xad: {  	s28 =	simm.s32 $_size_execute0_lowered;
	s3 =	sadd.s32 s3, s5;
	[dreg:$0x0] =	wrdreg $0x0  }
0xae: {  	s5 =	sshll.u32 s28, $0x1;
	[dreg:$0x2] =	wrdreg s3  }
0xaf: {  	[dreg:$0x3] =	wrdreg s5  }
0xb0: {  	[dreg:$0x4] =	wrdreg $0xC0  }
0xb1: {  	_ =	task [dreg:s7], $0x5FFFF  }
0xb2: {  	[dreg:$0x1] =	wrdreg $0xFFFFFFFF  }
0xb3: {  	[dreg:$0x0] =	wrdreg $0x60  }
0xb4: {  	[dreg:$0x2] =	wrdreg s24  }
0xb5: {  	[dreg:$0x3] =	wrdreg s16  }
0xb6: {  	[dreg:$0x4] =	wrdreg $0x29000  }
0xb7: {  	[dreg:$0x5] =	wrdreg $0x9  }
0xb8: {  	_ =	task.clear_ibuf [dreg:s7], $0x6FFFF;
	_ =	strace $0x90000052  }
0xb9: {  	s29 =	simm.s32 $0x9;
	_ =	strace $0x80000054  }
0xba: {  	_ =	swait.ge [sflag:s29], $0x1  }
0xbb: {  	[sflag:s29] =	ssyncadd.s32 $0xFFFFFFFF  }
0xbc: {  	_ =	strace $0x90000054  }
0xbd: {  	_ =	sfence  }
0xbe: {  	s30 =	sld [smem:$0x0];
	_ =	sdelay $0x2  }
0xbf: {  	s31 =	sshll.u32 s1, $0xD;
	s1 =	sshrl.u32 s1, $0x2  }
0xc0: {  	s3 =	sand.u32 $0x4000, s31;
	s1 =	sadd.s32 s1, s30  }
0xc1: {  	s0 =	sor.u32 s3, s0;
	s1 =	sshll.u32 s1, $0x11  }
0xc2: {  	s0 =	sor.u32 s1, s0  }
0xc3: {  	s0 =	sadd.s32 $0x8F2B, s0  }
0xc4: {  	[sflag:s0] =	ssyncadd.remote.s32 $0x1  }
0xc5: {  	_ =	sfence.sel $0xFFFF  }
0xc6: {  	[dreg:$0x0] =	wrdreg $0xFFFFFFFF;
	(pc) =	sbr.abs _section_cstart, $3  }
0xc7: {  	[dreg:$0x1] =	wrdreg $0xFFFFFFFF  }
0xc8: {  	_ =	task.clear_ibuf [dreg:s7], $0x2FFFF;
	_ =	strace $0x9FFFFFFF  }
0xc9: {  	(tm) =	ssettm $0x7FFFFFFF  }
tec
execute0_lowered:
.L_overlay_start_1:
0x0: {  	(tag) =	ssettag $0x1  }
0x1: {  	s5 =	rddreg [dreg:$0x0];
	s1 =	srdreg.scid  }
0x2: {  	s0 =	stileid.u32;
	s9 =	rddreg [dreg:$0x1]  }
0x3: {  	s2 =	rddreg [dreg:$0x2];
	s3 =	simm.s32 $0x0;
	s4 =	smul.u32 $0x4E20, s0  }
0x4: {  	s15 =	simm.s32 $0x100;
	s16 =	simm.s32 $0x1;
	s28 =	smul.u32 $0x14000, s0  }
0x5: {  	s6 =	sand.u32 $0x1, s1;
	s1 =	rddreg [dreg:$0x3];
	s29 =	smul.u32 $0x50000, s0  }
0x6: {  	s17 =	simm.s32 $0x0;
	[smem:$0x7FF] =	sst s3;
	s7 =	smul.u32 $0x2710, s6  }
0x7: {  	s31 =	sshll.u32 s0, $0x6;
	s8 =	smul.u32 $0x140000, s6;
	s6 =	ssub.s32 $0x2, s6  }
0x8: {  	_ =	strace $0x80000053;
	s12 =	sshrl.u32 s28, $0x3;
	s13 =	sshrl.u32 s6, $0x1  }
0x9: {  	s30 =	sshrl.u32 s29, $0x2;
	s4 =	sadd.s32 s7, s4;
	s7 =	sadd.s32 s28, s8  }
0xa: {  	s12 =	sadd.s32 s12, s5;
	s13 =	ssub.s32 s6, s13;
	s14 =	sadd.s32 s30, s2  }
0xb: {  	s6 =	sor.u32 $0x1C02, s31;
	s10 =	sshrl.u32 s4, $0x3;
	s4 =	sadd.s32 $0xF800, s5  }
0xc: {  	s7 =	sshrl.u32 s7, $0x3;
	s8 =	smax.u32 s13, $0x1;
	s13 =	simm.s32 $0x80  }
0xd: {  	s11 =	sadd.s32 s10, s5;
	s7 =	sadd.s32 s7, s5;
	s5 =	sadd.s32 $0x37800, s12  }
0xe: {  	s9 =	sadd.s32 s10, s9;
	s12 =	simm.s32 $0x2;
	s7 =	sadd.s32 $0x5F800, s7  }
0xf: {  	s10 =	sadd.s32 $0x5A00, s11;
	s11 =	sshrl.u32 s14, $0x3;
	s14 =	simm.s32 $0x50  }
.LBB2_1:
0x10: {  	[spmem:s11], [sflag:s6] =	dma.local [hbm:s5], $0x2800  }
0x11: {  	_ =	swait.ge [sflag:s12], $0x2800  }
0x12: {  	[sflag:s12] =	ssyncset.done $0x0  }
0x13: {  	[sflag:s12] =	ssyncadd.s32 $0xFFFFD800  }
0x14: {  	s18 =	sadd.s32 $0x0, s10;
	[bflag:$0x0] =	sbarrier.arrive $0xFFFF  }
0x15: {  	[tilespmem:s3], [sflag:$0x2] =	stream.linear.gather [hbm4b:s18+s3], $0x50, $0x38;
	[tilespmem:$0x16900] =	vst v63  }
0x16: {  	_ =	swait.ge [sflag:s12], $0x50  }
0x17: {  	[sflag:s12] =	ssyncset.done $0x0  }
0x18: {  	s31 =	sadd.s32 $0x0, s9;
	[sflag:s12] =	ssyncadd.s32 $0xFFFFFFB0  }
0x19: {  	[tilespmem:s13], [sflag:$0x2] =	stream.linear.gather [hbm4b:s31+s3], $0x50, $0x38;
	[tilespmem:$0x16900] =	vst v63  }
0x1a: {  	_ =	swait.ge [sflag:s12], $0x50  }
0x1b: {  	[sflag:s12] =	ssyncset.done $0x0  }
0x1c: {  	[sflag:s12] =	ssyncadd.s32 $0xFFFFFFB0  }
0x1d: {  	[tilespmem:s15], [sflag:$0x1] =	stream.indirect.gather [hbm4b:s4+s14], $0x80, s3, s14, $0xb8;
	[tilespmem:$0x16900] =	vst v63  }
0x1e: {  	_ =	swait.ge [sflag:s16], $0x2800  }
0x1f: {  	[sflag:s16] =	ssyncset.done $0x0  }
0x20: {  	[sflag:s16] =	ssyncadd.s32 $0xFFFFD800  }
0x21: {  	[spmem:s2] =	stream.indirect.scatter.add.f32 [tilespmem:s15], [sflag:$0x2], $0x80, s13, s14, $0xb8;
	[tilespmem:$0x16900] =	vst v63  }
0x22: {  	_ =	swait.ge [sflag:s12], $0x2800  }
0x23: {  	s19 =	simm.s32 $0x14;
	s18 =	simm.s32 $0xA;
	[sflag:s12] =	ssyncset.done $0x0  }
.LBB2_2:
0x24: {  	s20 =	sadd.s32 s18, s10  }
0x25: {  	[sflag:s12] =	ssyncadd.s32 $0xFFFFD800;
	s21 =	smov.u32 s19;
	s22 =	sadd.s32 $0xA, s19  }
0x26: {  	[tilespmem:s3], [sflag:$0x2] =	stream.linear.gather [hbm4b:s20+s3], $0x50, $0x38;
	[tilespmem:$0x16900] =	vst v63  }
0x27: {  	p0 =	sne.s32 s19, $0x4D8;
	_ =	swait.ge [sflag:s12], $0x50  }
0x28: {  	[sflag:s12] =	ssyncset.done $0x0  }
0x29: {  	s19 =	sadd.s32 s18, s9;
	s18 =	smov.u32 s21;
	[sflag:s12] =	ssyncadd.s32 $0xFFFFFFB0  }
0x2a: {  	[tilespmem:s13], [sflag:$0x2] =	stream.linear.gather [hbm4b:s19+s3], $0x50, $0x38;
	[tilespmem:$0x16900] =	vst v63  }
0x2b: {  	_ =	swait.ge [sflag:s12], $0x50  }
0x2c: {  	[sflag:s12] =	ssyncset.done $0x0  }
0x2d: {  	[sflag:s12] =	ssyncadd.s32 $0xFFFFFFB0  }
0x2e: {  	[tilespmem:s15], [sflag:$0x1] =	stream.indirect.gather [hbm4b:s4+s14], $0x80, s3, s14, $0xb8;
	[tilespmem:$0x16900] =	vst v63  }
0x2f: {  	_ =	swait.ge [sflag:s16], $0x2800  }
.Ltmp0:
0x30: {  	[sflag:s16] =	ssyncset.done $0x0;
	(pc) =	sbr.rel @p0 .LBB2_2-.Ltmp0, $4  }
0x31: {  	[sflag:s16] =	ssyncadd.s32 $0xFFFFD800  }
0x32: {  	[spmem:s2] =	stream.indirect.scatter.add.f32 [tilespmem:s15], [sflag:$0x2], $0x80, s13, s14, $0xb8;
	[tilespmem:$0x16900] =	vst v63  }
0x33: {  	_ =	swait.ge [sflag:s12], $0x2800  }
0x34: {  	s19 =	smov.u32 s22;
	[sflag:s12] =	ssyncset.done $0x0  }
0x35: {  	s19 =	sadd.s32 s18, s10;
	[sflag:s12] =	ssyncadd.s32 $0xFFFFD800  }
0x36: {  	[tilespmem:s3], [sflag:$0x2] =	stream.linear.gather [hbm4b:s19+s3], $0x50, $0x38;
	[tilespmem:$0x16900] =	vst v63  }
0x37: {  	_ =	swait.ge [sflag:s12], $0x50  }
0x38: {  	[sflag:s12] =	ssyncset.done $0x0  }
0x39: {  	s31 =	sadd.s32 s18, s9;
	[sflag:s12] =	ssyncadd.s32 $0xFFFFFFB0  }
0x3a: {  	[tilespmem:s13], [sflag:$0x2] =	stream.linear.gather [hbm4b:s31+s3], $0x50, $0x38;
	[tilespmem:$0x16900] =	vst v63  }
0x3b: {  	_ =	swait.ge [sflag:s12], $0x50  }
0x3c: {  	[sflag:s12] =	ssyncset.done $0x0  }
0x3d: {  	[sflag:s12] =	ssyncadd.s32 $0xFFFFFFB0  }
0x3e: {  	[tilespmem:s15], [sflag:$0x1] =	stream.indirect.gather [hbm4b:s4+s14], $0x80, s3, s14, $0xb8;
	[tilespmem:$0x16900] =	vst v63  }
0x3f: {  	_ =	swait.ge [sflag:s16], $0x2800  }
0x40: {  	[sflag:s16] =	ssyncset.done $0x0  }
0x41: {  	[sflag:s16] =	ssyncadd.s32 $0xFFFFD800  }
0x42: {  	[spmem:s2] =	stream.indirect.scatter.add.f32 [tilespmem:s15], [sflag:$0x2], $0x80, s13, s14, $0xb8;
	[tilespmem:$0x16900] =	vst v63  }
0x43: {  	_ =	swait.ge [sflag:s12], $0x2800  }
0x44: {  	s17 =	sadd.s32 $0x1, s17;
	[sflag:s12] =	ssyncset.done $0x0  }
0x45: {  	p0 =	sne.s32 s17, s8;
	[sflag:s12] =	ssyncadd.s32 $0xFFFFD800  }
.Ltmp1:
0x46: {  	[bflag:$0x0] =	sbarrier.arrive $0xFFFF;
	(pc) =	sbr.rel @p0 .LBB2_1-.Ltmp1, $4  }
0x47: {  	[hbm:s7], [sflag:s6] =	dma.local [spmem:s11], $0x2800  }
0x48: {  	_ =	swait.ge [sflag:s12], $0x2800  }
0x49: {  	[sflag:s12] =	ssyncset.done $0x0  }
0x4a: {  	[sflag:s12] =	ssyncadd.s32 $0xFFFFD800  }
0x4b: {  	_ =	sfence.sel $0x180000  }
0x4c: {  	[bflag:$0x0] =	sbarrier.arrive $0xFFFF  }
0x4d: {  	p0 =	sne.s32 s0, $0x0;
	_ =	strace $0x90000053  }
0x4e: {  	s0 =	sadd.s32 @!p0 $0x100000, s1;
	[bflag:$0x2] =	sbarrier.arrive $0xFFFF  }
0x4f: {  	[sflag:s0] =	ssyncadd.tile.s32 @!p0 $0x1;
	_ =	shalt  }
.Lfunc_end2:
_tile_overlayer_lowered:
.L_overlay_start_2:
0x50: {  	(tag) =	ssettag $0x2  }
0x51: {  	s0 =	rddreg [dreg:$0x0];
	s2 =	stileid.u32  }
0x52: {  	s1 =	rddreg [dreg:$0x1];
	p0 =	sne.s32 s2, $0x0  }
0x53: {  	s3 =	rddreg [dreg:$0x2];
	[bflag:$0x3] =	sbarrier.arrive $0xFFFF;
	s2 =	simm.s32 @!p0 $0x1C02  }
0x54: {  	[timem:s3], [sflag:s2] =	dma.local @!p0 [hbm:s0], s1  }
0x55: {  	s0 =	simm.s32 @!p0 $0x2  }
0x56: {  	_ =	swait.ge @!p0 [sflag:s0], s1  }
0x57: {  	s1 =	ssub.s32 @!p0 $0x0, s1;
	[sflag:s0] =	ssyncset.done @!p0 $0x0  }
0x58: {  	[sflag:s0] =	ssyncadd.s32 @!p0 s1  }
0x59: {  	[bflag:$0x3] =	sbarrier.arrive $0xFFFF  }
0x5a: {  	_ =	shalt  }

// kernel: kernel.29.cloned.1.call-start
scs
__scs_entry_jumppad:
0x0: {  	(pc) =	sbr.rel $0x88, $3  }
0x1: {  	(tag) =	ssettag $0x0;
	lr =	simm.s32 $0x1  }
0x2: {  	[smem:$0x3F89] =	sst lr;
	_ =	strace $0xD0000000  }
0x3: {  	_ = 	snop  }
0x4: {  	_ = 	snop  }
0x5: {  	_ = 	snop  }
0x6: {  	_ = 	snop  }
0x7: {  	_ = 	snop  }
__scs_overlays_trampoline_lowered:
0x8: {  	[smem:$0x3F98] =	sst s0  }
0x9: {  	[smem:$0x3F99] =	sst s1  }
0xa: {  	[smem:$0x3F9A] =	sst s2  }
0xb: {  	[smem:$0x3F9B] =	sst s3  }
0xc: {  	[smem:$0x3F9C] =	sst s4  }
0xd: {  	[smem:$0x3F9D] =	sst s5  }
0xe: {  	[smem:$0x3F9E] =	sst s6  }
0xf: {  	[smem:$0x3F9F] =	sst s7  }
0x10: {  	[smem:$0x3FA0] =	sst s8  }
0x11: {  	[smem:$0x3FA1] =	sst s9;
	s0 =	simm.s32 @!p0 $0x0  }
0x12: {  	s1 =	sld [smem:$0x3F87];
	s0 =	simm.s32 @p0 $0x1  }
0x13: {  	[smem:$0x3FA2] =	sst s0;
	s0 =	simm.s32 @!p1 $0x0  }
0x14: {  	s2 =	sld [smem:$0x3F86];
	s0 =	simm.s32 @p1 $0x1  }
0x15: {  	[smem:$0x3FA3] =	sst s0;
	s0 =	simm.s32 @!p2 $0x0  }
0x16: {  	s3 =	sld [smem:$0x3FDB];
	s0 =	simm.s32 @p2 $0x1  }
0x17: {  	s4 =	simm.s32 $0x1BF5;
	[smem:$0x3FA5] =	sst s0  }
0x18: {  	s0 =	sld [smem:$0x3F88];
	_ =	swait.ge [sflag:s4], $0x0  }
0x19: {  	s7 =	sld [smem:$0x3F89]  }
0x1a: {  	s8 =	sadd.s32 $0xFFFFE003, lr  }
0x1b: {  	s9 =	sadd.s32 $0xFFFFFEF7, lr;
	s5 =	simm.s32 $0xFFFFFFFF;
	p2 =	slt.u32 s8, $0xFFFFF086  }
0x1c: {  	p1 =	slt.u32 s9, $0xF7A;
	s5 =	simm.s32 @!p2 $0x0  }
0x1d: {  	s5 =	simm.s32 @p1 $0x1;
	p0 =	seq.s32 s7, s2  }
0x1e: {  	s7 =	smul.u32 @!p0 $0xF7A, s2;
	p2 =	seq.s32 @!p0 s5, $0x0  }
0x1f: {  	s9 =	smul.u32 $0xF7A, s1;
	s8 =	simm.s32 @!p0 $0x1BF5;
	p2 =	por !p2, p0  }
0x20: {  	[sflag:s8] =	ssyncset.s32 @!p0 $0xFFFFF086;
	s6 =	sadd.s32 @!p0 s3, s7;
	s7 =	simm.s32 @!p0 $0x108  }
0x21: {  	s3 =	sadd.s32 s3, s9;
	s6 =	sadd.s32 @!p0 $0x88, s6;
	s7 =	simm.s32 @p2 $0x1082  }
0x22: {  	[simem:s7], [sflag:s8] =	dma.local @!p0 [hbm:s6], $0xF7A  }
0x23: {  	s9 =	sor.u32 $0xD0000000, s2;
	s6 =	simm.s32 $0x108;
	_ =	swait.ge @!p0 [sflag:s8], $0x0  }
0x24: {  	s3 =	sadd.s32 $0x88, s3;
	s6 =	simm.s32 @!p1 $0x1082;
	[sflag:s4] =	ssyncset.s32 $0xFFFFF086  }
0x25: {  	[simem:s6], [sflag:s4] =	dma.local [hbm:s3], $0xF7A  }
0x26: {  	[smem:$0x3F89] =	sst s1;
	(tag) =	ssettag s2;
	_ =	strace s9  }
0x27: {  	s1 =	sld [smem:$0x3F99]  }
0x28: {  	s2 =	sld [smem:$0x3F9A]  }
0x29: {  	s4 =	sld [smem:$0x3F9C]  }
0x2a: {  	p0 =	seq.s32 s5, $0x0;
	s5 =	sld [smem:$0x3F9D]  }
0x2b: {  	s6 =	sld [smem:$0x3F9E]  }
0x2c: {  	s7 =	sld [smem:$0x3F9F]  }
0x2d: {  	s3 =	simm.s32 $0x108;
	s8 =	sld [smem:$0x3FA0]  }
0x2e: {  	s3 =	simm.s32 @!p0 $0x1082;
	s9 =	sld [smem:$0x3FA1]  }
0x2f: {  	lr =	sadd.s32 s0, s3;
	s0 =	sld [smem:$0x3F98]  }
0x30: {  	s3 =	sld [smem:$0x3F9B]  }
0x31: {  	[smem:$0x3FA4] =	sst s10  }
0x32: {  	s10 =	sld [smem:$0x3FA2];
	_ =	sdelay $0x3  }
0x33: {  	p0 =	seq.s32 s10, $0x1;
	s10 =	sld [smem:$0x3FA4];
	_ =	sdelay $0x3  }
0x34: {  	[smem:$0x3FA4] =	sst s10  }
0x35: {  	s10 =	sld [smem:$0x3FA3];
	_ =	sdelay $0x3  }
0x36: {  	p1 =	seq.s32 s10, $0x1;
	s10 =	sld [smem:$0x3FA4];
	_ =	sdelay $0x3  }
0x37: {  	[smem:$0x3FA4] =	sst s10  }
0x38: {  	s10 =	sld [smem:$0x3FA5]  }
0x39: {  	_ = 	snop;
	(pc) =	sbr.ind lr, $3  }
0x3a: {  	_ = 	snop  }
0x3b: {  	_ = 	snop  }
0x3c: {  	p2 =	seq.s32 s10, $0x1;
	s10 =	sld [smem:$0x3FA4]  }
0x3d: {  	_ =	shalt  }
0x3e: {  	_ =	shalt  }
0x3f: {  	_ =	shalt  }
0x40: {  	_ =	shalt  }
0x41: {  	_ =	shalt  }
0x42: {  	_ =	shalt  }
0x43: {  	_ =	shalt  }
0x44: {  	_ =	shalt  }
0x45: {  	_ =	shalt  }
0x46: {  	_ =	shalt  }
0x47: {  	_ =	shalt  }
0x48: {  	_ =	shalt  }
0x49: {  	_ =	shalt  }
0x4a: {  	_ =	shalt  }
0x4b: {  	_ =	shalt  }
0x4c: {  	_ =	shalt  }
0x4d: {  	_ =	shalt  }
0x4e: {  	_ =	shalt  }
0x4f: {  	_ =	shalt  }
0x50: {  	_ =	shalt  }
0x51: {  	_ =	shalt  }
0x52: {  	_ =	shalt  }
0x53: {  	_ =	shalt  }
0x54: {  	_ =	shalt  }
0x55: {  	_ =	shalt  }
0x56: {  	_ =	shalt  }
0x57: {  	_ =	shalt  }
0x58: {  	_ =	shalt  }
0x59: {  	_ =	shalt  }
0x5a: {  	_ =	shalt  }
0x5b: {  	_ =	shalt  }
0x5c: {  	_ =	shalt  }
0x5d: {  	_ =	shalt  }
0x5e: {  	_ =	shalt  }
0x5f: {  	_ =	shalt  }
0x60: {  	_ =	shalt  }
0x61: {  	_ =	shalt  }
0x62: {  	_ =	shalt  }
0x63: {  	_ =	shalt  }
0x64: {  	_ =	shalt  }
0x65: {  	_ =	shalt  }
0x66: {  	_ =	shalt  }
0x67: {  	_ =	shalt  }
0x68: {  	_ =	shalt  }
0x69: {  	_ =	shalt  }
0x6a: {  	_ =	shalt  }
0x6b: {  	_ =	shalt  }
0x6c: {  	_ =	shalt  }
0x6d: {  	_ =	shalt  }
0x6e: {  	_ =	shalt  }
0x6f: {  	_ =	shalt  }
0x70: {  	_ =	shalt  }
0x71: {  	_ =	shalt  }
0x72: {  	_ =	shalt  }
0x73: {  	_ =	shalt  }
0x74: {  	_ =	shalt  }
0x75: {  	_ =	shalt  }
0x76: {  	_ =	shalt  }
0x77: {  	_ =	shalt  }
0x78: {  	_ =	shalt  }
0x79: {  	_ =	shalt  }
0x7a: {  	_ =	shalt  }
0x7b: {  	_ =	shalt  }
0x7c: {  	_ =	shalt  }
0x7d: {  	_ =	shalt  }
0x7e: {  	_ =	shalt  }
0x7f: {  	_ =	shalt  }
0x80: {  	_ =	shalt  }
0x81: {  	_ =	shalt  }
0x82: {  	_ =	shalt  }
0x83: {  	_ =	shalt  }
0x84: {  	_ =	shalt  }
0x85: {  	_ =	shalt  }
0x86: {  	_ =	shalt  }
0x87: {  	_ =	shalt  }
.Lfunc_end0:
.L_simem_size_0:
called_computation.5_lowered:
.L_overlay_start_0:
0x88: {  	s2 =	sld [smem:$0x3FD9]  }
0x89: {  	s3 =	sld [smem:$0x3FFE];
	_ =	sdelay $0x1  }
0x8a: {  	s1 =	srdreg.scid  }
0x8b: {  	s0 =	sand.u32 $0x1, s1  }
0x8c: {  	s14 =	sshll.u32 s0, $0xA;
	s2 =	sadd.s32 s3, s2  }
0x8d: {  	s2 =	sadd.s32 s2, s14  }
0x8e: {  	[smem:$0x3FB0] =	sst s2  }
0x8f: {  	_ = 	snop  }
0x90: {  	s2 =	sld [smem:$0x3FD0];
	_ =	sdelay $0x2  }
0x91: {  	s15 =	simm.s32 $0xA;
	s4 =	simm.s32 $0x10  }
0x92: {  	[smem:s4], [sflag:s15] =	dma.local [hbm:s2], $0x1  }
0x93: {  	_ =	swait.eq [sflag:s15], $0x1  }
0x94: {  	[sflag:s15] =	ssyncset.done $0x0  }
0x95: {  	[sflag:s15] =	ssyncadd.s32 $0xFFFFFFFF  }
0x96: {  	s16 =	sld [smem:$0x13];
	(tm) =	ssettm $0x1  }
0x97: {  	s17 =	sld [smem:$0x3FFB];
	_ =	sdelay $0x3  }
0x98: {  	_ =	strace s17  }
0x99: {  	s3 =	sld [smem:$0x3FFC];
	_ =	sdelay $0x3  }
0x9a: {  	_ =	strace s3  }
0x9b: {  	s3 =	sld [smem:$0x3FFD];
	_ =	sdelay $0x3  }
0x9c: {  	_ =	strace s3  }
0x9d: {  	_ =	strace $0x8FFFFFFF  }
0x9e: {  	s18 =	sld [smem:$0x3FDB];
	_ =	sdelay $0x1  }
0x9f: {  	s19 =	simm.s32 $_scs_section_size  }
0xa0: {  	s5 =	simm.s32 $_size__tile_overlayer_lowered;
	s6 =	simm.s32 $_tile_overlayer_lowered  }
0xa1: {  	s22 =	simm.s32 $0x1BFF;
	s21 =	sshll.u32 s6, $0x1;
	s3 =	sadd.s32 s19, s18  }
0xa2: {  	s7 =	simm.s32 $0x0;
	s20 =	sshll.u32 s5, $0x1;
	s5 =	sadd.s32 s21, s3  }
0xa3: {  	[timem:s7], [sflag:s22] =	dma.local [hbm:s5], s20  }
0xa4: {  	_ =	swait.ge [sflag:s22], s20  }
0xa5: {  	s4 =	ssub.s32 $0x0, s20;
	[sflag:s22] =	ssyncset.done $0x0  }
0xa6: {  	[sflag:s22] =	ssyncadd.s32 s4;
	_ =	sdelay $0x1  }
0xa7: {  	s23 =	simm.s32 $0x1B8B  }
0xa8: {  	_ =	swait.ge [sflag:s23], $0x1  }
0xa9: {  	[sflag:s23] =	ssyncset.done $0x0  }
0xaa: {  	s25 =	simm.s32 $0x1B8E;
	s24 =	sld [smem:$0x3FFE];
	[sflag:s23] =	ssyncadd.s32 $0xFFFFFFFF  }
0xab: {  	s26 =	simm.s32 $execute0_lowered;
	[smem:$0x3FD2] =	sst s25  }
0xac: {  	s5 =	sshll.u32 s26, $0x1;
	_ =	strace $0x80000055;
	[dreg:$0x1] =	wrdreg $0xFFFFFFFF  }
0xad: {  	s28 =	simm.s32 $_size_execute0_lowered;
	s3 =	sadd.s32 s3, s5;
	[dreg:$0x0] =	wrdreg $0x0  }
0xae: {  	s5 =	sshll.u32 s28, $0x1;
	[dreg:$0x2] =	wrdreg s3  }
0xaf: {  	[dreg:$0x3] =	wrdreg s5  }
0xb0: {  	[dreg:$0x4] =	wrdreg $0xC0  }
0xb1: {  	_ =	task [dreg:s7], $0x5FFFF  }
0xb2: {  	[dreg:$0x1] =	wrdreg $0xFFFFFFFF  }
0xb3: {  	[dreg:$0x0] =	wrdreg $0x60  }
0xb4: {  	[dreg:$0x2] =	wrdreg s24  }
0xb5: {  	[dreg:$0x3] =	wrdreg s16  }
0xb6: {  	[dreg:$0x4] =	wrdreg $0x29000  }
0xb7: {  	[dreg:$0x5] =	wrdreg $0x9  }
0xb8: {  	_ =	task.clear_ibuf [dreg:s7], $0x6FFFF;
	_ =	strace $0x90000055  }
0xb9: {  	s29 =	simm.s32 $0x9;
	_ =	strace $0x80000057  }
0xba: {  	_ =	swait.ge [sflag:s29], $0x1  }
0xbb: {  	[sflag:s29] =	ssyncadd.s32 $0xFFFFFFFF  }
0xbc: {  	_ =	strace $0x90000057  }
0xbd: {  	_ =	sfence  }
0xbe: {  	s30 =	sld [smem:$0x0];
	_ =	sdelay $0x2  }
0xbf: {  	s31 =	sshll.u32 s1, $0xD;
	s1 =	sshrl.u32 s1, $0x2  }
0xc0: {  	s3 =	sand.u32 $0x4000, s31;
	s1 =	sadd.s32 s1, s30  }
0xc1: {  	s0 =	sor.u32 s3, s0;
	s1 =	sshll.u32 s1, $0x11  }
0xc2: {  	s0 =	sor.u32 s1, s0  }
0xc3: {  	s0 =	sadd.s32 $0x8F2B, s0  }
0xc4: {  	[sflag:s0] =	ssyncadd.remote.s32 $0x1  }
0xc5: {  	_ =	sfence.sel $0xFFFF  }
0xc6: {  	[dreg:$0x0] =	wrdreg $0xFFFFFFFF;
	(pc) =	sbr.abs _section_cstart, $3  }
0xc7: {  	[dreg:$0x1] =	wrdreg $0xFFFFFFFF  }
0xc8: {  	_ =	task.clear_ibuf [dreg:s7], $0x2FFFF;
	_ =	strace $0x9FFFFFFF  }
0xc9: {  	(tm) =	ssettm $0x7FFFFFFF  }
tec
execute0_lowered:
.L_overlay_start_1:
0x0: {  	(tag) =	ssettag $0x1  }
0x1: {  	s5 =	rddreg [dreg:$0x0];
	s1 =	srdreg.scid  }
0x2: {  	s0 =	stileid.u32;
	s9 =	rddreg [dreg:$0x1]  }
0x3: {  	s2 =	rddreg [dreg:$0x2];
	s3 =	simm.s32 $0x0;
	s4 =	smul.u32 $0x4E20, s0  }
0x4: {  	s15 =	simm.s32 $0x100;
	s16 =	simm.s32 $0x1;
	s28 =	smul.u32 $0x14000, s0  }
0x5: {  	s6 =	sand.u32 $0x1, s1;
	s1 =	rddreg [dreg:$0x3];
	s29 =	smul.u32 $0x50000, s0  }
0x6: {  	s17 =	simm.s32 $0x0;
	[smem:$0x7FF] =	sst s3;
	s7 =	smul.u32 $0x2710, s6  }
0x7: {  	s31 =	sshll.u32 s0, $0x6;
	s8 =	smul.u32 $0x140000, s6;
	s6 =	ssub.s32 $0x2, s6  }
0x8: {  	_ =	strace $0x80000056;
	s12 =	sshrl.u32 s28, $0x3;
	s13 =	sshrl.u32 s6, $0x1  }
0x9: {  	s30 =	sshrl.u32 s29, $0x2;
	s4 =	sadd.s32 s7, s4;
	s7 =	sadd.s32 s28, s8  }
0xa: {  	s12 =	sadd.s32 s12, s5;
	s13 =	ssub.s32 s6, s13;
	s14 =	sadd.s32 s30, s2  }
0xb: {  	s6 =	sor.u32 $0x1C02, s31;
	s10 =	sshrl.u32 s4, $0x3;
	s4 =	sadd.s32 $0xF800, s5  }
0xc: {  	s7 =	sshrl.u32 s7, $0x3;
	s8 =	smax.u32 s13, $0x1;
	s13 =	simm.s32 $0x80  }
0xd: {  	s11 =	sadd.s32 s10, s5;
	s7 =	sadd.s32 s7, s5;
	s5 =	sadd.s32 $0x37800, s12  }
0xe: {  	s9 =	sadd.s32 s10, s9;
	s12 =	simm.s32 $0x2;
	s7 =	sadd.s32 $0x5F800, s7  }
0xf: {  	s10 =	sadd.s32 $0x5A00, s11;
	s11 =	sshrl.u32 s14, $0x3;
	s14 =	simm.s32 $0x50  }
.LBB2_1:
0x10: {  	[spmem:s11], [sflag:s6] =	dma.local [hbm:s5], $0x2800  }
0x11: {  	_ =	swait.ge [sflag:s12], $0x2800  }
0x12: {  	[sflag:s12] =	ssyncset.done $0x0  }
0x13: {  	[sflag:s12] =	ssyncadd.s32 $0xFFFFD800  }
0x14: {  	s18 =	sadd.s32 $0x0, s10;
	[bflag:$0x0] =	sbarrier.arrive $0xFFFF  }
0x15: {  	[tilespmem:s3], [sflag:$0x2] =	stream.linear.gather [hbm4b:s18+s3], $0x50, $0x38;
	[tilespmem:$0x16900] =	vst v63  }
0x16: {  	_ =	swait.ge [sflag:s12], $0x50  }
0x17: {  	[sflag:s12] =	ssyncset.done $0x0  }
0x18: {  	s31 =	sadd.s32 $0x0, s9;
	[sflag:s12] =	ssyncadd.s32 $0xFFFFFFB0  }
0x19: {  	[tilespmem:s13], [sflag:$0x2] =	stream.linear.gather [hbm4b:s31+s3], $0x50, $0x38;
	[tilespmem:$0x16900] =	vst v63  }
0x1a: {  	_ =	swait.ge [sflag:s12], $0x50  }
0x1b: {  	[sflag:s12] =	ssyncset.done $0x0  }
0x1c: {  	[sflag:s12] =	ssyncadd.s32 $0xFFFFFFB0  }
0x1d: {  	[tilespmem:s15], [sflag:$0x1] =	stream.indirect.gather [hbm4b:s4+s14], $0x80, s3, s14, $0xb8;
	[tilespmem:$0x16900] =	vst v63  }
0x1e: {  	_ =	swait.ge [sflag:s16], $0x2800  }
0x1f: {  	[sflag:s16] =	ssyncset.done $0x0  }
0x20: {  	[sflag:s16] =	ssyncadd.s32 $0xFFFFD800  }
0x21: {  	[spmem:s2] =	stream.indirect.scatter.add.f32 [tilespmem:s15], [sflag:$0x2], $0x80, s13, s14, $0xb8;
	[tilespmem:$0x16900] =	vst v63  }
0x22: {  	_ =	swait.ge [sflag:s12], $0x2800  }
0x23: {  	s19 =	simm.s32 $0x14;
	s18 =	simm.s32 $0xA;
	[sflag:s12] =	ssyncset.done $0x0  }
.LBB2_2:
0x24: {  	s20 =	sadd.s32 s18, s10  }
0x25: {  	[sflag:s12] =	ssyncadd.s32 $0xFFFFD800;
	s21 =	smov.u32 s19;
	s22 =	sadd.s32 $0xA, s19  }
0x26: {  	[tilespmem:s3], [sflag:$0x2] =	stream.linear.gather [hbm4b:s20+s3], $0x50, $0x38;
	[tilespmem:$0x16900] =	vst v63  }
0x27: {  	p0 =	sne.s32 s19, $0x4D8;
	_ =	swait.ge [sflag:s12], $0x50  }
0x28: {  	[sflag:s12] =	ssyncset.done $0x0  }
0x29: {  	s19 =	sadd.s32 s18, s9;
	s18 =	smov.u32 s21;
	[sflag:s12] =	ssyncadd.s32 $0xFFFFFFB0  }
0x2a: {  	[tilespmem:s13], [sflag:$0x2] =	stream.linear.gather [hbm4b:s19+s3], $0x50, $0x38;
	[tilespmem:$0x16900] =	vst v63  }
0x2b: {  	_ =	swait.ge [sflag:s12], $0x50  }
0x2c: {  	[sflag:s12] =	ssyncset.done $0x0  }
0x2d: {  	[sflag:s12] =	ssyncadd.s32 $0xFFFFFFB0  }
0x2e: {  	[tilespmem:s15], [sflag:$0x1] =	stream.indirect.gather [hbm4b:s4+s14], $0x80, s3, s14, $0xb8;
	[tilespmem:$0x16900] =	vst v63  }
0x2f: {  	_ =	swait.ge [sflag:s16], $0x2800  }
.Ltmp0:
0x30: {  	[sflag:s16] =	ssyncset.done $0x0;
	(pc) =	sbr.rel @p0 .LBB2_2-.Ltmp0, $4  }
0x31: {  	[sflag:s16] =	ssyncadd.s32 $0xFFFFD800  }
0x32: {  	[spmem:s2] =	stream.indirect.scatter.add.f32 [tilespmem:s15], [sflag:$0x2], $0x80, s13, s14, $0xb8;
	[tilespmem:$0x16900] =	vst v63  }
0x33: {  	_ =	swait.ge [sflag:s12], $0x2800  }
0x34: {  	s19 =	smov.u32 s22;
	[sflag:s12] =	ssyncset.done $0x0  }
0x35: {  	s19 =	sadd.s32 s18, s10;
	[sflag:s12] =	ssyncadd.s32 $0xFFFFD800  }
0x36: {  	[tilespmem:s3], [sflag:$0x2] =	stream.linear.gather [hbm4b:s19+s3], $0x50, $0x38;
	[tilespmem:$0x16900] =	vst v63  }
0x37: {  	_ =	swait.ge [sflag:s12], $0x50  }
0x38: {  	[sflag:s12] =	ssyncset.done $0x0  }
0x39: {  	s31 =	sadd.s32 s18, s9;
	[sflag:s12] =	ssyncadd.s32 $0xFFFFFFB0  }
0x3a: {  	[tilespmem:s13], [sflag:$0x2] =	stream.linear.gather [hbm4b:s31+s3], $0x50, $0x38;
	[tilespmem:$0x16900] =	vst v63  }
0x3b: {  	_ =	swait.ge [sflag:s12], $0x50  }
0x3c: {  	[sflag:s12] =	ssyncset.done $0x0  }
0x3d: {  	[sflag:s12] =	ssyncadd.s32 $0xFFFFFFB0  }
0x3e: {  	[tilespmem:s15], [sflag:$0x1] =	stream.indirect.gather [hbm4b:s4+s14], $0x80, s3, s14, $0xb8;
	[tilespmem:$0x16900] =	vst v63  }
0x3f: {  	_ =	swait.ge [sflag:s16], $0x2800  }
0x40: {  	[sflag:s16] =	ssyncset.done $0x0  }
0x41: {  	[sflag:s16] =	ssyncadd.s32 $0xFFFFD800  }
0x42: {  	[spmem:s2] =	stream.indirect.scatter.add.f32 [tilespmem:s15], [sflag:$0x2], $0x80, s13, s14, $0xb8;
	[tilespmem:$0x16900] =	vst v63  }
0x43: {  	_ =	swait.ge [sflag:s12], $0x2800  }
0x44: {  	s17 =	sadd.s32 $0x1, s17;
	[sflag:s12] =	ssyncset.done $0x0  }
0x45: {  	p0 =	sne.s32 s17, s8;
	[sflag:s12] =	ssyncadd.s32 $0xFFFFD800  }
.Ltmp1:
0x46: {  	[bflag:$0x0] =	sbarrier.arrive $0xFFFF;
	(pc) =	sbr.rel @p0 .LBB2_1-.Ltmp1, $4  }
0x47: {  	[hbm:s7], [sflag:s6] =	dma.local [spmem:s11], $0x2800  }
0x48: {  	_ =	swait.ge [sflag:s12], $0x2800  }
0x49: {  	[sflag:s12] =	ssyncset.done $0x0  }
0x4a: {  	[sflag:s12] =	ssyncadd.s32 $0xFFFFD800  }
0x4b: {  	_ =	sfence.sel $0x180000  }
0x4c: {  	[bflag:$0x0] =	sbarrier.arrive $0xFFFF  }
0x4d: {  	p0 =	sne.s32 s0, $0x0;
	_ =	strace $0x90000056  }
0x4e: {  	s0 =	sadd.s32 @!p0 $0x100000, s1;
	[bflag:$0x2] =	sbarrier.arrive $0xFFFF  }
0x4f: {  	[sflag:s0] =	ssyncadd.tile.s32 @!p0 $0x1;
	_ =	shalt  }
.Lfunc_end2:
_tile_overlayer_lowered:
.L_overlay_start_2:
0x50: {  	(tag) =	ssettag $0x2  }
0x51: {  	s0 =	rddreg [dreg:$0x0];
	s2 =	stileid.u32  }
0x52: {  	s1 =	rddreg [dreg:$0x1];
	p0 =	sne.s32 s2, $0x0  }
0x53: {  	s3 =	rddreg [dreg:$0x2];
	[bflag:$0x3] =	sbarrier.arrive $0xFFFF;
	s2 =	simm.s32 @!p0 $0x1C02  }
0x54: {  	[timem:s3], [sflag:s2] =	dma.local @!p0 [hbm:s0], s1  }
0x55: {  	s0 =	simm.s32 @!p0 $0x2  }
0x56: {  	_ =	swait.ge @!p0 [sflag:s0], s1  }
0x57: {  	s1 =	ssub.s32 @!p0 $0x0, s1;
	[sflag:s0] =	ssyncset.done @!p0 $0x0  }
0x58: {  	[sflag:s0] =	ssyncadd.s32 @!p0 s1  }
0x59: {  	[bflag:$0x3] =	sbarrier.arrive $0xFFFF  }
0x5a: {  	_ =	shalt  }

</sc_bundles>
